<compile_context>
chip_gen: v7x
topology: tpu7x:2x2x1
jax: 0.10.2.dev20260603
libtpu: 0.0.44.dev20260713+nightly
codegen_flags: <defaults>
</compile_context>

<pallas_src>
import functools

import jax
import jax.numpy as jnp
from jax import lax
from jax.experimental import pallas as pl
from jax.experimental.pallas import tpu as pltpu
from jax.experimental.pallas import tpu_sc as plsc

N = 10000
D = 128
G = 64
E = 320000
NC, NS = 2, 16
NW = NC * NS
CH = 128
K = 79
KAL = K
HK = 40
EPAD = NW * K * CH
NP = N + 112
RPS = NP // NS
DEGW = 16

_f32 = jnp.float32


def _sc_mesh():
    return plsc.VectorSubcoreMesh(core_axis_name="c", subcore_axis_name="s")


def _sc_degree(dst_idx, ones_rows, zrows):

    @functools.partial(
        pl.kernel,
        out_type=jax.ShapeDtypeStruct((NC, NP, D), _f32),
        mesh=_sc_mesh(),
        scratch_types=[
            pltpu.VMEM((KAL, CH), jnp.int32),
            pltpu.VMEM((CH, D), _f32),
            pltpu.VMEM_SHARED((NP, D), _f32),
        ],
    )
    def k(dst_hbm, ones_hbm, z_hbm, out_hbm, dst_v, ones_v, accd):
        c = lax.axis_index("c")
        s = lax.axis_index("s")
        w = c * NS + s
        pltpu.sync_copy(z_hbm.at[pl.ds(s * RPS, RPS)], accd.at[pl.ds(s * RPS, RPS)])
        pltpu.sync_copy(dst_hbm.at[w], dst_v)
        pltpu.sync_copy(ones_hbm, ones_v)
        plsc.subcore_barrier()

        def body(j, carry):
            pltpu.sync_copy(ones_v, accd.at[dst_v.at[j]], add=True)
            return carry

        lax.fori_loop(0, K, body, 0)
        plsc.subcore_barrier()
        pltpu.sync_copy(accd.at[pl.ds(s * RPS, RPS)],
                        out_hbm.at[c, pl.ds(s * RPS, RPS)])

    return k(dst_idx, ones_rows, zrows)


def _sc_scatter(y, src_idx, dst_idx, zrows):

    @functools.partial(
        pl.kernel,
        out_type=jax.ShapeDtypeStruct((NC, NP, D), _f32),
        mesh=_sc_mesh(),
        scratch_types=[
            pltpu.VMEM((HK, CH), jnp.int32),
            pltpu.VMEM((HK, CH), jnp.int32),
            pltpu.VMEM((CH, D), _f32),
            pltpu.VMEM((CH, D), _f32),
            pltpu.VMEM_SHARED((NP, D), _f32),
            pltpu.SemaphoreType.DMA,
            pltpu.SemaphoreType.DMA,
            pltpu.SemaphoreType.DMA,
            pltpu.SemaphoreType.DMA,
        ],
    )
    def k(y_hbm, src_hbm, dst_hbm, z_hbm, out_hbm,
          src_v, dst_v, rows0, rows1, acc, g0, g1, ss0, ss1):
        c = lax.axis_index("c")
        s = lax.axis_index("s")
        w = c * NS + s
        pltpu.sync_copy(z_hbm.at[pl.ds(s * RPS, RPS)], acc.at[pl.ds(s * RPS, RPS)])
        plsc.subcore_barrier()

        def fire_g(rows, sem, j):
            pltpu.async_copy(y_hbm.at[src_v.at[j]], rows, sem)

        def wait_g(rows, sem):
            pltpu.make_async_copy(y_hbm.at[src_v.at[0]], rows, sem).wait()

        def fire_s(rows, sem, j):
            pltpu.async_copy(rows, acc.at[dst_v.at[j]], sem, add=True)

        def wait_s(rows, sem, j):
            pltpu.make_async_copy(rows, acc.at[dst_v.at[j]], sem).wait()

        def run_phase(npairs):
            last = 2 * npairs - 1
            fire_g(rows0, g0, 0)
            fire_g(rows1, g1, 1)

            def body(t, carry):
                j = 2 * t
                wait_g(rows0, g0)
                fire_s(rows0, ss0, j)
                wait_g(rows1, g1)
                fire_s(rows1, ss1, j + 1)
                wait_s(rows0, ss0, j)
                fire_g(rows0, g0, jnp.minimum(j + 2, last))
                wait_s(rows1, ss1, j + 1)
                fire_g(rows1, g1, jnp.minimum(j + 3, last))
                return carry

            lax.fori_loop(0, npairs, body, 0)
            wait_g(rows0, g0)
            wait_g(rows1, g1)

        pltpu.sync_copy(src_hbm.at[w, pl.ds(0, HK)], src_v)
        pltpu.sync_copy(dst_hbm.at[w, pl.ds(0, HK)], dst_v)
        run_phase(HK // 2)
        pltpu.sync_copy(src_hbm.at[w, pl.ds(HK, K - HK)],
                        src_v.at[pl.ds(0, K - HK)])
        pltpu.sync_copy(dst_hbm.at[w, pl.ds(HK, K - HK)],
                        dst_v.at[pl.ds(0, K - HK)])
        run_phase((K - HK) // 2)
        pltpu.async_copy(y_hbm.at[src_v.at[K - HK - 1]], rows0, g0).wait()
        pltpu.sync_copy(rows0, acc.at[dst_v.at[K - HK - 1]], add=True)
        plsc.subcore_barrier()
        pltpu.sync_copy(acc.at[pl.ds(s * RPS, RPS)],
                        out_hbm.at[c, pl.ds(s * RPS, RPS)])

    return k(y, src_idx, dst_idx, zrows)


def _tc_stage1(degp, x, W1):

    def body(degp_ref, x_ref, w_ref, dinv_ref, y_ref):
        dp = degp_ref[...]
        deg = dp[0, :N, :1] + dp[1, :N, :1] + 1.0
        dinv = lax.rsqrt(deg)
        dinv_ref[...] = dinv
        xw = jnp.dot(x_ref[...], w_ref[...], preferred_element_type=_f32)
        y_ref[...] = xw * dinv

    return pl.pallas_call(
        body,
        out_shape=(jax.ShapeDtypeStruct((N, 1), _f32),
                   jax.ShapeDtypeStruct((N, D), _f32)),
    )(degp, x, W1)


def _bn_relu(accp_ref, y_ref, dinv_ref, b_ref, g_ref, be_ref):
    ap = accp_ref[...]
    acc = ap[0, :N, :] + ap[1, :N, :] + y_ref[...]
    r = jnp.maximum(acc * dinv_ref[...] + b_ref[...], 0.0)
    m = jnp.mean(r, axis=0, keepdims=True)
    v = jnp.mean(r * r, axis=0, keepdims=True) - m * m
    return (r - m) * lax.rsqrt(v + 1e-5) * g_ref[...] + be_ref[...]


def _tc_layer(accp, y, dinv, b, g, be, Wn):

    def body(accp_ref, y_ref, dinv_ref, b_ref, g_ref, be_ref, w_ref, yn_ref):
        h = _bn_relu(accp_ref, y_ref, dinv_ref, b_ref, g_ref, be_ref)
        yn_ref[...] = jnp.dot(h, w_ref[...], preferred_element_type=_f32) * dinv_ref[...]

    return pl.pallas_call(
        body,
        out_shape=jax.ShapeDtypeStruct((N, D), _f32),
    )(accp, y, dinv, b, g, be, Wn)


def _tc_final(accp, y, dinv, b, g, be, batch2d, lw1, lb1, lw2, lb2):

    def body(accp_ref, y_ref, dinv_ref, b_ref, g_ref, be_ref, bat_ref,
             lw1_ref, lb1_ref, lw2_ref, lb2_ref, out_ref, pooled_ref):
        h = _bn_relu(accp_ref, y_ref, dinv_ref, b_ref, g_ref, be_ref)
        bat = bat_ref[...]
        neg = _f32(-jnp.inf)

        def pool_one(gi, carry):
            row = jnp.max(jnp.where(bat == gi, h, neg), axis=0, keepdims=True)
            pooled_ref[pl.ds(gi, 1), :] = row
            return carry

        lax.fori_loop(0, G, pool_one, 0)
        pooled = pooled_ref[...]
        h2 = jnp.maximum(
            jnp.dot(pooled, lw1_ref[...], preferred_element_type=_f32) + lb1_ref[...],
            0.0)
        out_ref[...] = jnp.dot(h2, lw2_ref[...], preferred_element_type=_f32) + lb2_ref[...]

    return pl.pallas_call(
        body,
        out_shape=jax.ShapeDtypeStruct((G, 1), _f32),
        scratch_shapes=[pltpu.VMEM((G, D), _f32)],
    )(accp, y, dinv, b, g, be, batch2d, lw1, lb1, lw2, lb2)


def kernel(x, edge_attr, edge_index, batch,
           W1, b1, g1, be1, W2, b2, g2, be2, W3, b3, g3, be3,
           lw1, lb1, lw2, lb2):
    pad = EPAD - E
    pad_dst = N + (jnp.arange(pad, dtype=jnp.int32) % (NP - N))
    srcp = jnp.concatenate(
        [edge_index[0], jnp.zeros((pad,), jnp.int32)]).reshape(NW, K, CH)
    dstp = jnp.concatenate(
        [edge_index[1], pad_dst]).reshape(NW, K, CH)
    zrows = jnp.zeros((NP, D), _f32)
    batch2d = batch.reshape(N, 1)
    b1r, g1r, be1r = b1.reshape(1, D), g1.reshape(1, D), be1.reshape(1, D)
    b2r, g2r, be2r = b2.reshape(1, D), g2.reshape(1, D), be2.reshape(1, D)
    b3r, g3r, be3r = b3.reshape(1, D), g3.reshape(1, D), be3.reshape(1, D)
    lb1r = lb1.reshape(1, D // 2)
    lb2r = lb2.reshape(1, 1)

    degp = _sc_degree(dstp, jnp.ones((CH, D), _f32), zrows)
    dinv, y1 = _tc_stage1(degp, x, W1)
    acc1 = _sc_scatter(y1, srcp, dstp, zrows)
    y2 = _tc_layer(acc1, y1, dinv, b1r, g1r, be1r, W2)
    acc2 = _sc_scatter(y2, srcp, dstp, zrows)
    y3 = _tc_layer(acc2, y2, dinv, b2r, g2r, be2r, W3)
    acc3 = _sc_scatter(y3, srcp, dstp, zrows)
    return _tc_final(acc3, y3, dinv, b3r, g3r, be3r, batch2d,
                     lw1, lb1r, lw2, lb2r)

# --- scband reference (transcript-rebuilt; emitter-appended) ---
"""Pipeline reference for scband-protein-dnagnn-mini-22076131901586 (READ-ONLY COPY).

The authoritative reference and input builder live on the scoring server;
editing this copy changes nothing except your own understanding.
"""

import jax, jax.numpy as jnp
import numpy as np

N = 10000
E = 320000
D = 128
H = 128
G = 64


def setup_inputs(seed: int = 0) -> dict:
    key = jax.random.key(seed)
    ks = jax.random.split(key, 12)

    def p(i, shape, scale=0.05):
        return jax.random.normal(ks[i], shape, dtype=jnp.float32) * scale

    inp = {
        "x": jax.random.normal(ks[0], (N, D), dtype=jnp.float32),
        "edge_attr": jax.random.normal(ks[1], (E, 4), dtype=jnp.float32),
        "edge_index": jax.random.randint(ks[2], (2, E), 0, N, dtype=jnp.int32),
        "batch": jnp.sort(jax.random.randint(ks[3], (N,), 0, G, dtype=jnp.int32)),
        "W1": p(4, (D, H)), "b1": jnp.zeros((H,), jnp.float32),
        "g1": jnp.ones((H,), jnp.float32), "be1": jnp.zeros((H,), jnp.float32),
        "W2": p(5, (H, H)), "b2": jnp.zeros((H,), jnp.float32),
        "g2": jnp.ones((H,), jnp.float32), "be2": jnp.zeros((H,), jnp.float32),
        "W3": p(6, (H, H)), "b3": jnp.zeros((H,), jnp.float32),
        "g3": jnp.ones((H,), jnp.float32), "be3": jnp.zeros((H,), jnp.float32),
        "lw1": p(7, (H, H // 2)), "lb1": jnp.zeros((H // 2,), jnp.float32),
        "lw2": p(8, (H // 2, 1)), "lb2": jnp.zeros((1,), jnp.float32),
    }
    return inp


def _gcn(x, W, b, edge_index):
    # PyG GCNConv with normalize=True: add self-loops, symmetric D^-1/2 (A+I) D^-1/2
    n = x.shape[0]
    loop = jnp.arange(n, dtype=edge_index.dtype)
    src = jnp.concatenate([edge_index[0], loop])
    dst = jnp.concatenate([edge_index[1], loop])
    xw = x @ W
    deg = jax.ops.segment_sum(jnp.ones(src.shape[0], dtype=xw.dtype), dst, num_segments=n)
    dinv = jnp.where(deg > 0, jax.lax.rsqrt(deg), 0.0)
    norm = dinv[src] * dinv[dst]
    out = jax.ops.segment_sum(xw[src] * norm[:, None], dst, num_segments=n)
    return out + b


def _bn(x, g, b):
    m = jnp.mean(x, axis=0)
    v = jnp.var(x, axis=0)
    return (x - m) / jnp.sqrt(v + 1e-5) * g + b


def reference(x, edge_attr, edge_index, batch, W1, b1, g1, be1, W2, b2, g2, be2, W3, b3, g3, be3, lw1, lb1, lw2, lb2):
    # edge_attr is accepted but unused by ProteinDNAGNN_mini.forward
    h = _bn(jax.nn.relu(_gcn(x, W1, b1, edge_index)), g1, be1)
    h = _bn(jax.nn.relu(_gcn(h, W2, b2, edge_index)), g2, be2)
    h = _bn(jax.nn.relu(_gcn(h, W3, b3, edge_index)), g3, be3)
    pooled = jax.ops.segment_max(h, batch, num_segments=G)  # global max pool per graph
    h2 = jax.nn.relu(pooled @ lw1 + lb1)
    return h2 @ lw2 + lb2

if __name__ == "__main__":
    import jax
    _d = setup_inputs()
    print(jax.jit(kernel)(*tuple(_d.values())))

</pallas_src>

<mosaic_0001>
#map = affine_map<(d0, d1) -> (0, 0)>
#map1 = affine_map<(d0, d1) -> (0, 0, 0)>
module attributes {stable_mosaic.version = 14 : i64} {
  func.func @k(%arg0: i32, %arg1: i32, %arg2: memref<10000x128xf32, #tpu.memory_space<hbm>>, %arg3: memref<32x79x128xi32, #tpu.memory_space<hbm>>, %arg4: memref<32x79x128xi32, #tpu.memory_space<hbm>>, %arg5: memref<10112x128xf32, #tpu.memory_space<hbm>>, %arg6: memref<2x10112x128xf32, #tpu.memory_space<hbm>>, %arg7: memref<40x128xi32, #tpu.memory_space<vmem>>, %arg8: memref<40x128xi32, #tpu.memory_space<vmem>>, %arg9: memref<128x128xf32, #tpu.memory_space<vmem>>, %arg10: memref<128x128xf32, #tpu.memory_space<vmem>>, %arg11: memref<10112x128xf32, #tpu.memory_space<vmem_shared>>, %arg12: memref<!tpu.dma_semaphore, #tpu.memory_space<semaphore_mem>>, %arg13: memref<!tpu.dma_semaphore, #tpu.memory_space<semaphore_mem>>, %arg14: memref<!tpu.dma_semaphore, #tpu.memory_space<semaphore_mem>>, %arg15: memref<!tpu.dma_semaphore, #tpu.memory_space<semaphore_mem>>) attributes {dimension_semantics = [#tpu.dimension_semantics<core_parallel>, #tpu.dimension_semantics<subcore_parallel>], iteration_bounds = array<i64: 2, 16>, scalar_prefetch = 0 : i64, scratch_operands = 9 : i64, tpu.core_type = #tpu.core_type<sc_vector_subcore>, window_params = [{transform_indices = #map}, {transform_indices = #map1}, {transform_indices = #map1}, {transform_indices = #map}, {transform_indices = #map1}]} {
    %mul3A = arith.constant 16 : i32
    %mul3A_0 = arith.muli %arg0, %mul3A : i32
    %add3A = arith.addi %mul3A_0, %arg1 : i32
    %mul3A_1 = arith.constant 632 : i32
    %mul3A_2 = arith.muli %arg1, %mul3A_1 : i32
    %mul3A_3 = arith.constant 632 : i32
    %mul3A_4 = arith.muli %arg1, %mul3A_3 : i32
    "tpu.region"() ({
      %run_scoped3A_89 = tpu.sem_alloc : memref<!tpu.dma_semaphore, #tpu.memory_space<semaphore_mem>>
      %dma_start3A_90 = arith.constant 0 : i32
      %dma_start3A_91 = tpu.memref_slice %arg11[%mul3A_4, %dma_start3A_90] : memref<10112x128xf32, #tpu.memory_space<vmem_shared>> -> memref<632x128xf32, #tpu.memory_space<vmem_shared>>
      %dma_start3A_92 = arith.constant 0 : i32
      %dma_start3A_93 = tpu.memref_slice %arg5[%mul3A_2, %dma_start3A_92] : memref<10112x128xf32, #tpu.memory_space<hbm>> -> memref<632x128xf32, #tpu.memory_space<hbm>>
      tpu.enqueue_dma source(%dma_start3A_93 : memref<632x128xf32, #tpu.memory_space<hbm>>) target(%dma_start3A_91 : memref<632x128xf32, #tpu.memory_space<vmem_shared>>) target_semaphore(%run_scoped3A_89 : memref<!tpu.dma_semaphore, #tpu.memory_space<semaphore_mem>>)
      %dma_wait3A_94 = arith.constant 0 : i32
      %dma_wait3A_95 = tpu.memref_slice %arg11[%mul3A_4, %dma_wait3A_94] : memref<10112x128xf32, #tpu.memory_space<vmem_shared>> -> memref<632x128xf32, #tpu.memory_space<vmem_shared>>
      %dma_wait3A_96 = arith.constant 0 : i32
      %dma_wait3A_97 = tpu.memref_slice %arg5[%mul3A_2, %dma_wait3A_96] : memref<10112x128xf32, #tpu.memory_space<hbm>> -> memref<632x128xf32, #tpu.memory_space<hbm>>
      tpu.wait_dma2 semaphore(%run_scoped3A_89 : memref<!tpu.dma_semaphore, #tpu.memory_space<semaphore_mem>>) src(%dma_wait3A_97 : memref<632x128xf32, #tpu.memory_space<hbm>>) dst(%dma_wait3A_95 : memref<632x128xf32, #tpu.memory_space<vmem_shared>>)
      tpu.yield
    }) : () -> ()
    %barrier3A = arith.constant 0 : index
    tpu.barrier barrier_id(%barrier3A)
    "tpu.region"() ({
      %run_scoped3A_89 = tpu.sem_alloc : memref<!tpu.dma_semaphore, #tpu.memory_space<semaphore_mem>>
      %dma_start3A_90 = arith.constant 0 : i32
      %dma_start3A_91 = arith.constant 0 : i32
      %dma_start3A_92 = tpu.memref_slice %arg3[%add3A, %dma_start3A_90, %dma_start3A_91] : memref<32x79x128xi32, #tpu.memory_space<hbm>> -> memref<1x40x128xi32, #tpu.memory_space<hbm>>
      %dma_start3A_93 = tpu.memref_squeeze %dma_start3A_92 : memref<1x40x128xi32, #tpu.memory_space<hbm>> -> memref<40x128xi32, #tpu.memory_space<hbm>>
      %dma_start3A_94 = arith.constant 0 : i32
      %dma_start3A_95 = arith.constant 0 : i32
      %dma_start3A_96 = tpu.memref_slice %arg3[%add3A, %dma_start3A_94, %dma_start3A_95] : memref<32x79x128xi32, #tpu.memory_space<hbm>> -> memref<1x40x128xi32, #tpu.memory_space<hbm>>
      %dma_start3A_97 = tpu.memref_squeeze %dma_start3A_96 : memref<1x40x128xi32, #tpu.memory_space<hbm>> -> memref<40x128xi32, #tpu.memory_space<hbm>>
      tpu.enqueue_dma source(%dma_start3A_97 : memref<40x128xi32, #tpu.memory_space<hbm>>) target(%arg7 : memref<40x128xi32, #tpu.memory_space<vmem>>) target_semaphore(%run_scoped3A_89 : memref<!tpu.dma_semaphore, #tpu.memory_space<semaphore_mem>>)
      %dma_wait3A_98 = arith.constant 0 : i32
      %dma_wait3A_99 = arith.constant 0 : i32
      %dma_wait3A_100 = tpu.memref_slice %arg3[%add3A, %dma_wait3A_98, %dma_wait3A_99] : memref<32x79x128xi32, #tpu.memory_space<hbm>> -> memref<1x40x128xi32, #tpu.memory_space<hbm>>
      %dma_wait3A_101 = tpu.memref_squeeze %dma_wait3A_100 : memref<1x40x128xi32, #tpu.memory_space<hbm>> -> memref<40x128xi32, #tpu.memory_space<hbm>>
      %dma_wait3A_102 = arith.constant 0 : i32
      %dma_wait3A_103 = arith.constant 0 : i32
      %dma_wait3A_104 = tpu.memref_slice %arg3[%add3A, %dma_wait3A_102, %dma_wait3A_103] : memref<32x79x128xi32, #tpu.memory_space<hbm>> -> memref<1x40x128xi32, #tpu.memory_space<hbm>>
      %dma_wait3A_105 = tpu.memref_squeeze %dma_wait3A_104 : memref<1x40x128xi32, #tpu.memory_space<hbm>> -> memref<40x128xi32, #tpu.memory_space<hbm>>
      tpu.wait_dma2 semaphore(%run_scoped3A_89 : memref<!tpu.dma_semaphore, #tpu.memory_space<semaphore_mem>>) src(%dma_wait3A_105 : memref<40x128xi32, #tpu.memory_space<hbm>>) dst(%arg7 : memref<40x128xi32, #tpu.memory_space<vmem>>)
      tpu.yield
    }) : () -> ()
    "tpu.region"() ({
      %run_scoped3A_89 = tpu.sem_alloc : memref<!tpu.dma_semaphore, #tpu.memory_space<semaphore_mem>>
      %dma_start3A_90 = arith.constant 0 : i32
      %dma_start3A_91 = arith.constant 0 : i32
      %dma_start3A_92 = tpu.memref_slice %arg4[%add3A, %dma_start3A_90, %dma_start3A_91] : memref<32x79x128xi32, #tpu.memory_space<hbm>> -> memref<1x40x128xi32, #tpu.memory_space<hbm>>
      %dma_start3A_93 = tpu.memref_squeeze %dma_start3A_92 : memref<1x40x128xi32, #tpu.memory_space<hbm>> -> memref<40x128xi32, #tpu.memory_space<hbm>>
      %dma_start3A_94 = arith.constant 0 : i32
      %dma_start3A_95 = arith.constant 0 : i32
      %dma_start3A_96 = tpu.memref_slice %arg4[%add3A, %dma_start3A_94, %dma_start3A_95] : memref<32x79x128xi32, #tpu.memory_space<hbm>> -> memref<1x40x128xi32, #tpu.memory_space<hbm>>
      %dma_start3A_97 = tpu.memref_squeeze %dma_start3A_96 : memref<1x40x128xi32, #tpu.memory_space<hbm>> -> memref<40x128xi32, #tpu.memory_space<hbm>>
      tpu.enqueue_dma source(%dma_start3A_97 : memref<40x128xi32, #tpu.memory_space<hbm>>) target(%arg8 : memref<40x128xi32, #tpu.memory_space<vmem>>) target_semaphore(%run_scoped3A_89 : memref<!tpu.dma_semaphore, #tpu.memory_space<semaphore_mem>>)
      %dma_wait3A_98 = arith.constant 0 : i32
      %dma_wait3A_99 = arith.constant 0 : i32
      %dma_wait3A_100 = tpu.memref_slice %arg4[%add3A, %dma_wait3A_98, %dma_wait3A_99] : memref<32x79x128xi32, #tpu.memory_space<hbm>> -> memref<1x40x128xi32, #tpu.memory_space<hbm>>
      %dma_wait3A_101 = tpu.memref_squeeze %dma_wait3A_100 : memref<1x40x128xi32, #tpu.memory_space<hbm>> -> memref<40x128xi32, #tpu.memory_space<hbm>>
      %dma_wait3A_102 = arith.constant 0 : i32
      %dma_wait3A_103 = arith.constant 0 : i32
      %dma_wait3A_104 = tpu.memref_slice %arg4[%add3A, %dma_wait3A_102, %dma_wait3A_103] : memref<32x79x128xi32, #tpu.memory_space<hbm>> -> memref<1x40x128xi32, #tpu.memory_space<hbm>>
      %dma_wait3A_105 = tpu.memref_squeeze %dma_wait3A_104 : memref<1x40x128xi32, #tpu.memory_space<hbm>> -> memref<40x128xi32, #tpu.memory_space<hbm>>
      tpu.wait_dma2 semaphore(%run_scoped3A_89 : memref<!tpu.dma_semaphore, #tpu.memory_space<semaphore_mem>>) src(%dma_wait3A_105 : memref<40x128xi32, #tpu.memory_space<hbm>>) dst(%arg8 : memref<40x128xi32, #tpu.memory_space<vmem>>)
      tpu.yield
    }) : () -> ()
    %dma_start3A = arith.constant 0 : i32
    %dma_start3A_5 = arith.constant 0 : i32
    %dma_start3A_6 = tpu.memref_slice %arg7[%dma_start3A, %dma_start3A_5] : memref<40x128xi32, #tpu.memory_space<vmem>> -> memref<1x128xi32, #tpu.memory_space<vmem>>
    %dma_start3A_7 = tpu.memref_squeeze %dma_start3A_6 : memref<1x128xi32, #tpu.memory_space<vmem>> -> memref<128xi32, #tpu.memory_space<vmem>>
    %dma_start3A_8 = arith.constant 0 : i32
    %dma_start3A_9 = arith.constant 0 : i32
    %dma_start3A_10 = tpu.memref_slice %arg2[%dma_start3A_8, %dma_start3A_9] : memref<10000x128xf32, #tpu.memory_space<hbm>> -> memref<10000x128xf32, #tpu.memory_space<hbm>>
    tpu.enqueue_indirect_dma source(%dma_start3A_10 : memref<10000x128xf32, #tpu.memory_space<hbm>>) target(%arg9 : memref<128x128xf32, #tpu.memory_space<vmem>>) offsets(%dma_start3A_7 : memref<128xi32, #tpu.memory_space<vmem>>) semaphore(%arg12 : memref<!tpu.dma_semaphore, #tpu.memory_space<semaphore_mem>>)
    %dma_start3A_11 = arith.constant 1 : i32
    %dma_start3A_12 = arith.constant 0 : i32
    %dma_start3A_13 = tpu.memref_slice %arg7[%dma_start3A_11, %dma_start3A_12] : memref<40x128xi32, #tpu.memory_space<vmem>> -> memref<1x128xi32, #tpu.memory_space<vmem>>
    %dma_start3A_14 = tpu.memref_squeeze %dma_start3A_13 : memref<1x128xi32, #tpu.memory_space<vmem>> -> memref<128xi32, #tpu.memory_space<vmem>>
    %dma_start3A_15 = arith.constant 0 : i32
    %dma_start3A_16 = arith.constant 0 : i32
    %dma_start3A_17 = tpu.memref_slice %arg2[%dma_start3A_15, %dma_start3A_16] : memref<10000x128xf32, #tpu.memory_space<hbm>> -> memref<10000x128xf32, #tpu.memory_space<hbm>>
    tpu.enqueue_indirect_dma source(%dma_start3A_17 : memref<10000x128xf32, #tpu.memory_space<hbm>>) target(%arg10 : memref<128x128xf32, #tpu.memory_space<vmem>>) offsets(%dma_start3A_14 : memref<128xi32, #tpu.memory_space<vmem>>) semaphore(%arg13 : memref<!tpu.dma_semaphore, #tpu.memory_space<semaphore_mem>>)
    %scan3A = arith.constant 0 : i32
    %scan3A_18 = arith.constant 0 : i32
    %scan3A_19 = arith.constant 20 : i32
    %scan3A_20 = arith.addi %scan3A_18, %scan3A_19 : i32
    %scan3A_21 = arith.constant 1 : i32
    scf.for %scan3A_89 = %scan3A_18 to %scan3A_20 step %scan3A_21  : i32 {
      %mul3A_90 = arith.constant 2 : i32
      %mul3A_91 = arith.muli %mul3A_90, %scan3A_89 : i32
      %dma_wait3A_92 = arith.constant 0 : i32
      %dma_wait3A_93 = arith.constant 0 : i32
      %dma_wait3A_94 = tpu.memref_slice %arg7[%dma_wait3A_92, %dma_wait3A_93] : memref<40x128xi32, #tpu.memory_space<vmem>> -> memref<1x128xi32, #tpu.memory_space<vmem>>
      %dma_wait3A_95 = tpu.memref_squeeze %dma_wait3A_94 : memref<1x128xi32, #tpu.memory_space<vmem>> -> memref<128xi32, #tpu.memory_space<vmem>>
      %dma_wait3A_96 = arith.constant 0 : i32
      %dma_wait3A_97 = arith.constant 0 : i32
      %dma_wait3A_98 = tpu.memref_slice %arg2[%dma_wait3A_96, %dma_wait3A_97] : memref<10000x128xf32, #tpu.memory_space<hbm>> -> memref<10000x128xf32, #tpu.memory_space<hbm>>
      tpu.wait_indirect_dma semaphore(%arg12 : memref<!tpu.dma_semaphore, #tpu.memory_space<semaphore_mem>>) src(%dma_wait3A_98 : memref<10000x128xf32, #tpu.memory_space<hbm>>) dst(%arg9 : memref<128x128xf32, #tpu.memory_space<vmem>>)
      %dma_start3A_99 = arith.constant 0 : i32
      %dma_start3A_100 = tpu.memref_slice %arg8[%mul3A_91, %dma_start3A_99] : memref<40x128xi32, #tpu.memory_space<vmem>> -> memref<1x128xi32, #tpu.memory_space<vmem>>
      %dma_start3A_101 = tpu.memref_squeeze %dma_start3A_100 : memref<1x128xi32, #tpu.memory_space<vmem>> -> memref<128xi32, #tpu.memory_space<vmem>>
      %dma_start3A_102 = arith.constant 0 : i32
      %dma_start3A_103 = arith.constant 0 : i32
      %dma_start3A_104 = tpu.memref_slice %arg11[%dma_start3A_102, %dma_start3A_103] : memref<10112x128xf32, #tpu.memory_space<vmem_shared>> -> memref<10112x128xf32, #tpu.memory_space<vmem_shared>>
      tpu.enqueue_indirect_dma source(%arg9 : memref<128x128xf32, #tpu.memory_space<vmem>>) target(%dma_start3A_104 : memref<10112x128xf32, #tpu.memory_space<vmem_shared>>) offsets(%dma_start3A_101 : memref<128xi32, #tpu.memory_space<vmem>>) semaphore(%arg14 : memref<!tpu.dma_semaphore, #tpu.memory_space<semaphore_mem>>) {add = true}
      %dma_wait3A_105 = arith.constant 0 : i32
      %dma_wait3A_106 = arith.constant 0 : i32
      %dma_wait3A_107 = tpu.memref_slice %arg7[%dma_wait3A_105, %dma_wait3A_106] : memref<40x128xi32, #tpu.memory_space<vmem>> -> memref<1x128xi32, #tpu.memory_space<vmem>>
      %dma_wait3A_108 = tpu.memref_squeeze %dma_wait3A_107 : memref<1x128xi32, #tpu.memory_space<vmem>> -> memref<128xi32, #tpu.memory_space<vmem>>
      %dma_wait3A_109 = arith.constant 0 : i32
      %dma_wait3A_110 = arith.constant 0 : i32
      %dma_wait3A_111 = tpu.memref_slice %arg2[%dma_wait3A_109, %dma_wait3A_110] : memref<10000x128xf32, #tpu.memory_space<hbm>> -> memref<10000x128xf32, #tpu.memory_space<hbm>>
      tpu.wait_indirect_dma semaphore(%arg13 : memref<!tpu.dma_semaphore, #tpu.memory_space<semaphore_mem>>) src(%dma_wait3A_111 : memref<10000x128xf32, #tpu.memory_space<hbm>>) dst(%arg10 : memref<128x128xf32, #tpu.memory_space<vmem>>)
      %add3A_112 = arith.constant 1 : i32
      %add3A_113 = arith.addi %mul3A_91, %add3A_112 : i32
      %dma_start3A_114 = arith.constant 0 : i32
      %dma_start3A_115 = tpu.memref_slice %arg8[%add3A_113, %dma_start3A_114] : memref<40x128xi32, #tpu.memory_space<vmem>> -> memref<1x128xi32, #tpu.memory_space<vmem>>
      %dma_start3A_116 = tpu.memref_squeeze %dma_start3A_115 : memref<1x128xi32, #tpu.memory_space<vmem>> -> memref<128xi32, #tpu.memory_space<vmem>>
      %dma_start3A_117 = arith.constant 0 : i32
      %dma_start3A_118 = arith.constant 0 : i32
      %dma_start3A_119 = tpu.memref_slice %arg11[%dma_start3A_117, %dma_start3A_118] : memref<10112x128xf32, #tpu.memory_space<vmem_shared>> -> memref<10112x128xf32, #tpu.memory_space<vmem_shared>>
      tpu.enqueue_indirect_dma source(%arg10 : memref<128x128xf32, #tpu.memory_space<vmem>>) target(%dma_start3A_119 : memref<10112x128xf32, #tpu.memory_space<vmem_shared>>) offsets(%dma_start3A_116 : memref<128xi32, #tpu.memory_space<vmem>>) semaphore(%arg15 : memref<!tpu.dma_semaphore, #tpu.memory_space<semaphore_mem>>) {add = true}
      %dma_wait3A_120 = arith.constant 0 : i32
      %dma_wait3A_121 = tpu.memref_slice %arg8[%mul3A_91, %dma_wait3A_120] : memref<40x128xi32, #tpu.memory_space<vmem>> -> memref<1x128xi32, #tpu.memory_space<vmem>>
      %dma_wait3A_122 = tpu.memref_squeeze %dma_wait3A_121 : memref<1x128xi32, #tpu.memory_space<vmem>> -> memref<128xi32, #tpu.memory_space<vmem>>
      %dma_wait3A_123 = arith.constant 0 : i32
      %dma_wait3A_124 = arith.constant 0 : i32
      %dma_wait3A_125 = tpu.memref_slice %arg11[%dma_wait3A_123, %dma_wait3A_124] : memref<10112x128xf32, #tpu.memory_space<vmem_shared>> -> memref<10112x128xf32, #tpu.memory_space<vmem_shared>>
      tpu.wait_indirect_dma semaphore(%arg14 : memref<!tpu.dma_semaphore, #tpu.memory_space<semaphore_mem>>) src(%arg9 : memref<128x128xf32, #tpu.memory_space<vmem>>) dst(%dma_wait3A_125 : memref<10112x128xf32, #tpu.memory_space<vmem_shared>>)
      %add3A_126 = arith.constant 2 : i32
      %add3A_127 = arith.addi %mul3A_91, %add3A_126 : i32
      %min3A = arith.constant 39 : i32
      %min3A_128 = arith.minsi %add3A_127, %min3A : i32
      %dma_start3A_129 = arith.constant 0 : i32
      %dma_start3A_130 = tpu.memref_slice %arg7[%min3A_128, %dma_start3A_129] : memref<40x128xi32, #tpu.memory_space<vmem>> -> memref<1x128xi32, #tpu.memory_space<vmem>>
      %dma_start3A_131 = tpu.memref_squeeze %dma_start3A_130 : memref<1x128xi32, #tpu.memory_space<vmem>> -> memref<128xi32, #tpu.memory_space<vmem>>
      %dma_start3A_132 = arith.constant 0 : i32
      %dma_start3A_133 = arith.constant 0 : i32
      %dma_start3A_134 = tpu.memref_slice %arg2[%dma_start3A_132, %dma_start3A_133] : memref<10000x128xf32, #tpu.memory_space<hbm>> -> memref<10000x128xf32, #tpu.memory_space<hbm>>
      tpu.enqueue_indirect_dma source(%dma_start3A_134 : memref<10000x128xf32, #tpu.memory_space<hbm>>) target(%arg9 : memref<128x128xf32, #tpu.memory_space<vmem>>) offsets(%dma_start3A_131 : memref<128xi32, #tpu.memory_space<vmem>>) semaphore(%arg12 : memref<!tpu.dma_semaphore, #tpu.memory_space<semaphore_mem>>)
      %add3A_135 = arith.constant 1 : i32
      %add3A_136 = arith.addi %mul3A_91, %add3A_135 : i32
      %dma_wait3A_137 = arith.constant 0 : i32
      %dma_wait3A_138 = tpu.memref_slice %arg8[%add3A_136, %dma_wait3A_137] : memref<40x128xi32, #tpu.memory_space<vmem>> -> memref<1x128xi32, #tpu.memory_space<vmem>>
      %dma_wait3A_139 = tpu.memref_squeeze %dma_wait3A_138 : memref<1x128xi32, #tpu.memory_space<vmem>> -> memref<128xi32, #tpu.memory_space<vmem>>
      %dma_wait3A_140 = arith.constant 0 : i32
      %dma_wait3A_141 = arith.constant 0 : i32
      %dma_wait3A_142 = tpu.memref_slice %arg11[%dma_wait3A_140, %dma_wait3A_141] : memref<10112x128xf32, #tpu.memory_space<vmem_shared>> -> memref<10112x128xf32, #tpu.memory_space<vmem_shared>>
      tpu.wait_indirect_dma semaphore(%arg15 : memref<!tpu.dma_semaphore, #tpu.memory_space<semaphore_mem>>) src(%arg10 : memref<128x128xf32, #tpu.memory_space<vmem>>) dst(%dma_wait3A_142 : memref<10112x128xf32, #tpu.memory_space<vmem_shared>>)
      %add3A_143 = arith.constant 3 : i32
      %add3A_144 = arith.addi %mul3A_91, %add3A_143 : i32
      %min3A_145 = arith.constant 39 : i32
      %min3A_146 = arith.minsi %add3A_144, %min3A_145 : i32
      %dma_start3A_147 = arith.constant 0 : i32
      %dma_start3A_148 = tpu.memref_slice %arg7[%min3A_146, %dma_start3A_147] : memref<40x128xi32, #tpu.memory_space<vmem>> -> memref<1x128xi32, #tpu.memory_space<vmem>>
      %dma_start3A_149 = tpu.memref_squeeze %dma_start3A_148 : memref<1x128xi32, #tpu.memory_space<vmem>> -> memref<128xi32, #tpu.memory_space<vmem>>
      %dma_start3A_150 = arith.constant 0 : i32
      %dma_start3A_151 = arith.constant 0 : i32
      %dma_start3A_152 = tpu.memref_slice %arg2[%dma_start3A_150, %dma_start3A_151] : memref<10000x128xf32, #tpu.memory_space<hbm>> -> memref<10000x128xf32, #tpu.memory_space<hbm>>
      tpu.enqueue_indirect_dma source(%dma_start3A_152 : memref<10000x128xf32, #tpu.memory_space<hbm>>) target(%arg10 : memref<128x128xf32, #tpu.memory_space<vmem>>) offsets(%dma_start3A_149 : memref<128xi32, #tpu.memory_space<vmem>>) semaphore(%arg13 : memref<!tpu.dma_semaphore, #tpu.memory_space<semaphore_mem>>)
    }
    %scan3A_22 = arith.constant 20 : i32
    %dma_wait3A = arith.constant 0 : i32
    %dma_wait3A_23 = arith.constant 0 : i32
    %dma_wait3A_24 = tpu.memref_slice %arg7[%dma_wait3A, %dma_wait3A_23] : memref<40x128xi32, #tpu.memory_space<vmem>> -> memref<1x128xi32, #tpu.memory_space<vmem>>
    %dma_wait3A_25 = tpu.memref_squeeze %dma_wait3A_24 : memref<1x128xi32, #tpu.memory_space<vmem>> -> memref<128xi32, #tpu.memory_space<vmem>>
    %dma_wait3A_26 = arith.constant 0 : i32
    %dma_wait3A_27 = arith.constant 0 : i32
    %dma_wait3A_28 = tpu.memref_slice %arg2[%dma_wait3A_26, %dma_wait3A_27] : memref<10000x128xf32, #tpu.memory_space<hbm>> -> memref<10000x128xf32, #tpu.memory_space<hbm>>
    tpu.wait_indirect_dma semaphore(%arg12 : memref<!tpu.dma_semaphore, #tpu.memory_space<semaphore_mem>>) src(%dma_wait3A_28 : memref<10000x128xf32, #tpu.memory_space<hbm>>) dst(%arg9 : memref<128x128xf32, #tpu.memory_space<vmem>>)
    %dma_wait3A_29 = arith.constant 0 : i32
    %dma_wait3A_30 = arith.constant 0 : i32
    %dma_wait3A_31 = tpu.memref_slice %arg7[%dma_wait3A_29, %dma_wait3A_30] : memref<40x128xi32, #tpu.memory_space<vmem>> -> memref<1x128xi32, #tpu.memory_space<vmem>>
    %dma_wait3A_32 = tpu.memref_squeeze %dma_wait3A_31 : memref<1x128xi32, #tpu.memory_space<vmem>> -> memref<128xi32, #tpu.memory_space<vmem>>
    %dma_wait3A_33 = arith.constant 0 : i32
    %dma_wait3A_34 = arith.constant 0 : i32
    %dma_wait3A_35 = tpu.memref_slice %arg2[%dma_wait3A_33, %dma_wait3A_34] : memref<10000x128xf32, #tpu.memory_space<hbm>> -> memref<10000x128xf32, #tpu.memory_space<hbm>>
    tpu.wait_indirect_dma semaphore(%arg13 : memref<!tpu.dma_semaphore, #tpu.memory_space<semaphore_mem>>) src(%dma_wait3A_35 : memref<10000x128xf32, #tpu.memory_space<hbm>>) dst(%arg10 : memref<128x128xf32, #tpu.memory_space<vmem>>)
    "tpu.region"() ({
      %run_scoped3A_89 = tpu.sem_alloc : memref<!tpu.dma_semaphore, #tpu.memory_space<semaphore_mem>>
      %dma_start3A_90 = arith.constant 0 : i32
      %dma_start3A_91 = arith.constant 0 : i32
      %dma_start3A_92 = tpu.memref_slice %arg7[%dma_start3A_90, %dma_start3A_91] : memref<40x128xi32, #tpu.memory_space<vmem>> -> memref<39x128xi32, #tpu.memory_space<vmem>>
      %dma_start3A_93 = arith.constant 40 : i32
      %dma_start3A_94 = arith.constant 0 : i32
      %dma_start3A_95 = tpu.memref_slice %arg3[%add3A, %dma_start3A_93, %dma_start3A_94] : memref<32x79x128xi32, #tpu.memory_space<hbm>> -> memref<1x39x128xi32, #tpu.memory_space<hbm>>
      %dma_start3A_96 = tpu.memref_squeeze %dma_start3A_95 : memref<1x39x128xi32, #tpu.memory_space<hbm>> -> memref<39x128xi32, #tpu.memory_space<hbm>>
      %dma_start3A_97 = arith.constant 0 : i32
      %dma_start3A_98 = arith.constant 0 : i32
      %dma_start3A_99 = tpu.memref_slice %arg7[%dma_start3A_97, %dma_start3A_98] : memref<40x128xi32, #tpu.memory_space<vmem>> -> memref<39x128xi32, #tpu.memory_space<vmem>>
      %dma_start3A_100 = arith.constant 40 : i32
      %dma_start3A_101 = arith.constant 0 : i32
      %dma_start3A_102 = tpu.memref_slice %arg3[%add3A, %dma_start3A_100, %dma_start3A_101] : memref<32x79x128xi32, #tpu.memory_space<hbm>> -> memref<1x39x128xi32, #tpu.memory_space<hbm>>
      %dma_start3A_103 = tpu.memref_squeeze %dma_start3A_102 : memref<1x39x128xi32, #tpu.memory_space<hbm>> -> memref<39x128xi32, #tpu.memory_space<hbm>>
      tpu.enqueue_dma source(%dma_start3A_103 : memref<39x128xi32, #tpu.memory_space<hbm>>) target(%dma_start3A_99 : memref<39x128xi32, #tpu.memory_space<vmem>>) target_semaphore(%run_scoped3A_89 : memref<!tpu.dma_semaphore, #tpu.memory_space<semaphore_mem>>)
      %dma_wait3A_104 = arith.constant 0 : i32
      %dma_wait3A_105 = arith.constant 0 : i32
      %dma_wait3A_106 = tpu.memref_slice %arg7[%dma_wait3A_104, %dma_wait3A_105] : memref<40x128xi32, #tpu.memory_space<vmem>> -> memref<39x128xi32, #tpu.memory_space<vmem>>
      %dma_wait3A_107 = arith.constant 40 : i32
      %dma_wait3A_108 = arith.constant 0 : i32
      %dma_wait3A_109 = tpu.memref_slice %arg3[%add3A, %dma_wait3A_107, %dma_wait3A_108] : memref<32x79x128xi32, #tpu.memory_space<hbm>> -> memref<1x39x128xi32, #tpu.memory_space<hbm>>
      %dma_wait3A_110 = tpu.memref_squeeze %dma_wait3A_109 : memref<1x39x128xi32, #tpu.memory_space<hbm>> -> memref<39x128xi32, #tpu.memory_space<hbm>>
      %dma_wait3A_111 = arith.constant 0 : i32
      %dma_wait3A_112 = arith.constant 0 : i32
      %dma_wait3A_113 = tpu.memref_slice %arg7[%dma_wait3A_111, %dma_wait3A_112] : memref<40x128xi32, #tpu.memory_space<vmem>> -> memref<39x128xi32, #tpu.memory_space<vmem>>
      %dma_wait3A_114 = arith.constant 40 : i32
      %dma_wait3A_115 = arith.constant 0 : i32
      %dma_wait3A_116 = tpu.memref_slice %arg3[%add3A, %dma_wait3A_114, %dma_wait3A_115] : memref<32x79x128xi32, #tpu.memory_space<hbm>> -> memref<1x39x128xi32, #tpu.memory_space<hbm>>
      %dma_wait3A_117 = tpu.memref_squeeze %dma_wait3A_116 : memref<1x39x128xi32, #tpu.memory_space<hbm>> -> memref<39x128xi32, #tpu.memory_space<hbm>>
      tpu.wait_dma2 semaphore(%run_scoped3A_89 : memref<!tpu.dma_semaphore, #tpu.memory_space<semaphore_mem>>) src(%dma_wait3A_117 : memref<39x128xi32, #tpu.memory_space<hbm>>) dst(%dma_wait3A_113 : memref<39x128xi32, #tpu.memory_space<vmem>>)
      tpu.yield
    }) : () -> ()
    "tpu.region"() ({
      %run_scoped3A_89 = tpu.sem_alloc : memref<!tpu.dma_semaphore, #tpu.memory_space<semaphore_mem>>
      %dma_start3A_90 = arith.constant 0 : i32
      %dma_start3A_91 = arith.constant 0 : i32
      %dma_start3A_92 = tpu.memref_slice %arg8[%dma_start3A_90, %dma_start3A_91] : memref<40x128xi32, #tpu.memory_space<vmem>> -> memref<39x128xi32, #tpu.memory_space<vmem>>
      %dma_start3A_93 = arith.constant 40 : i32
      %dma_start3A_94 = arith.constant 0 : i32
      %dma_start3A_95 = tpu.memref_slice %arg4[%add3A, %dma_start3A_93, %dma_start3A_94] : memref<32x79x128xi32, #tpu.memory_space<hbm>> -> memref<1x39x128xi32, #tpu.memory_space<hbm>>
      %dma_start3A_96 = tpu.memref_squeeze %dma_start3A_95 : memref<1x39x128xi32, #tpu.memory_space<hbm>> -> memref<39x128xi32, #tpu.memory_space<hbm>>
      %dma_start3A_97 = arith.constant 0 : i32
      %dma_start3A_98 = arith.constant 0 : i32
      %dma_start3A_99 = tpu.memref_slice %arg8[%dma_start3A_97, %dma_start3A_98] : memref<40x128xi32, #tpu.memory_space<vmem>> -> memref<39x128xi32, #tpu.memory_space<vmem>>
      %dma_start3A_100 = arith.constant 40 : i32
      %dma_start3A_101 = arith.constant 0 : i32
      %dma_start3A_102 = tpu.memref_slice %arg4[%add3A, %dma_start3A_100, %dma_start3A_101] : memref<32x79x128xi32, #tpu.memory_space<hbm>> -> memref<1x39x128xi32, #tpu.memory_space<hbm>>
      %dma_start3A_103 = tpu.memref_squeeze %dma_start3A_102 : memref<1x39x128xi32, #tpu.memory_space<hbm>> -> memref<39x128xi32, #tpu.memory_space<hbm>>
      tpu.enqueue_dma source(%dma_start3A_103 : memref<39x128xi32, #tpu.memory_space<hbm>>) target(%dma_start3A_99 : memref<39x128xi32, #tpu.memory_space<vmem>>) target_semaphore(%run_scoped3A_89 : memref<!tpu.dma_semaphore, #tpu.memory_space<semaphore_mem>>)
      %dma_wait3A_104 = arith.constant 0 : i32
      %dma_wait3A_105 = arith.constant 0 : i32
      %dma_wait3A_106 = tpu.memref_slice %arg8[%dma_wait3A_104, %dma_wait3A_105] : memref<40x128xi32, #tpu.memory_space<vmem>> -> memref<39x128xi32, #tpu.memory_space<vmem>>
      %dma_wait3A_107 = arith.constant 40 : i32
      %dma_wait3A_108 = arith.constant 0 : i32
      %dma_wait3A_109 = tpu.memref_slice %arg4[%add3A, %dma_wait3A_107, %dma_wait3A_108] : memref<32x79x128xi32, #tpu.memory_space<hbm>> -> memref<1x39x128xi32, #tpu.memory_space<hbm>>
      %dma_wait3A_110 = tpu.memref_squeeze %dma_wait3A_109 : memref<1x39x128xi32, #tpu.memory_space<hbm>> -> memref<39x128xi32, #tpu.memory_space<hbm>>
      %dma_wait3A_111 = arith.constant 0 : i32
      %dma_wait3A_112 = arith.constant 0 : i32
      %dma_wait3A_113 = tpu.memref_slice %arg8[%dma_wait3A_111, %dma_wait3A_112] : memref<40x128xi32, #tpu.memory_space<vmem>> -> memref<39x128xi32, #tpu.memory_space<vmem>>
      %dma_wait3A_114 = arith.constant 40 : i32
      %dma_wait3A_115 = arith.constant 0 : i32
      %dma_wait3A_116 = tpu.memref_slice %arg4[%add3A, %dma_wait3A_114, %dma_wait3A_115] : memref<32x79x128xi32, #tpu.memory_space<hbm>> -> memref<1x39x128xi32, #tpu.memory_space<hbm>>
      %dma_wait3A_117 = tpu.memref_squeeze %dma_wait3A_116 : memref<1x39x128xi32, #tpu.memory_space<hbm>> -> memref<39x128xi32, #tpu.memory_space<hbm>>
      tpu.wait_dma2 semaphore(%run_scoped3A_89 : memref<!tpu.dma_semaphore, #tpu.memory_space<semaphore_mem>>) src(%dma_wait3A_117 : memref<39x128xi32, #tpu.memory_space<hbm>>) dst(%dma_wait3A_113 : memref<39x128xi32, #tpu.memory_space<vmem>>)
      tpu.yield
    }) : () -> ()
    %dma_start3A_36 = arith.constant 0 : i32
    %dma_start3A_37 = arith.constant 0 : i32
    %dma_start3A_38 = tpu.memref_slice %arg7[%dma_start3A_36, %dma_start3A_37] : memref<40x128xi32, #tpu.memory_space<vmem>> -> memref<1x128xi32, #tpu.memory_space<vmem>>
    %dma_start3A_39 = tpu.memref_squeeze %dma_start3A_38 : memref<1x128xi32, #tpu.memory_space<vmem>> -> memref<128xi32, #tpu.memory_space<vmem>>
    %dma_start3A_40 = arith.constant 0 : i32
    %dma_start3A_41 = arith.constant 0 : i32
    %dma_start3A_42 = tpu.memref_slice %arg2[%dma_start3A_40, %dma_start3A_41] : memref<10000x128xf32, #tpu.memory_space<hbm>> -> memref<10000x128xf32, #tpu.memory_space<hbm>>
    tpu.enqueue_indirect_dma source(%dma_start3A_42 : memref<10000x128xf32, #tpu.memory_space<hbm>>) target(%arg9 : memref<128x128xf32, #tpu.memory_space<vmem>>) offsets(%dma_start3A_39 : memref<128xi32, #tpu.memory_space<vmem>>) semaphore(%arg12 : memref<!tpu.dma_semaphore, #tpu.memory_space<semaphore_mem>>)
    %dma_start3A_43 = arith.constant 1 : i32
    %dma_start3A_44 = arith.constant 0 : i32
    %dma_start3A_45 = tpu.memref_slice %arg7[%dma_start3A_43, %dma_start3A_44] : memref<40x128xi32, #tpu.memory_space<vmem>> -> memref<1x128xi32, #tpu.memory_space<vmem>>
    %dma_start3A_46 = tpu.memref_squeeze %dma_start3A_45 : memref<1x128xi32, #tpu.memory_space<vmem>> -> memref<128xi32, #tpu.memory_space<vmem>>
    %dma_start3A_47 = arith.constant 0 : i32
    %dma_start3A_48 = arith.constant 0 : i32
    %dma_start3A_49 = tpu.memref_slice %arg2[%dma_start3A_47, %dma_start3A_48] : memref<10000x128xf32, #tpu.memory_space<hbm>> -> memref<10000x128xf32, #tpu.memory_space<hbm>>
    tpu.enqueue_indirect_dma source(%dma_start3A_49 : memref<10000x128xf32, #tpu.memory_space<hbm>>) target(%arg10 : memref<128x128xf32, #tpu.memory_space<vmem>>) offsets(%dma_start3A_46 : memref<128xi32, #tpu.memory_space<vmem>>) semaphore(%arg13 : memref<!tpu.dma_semaphore, #tpu.memory_space<semaphore_mem>>)
    %scan3A_50 = arith.constant 0 : i32
    %scan3A_51 = arith.constant 0 : i32
    %scan3A_52 = arith.constant 19 : i32
    %scan3A_53 = arith.addi %scan3A_51, %scan3A_52 : i32
    %scan3A_54 = arith.constant 1 : i32
    scf.for %scan3A_89 = %scan3A_51 to %scan3A_53 step %scan3A_54  : i32 {
      %mul3A_90 = arith.constant 2 : i32
      %mul3A_91 = arith.muli %mul3A_90, %scan3A_89 : i32
      %dma_wait3A_92 = arith.constant 0 : i32
      %dma_wait3A_93 = arith.constant 0 : i32
      %dma_wait3A_94 = tpu.memref_slice %arg7[%dma_wait3A_92, %dma_wait3A_93] : memref<40x128xi32, #tpu.memory_space<vmem>> -> memref<1x128xi32, #tpu.memory_space<vmem>>
      %dma_wait3A_95 = tpu.memref_squeeze %dma_wait3A_94 : memref<1x128xi32, #tpu.memory_space<vmem>> -> memref<128xi32, #tpu.memory_space<vmem>>
      %dma_wait3A_96 = arith.constant 0 : i32
      %dma_wait3A_97 = arith.constant 0 : i32
      %dma_wait3A_98 = tpu.memref_slice %arg2[%dma_wait3A_96, %dma_wait3A_97] : memref<10000x128xf32, #tpu.memory_space<hbm>> -> memref<10000x128xf32, #tpu.memory_space<hbm>>
      tpu.wait_indirect_dma semaphore(%arg12 : memref<!tpu.dma_semaphore, #tpu.memory_space<semaphore_mem>>) src(%dma_wait3A_98 : memref<10000x128xf32, #tpu.memory_space<hbm>>) dst(%arg9 : memref<128x128xf32, #tpu.memory_space<vmem>>)
      %dma_start3A_99 = arith.constant 0 : i32
      %dma_start3A_100 = tpu.memref_slice %arg8[%mul3A_91, %dma_start3A_99] : memref<40x128xi32, #tpu.memory_space<vmem>> -> memref<1x128xi32, #tpu.memory_space<vmem>>
      %dma_start3A_101 = tpu.memref_squeeze %dma_start3A_100 : memref<1x128xi32, #tpu.memory_space<vmem>> -> memref<128xi32, #tpu.memory_space<vmem>>
      %dma_start3A_102 = arith.constant 0 : i32
      %dma_start3A_103 = arith.constant 0 : i32
      %dma_start3A_104 = tpu.memref_slice %arg11[%dma_start3A_102, %dma_start3A_103] : memref<10112x128xf32, #tpu.memory_space<vmem_shared>> -> memref<10112x128xf32, #tpu.memory_space<vmem_shared>>
      tpu.enqueue_indirect_dma source(%arg9 : memref<128x128xf32, #tpu.memory_space<vmem>>) target(%dma_start3A_104 : memref<10112x128xf32, #tpu.memory_space<vmem_shared>>) offsets(%dma_start3A_101 : memref<128xi32, #tpu.memory_space<vmem>>) semaphore(%arg14 : memref<!tpu.dma_semaphore, #tpu.memory_space<semaphore_mem>>) {add = true}
      %dma_wait3A_105 = arith.constant 0 : i32
      %dma_wait3A_106 = arith.constant 0 : i32
      %dma_wait3A_107 = tpu.memref_slice %arg7[%dma_wait3A_105, %dma_wait3A_106] : memref<40x128xi32, #tpu.memory_space<vmem>> -> memref<1x128xi32, #tpu.memory_space<vmem>>
      %dma_wait3A_108 = tpu.memref_squeeze %dma_wait3A_107 : memref<1x128xi32, #tpu.memory_space<vmem>> -> memref<128xi32, #tpu.memory_space<vmem>>
      %dma_wait3A_109 = arith.constant 0 : i32
      %dma_wait3A_110 = arith.constant 0 : i32
      %dma_wait3A_111 = tpu.memref_slice %arg2[%dma_wait3A_109, %dma_wait3A_110] : memref<10000x128xf32, #tpu.memory_space<hbm>> -> memref<10000x128xf32, #tpu.memory_space<hbm>>
      tpu.wait_indirect_dma semaphore(%arg13 : memref<!tpu.dma_semaphore, #tpu.memory_space<semaphore_mem>>) src(%dma_wait3A_111 : memref<10000x128xf32, #tpu.memory_space<hbm>>) dst(%arg10 : memref<128x128xf32, #tpu.memory_space<vmem>>)
      %add3A_112 = arith.constant 1 : i32
      %add3A_113 = arith.addi %mul3A_91, %add3A_112 : i32
      %dma_start3A_114 = arith.constant 0 : i32
      %dma_start3A_115 = tpu.memref_slice %arg8[%add3A_113, %dma_start3A_114] : memref<40x128xi32, #tpu.memory_space<vmem>> -> memref<1x128xi32, #tpu.memory_space<vmem>>
      %dma_start3A_116 = tpu.memref_squeeze %dma_start3A_115 : memref<1x128xi32, #tpu.memory_space<vmem>> -> memref<128xi32, #tpu.memory_space<vmem>>
      %dma_start3A_117 = arith.constant 0 : i32
      %dma_start3A_118 = arith.constant 0 : i32
      %dma_start3A_119 = tpu.memref_slice %arg11[%dma_start3A_117, %dma_start3A_118] : memref<10112x128xf32, #tpu.memory_space<vmem_shared>> -> memref<10112x128xf32, #tpu.memory_space<vmem_shared>>
      tpu.enqueue_indirect_dma source(%arg10 : memref<128x128xf32, #tpu.memory_space<vmem>>) target(%dma_start3A_119 : memref<10112x128xf32, #tpu.memory_space<vmem_shared>>) offsets(%dma_start3A_116 : memref<128xi32, #tpu.memory_space<vmem>>) semaphore(%arg15 : memref<!tpu.dma_semaphore, #tpu.memory_space<semaphore_mem>>) {add = true}
      %dma_wait3A_120 = arith.constant 0 : i32
      %dma_wait3A_121 = tpu.memref_slice %arg8[%mul3A_91, %dma_wait3A_120] : memref<40x128xi32, #tpu.memory_space<vmem>> -> memref<1x128xi32, #tpu.memory_space<vmem>>
      %dma_wait3A_122 = tpu.memref_squeeze %dma_wait3A_121 : memref<1x128xi32, #tpu.memory_space<vmem>> -> memref<128xi32, #tpu.memory_space<vmem>>
      %dma_wait3A_123 = arith.constant 0 : i32
      %dma_wait3A_124 = arith.constant 0 : i32
      %dma_wait3A_125 = tpu.memref_slice %arg11[%dma_wait3A_123, %dma_wait3A_124] : memref<10112x128xf32, #tpu.memory_space<vmem_shared>> -> memref<10112x128xf32, #tpu.memory_space<vmem_shared>>
      tpu.wait_indirect_dma semaphore(%arg14 : memref<!tpu.dma_semaphore, #tpu.memory_space<semaphore_mem>>) src(%arg9 : memref<128x128xf32, #tpu.memory_space<vmem>>) dst(%dma_wait3A_125 : memref<10112x128xf32, #tpu.memory_space<vmem_shared>>)
      %add3A_126 = arith.constant 2 : i32
      %add3A_127 = arith.addi %mul3A_91, %add3A_126 : i32
      %min3A = arith.constant 37 : i32
      %min3A_128 = arith.minsi %add3A_127, %min3A : i32
      %dma_start3A_129 = arith.constant 0 : i32
      %dma_start3A_130 = tpu.memref_slice %arg7[%min3A_128, %dma_start3A_129] : memref<40x128xi32, #tpu.memory_space<vmem>> -> memref<1x128xi32, #tpu.memory_space<vmem>>
      %dma_start3A_131 = tpu.memref_squeeze %dma_start3A_130 : memref<1x128xi32, #tpu.memory_space<vmem>> -> memref<128xi32, #tpu.memory_space<vmem>>
      %dma_start3A_132 = arith.constant 0 : i32
      %dma_start3A_133 = arith.constant 0 : i32
      %dma_start3A_134 = tpu.memref_slice %arg2[%dma_start3A_132, %dma_start3A_133] : memref<10000x128xf32, #tpu.memory_space<hbm>> -> memref<10000x128xf32, #tpu.memory_space<hbm>>
      tpu.enqueue_indirect_dma source(%dma_start3A_134 : memref<10000x128xf32, #tpu.memory_space<hbm>>) target(%arg9 : memref<128x128xf32, #tpu.memory_space<vmem>>) offsets(%dma_start3A_131 : memref<128xi32, #tpu.memory_space<vmem>>) semaphore(%arg12 : memref<!tpu.dma_semaphore, #tpu.memory_space<semaphore_mem>>)
      %add3A_135 = arith.constant 1 : i32
      %add3A_136 = arith.addi %mul3A_91, %add3A_135 : i32
      %dma_wait3A_137 = arith.constant 0 : i32
      %dma_wait3A_138 = tpu.memref_slice %arg8[%add3A_136, %dma_wait3A_137] : memref<40x128xi32, #tpu.memory_space<vmem>> -> memref<1x128xi32, #tpu.memory_space<vmem>>
      %dma_wait3A_139 = tpu.memref_squeeze %dma_wait3A_138 : memref<1x128xi32, #tpu.memory_space<vmem>> -> memref<128xi32, #tpu.memory_space<vmem>>
      %dma_wait3A_140 = arith.constant 0 : i32
      %dma_wait3A_141 = arith.constant 0 : i32
      %dma_wait3A_142 = tpu.memref_slice %arg11[%dma_wait3A_140, %dma_wait3A_141] : memref<10112x128xf32, #tpu.memory_space<vmem_shared>> -> memref<10112x128xf32, #tpu.memory_space<vmem_shared>>
      tpu.wait_indirect_dma semaphore(%arg15 : memref<!tpu.dma_semaphore, #tpu.memory_space<semaphore_mem>>) src(%arg10 : memref<128x128xf32, #tpu.memory_space<vmem>>) dst(%dma_wait3A_142 : memref<10112x128xf32, #tpu.memory_space<vmem_shared>>)
      %add3A_143 = arith.constant 3 : i32
      %add3A_144 = arith.addi %mul3A_91, %add3A_143 : i32
      %min3A_145 = arith.constant 37 : i32
      %min3A_146 = arith.minsi %add3A_144, %min3A_145 : i32
      %dma_start3A_147 = arith.constant 0 : i32
      %dma_start3A_148 = tpu.memref_slice %arg7[%min3A_146, %dma_start3A_147] : memref<40x128xi32, #tpu.memory_space<vmem>> -> memref<1x128xi32, #tpu.memory_space<vmem>>
      %dma_start3A_149 = tpu.memref_squeeze %dma_start3A_148 : memref<1x128xi32, #tpu.memory_space<vmem>> -> memref<128xi32, #tpu.memory_space<vmem>>
      %dma_start3A_150 = arith.constant 0 : i32
      %dma_start3A_151 = arith.constant 0 : i32
      %dma_start3A_152 = tpu.memref_slice %arg2[%dma_start3A_150, %dma_start3A_151] : memref<10000x128xf32, #tpu.memory_space<hbm>> -> memref<10000x128xf32, #tpu.memory_space<hbm>>
      tpu.enqueue_indirect_dma source(%dma_start3A_152 : memref<10000x128xf32, #tpu.memory_space<hbm>>) target(%arg10 : memref<128x128xf32, #tpu.memory_space<vmem>>) offsets(%dma_start3A_149 : memref<128xi32, #tpu.memory_space<vmem>>) semaphore(%arg13 : memref<!tpu.dma_semaphore, #tpu.memory_space<semaphore_mem>>)
    }
    %scan3A_55 = arith.constant 19 : i32
    %dma_wait3A_56 = arith.constant 0 : i32
    %dma_wait3A_57 = arith.constant 0 : i32
    %dma_wait3A_58 = tpu.memref_slice %arg7[%dma_wait3A_56, %dma_wait3A_57] : memref<40x128xi32, #tpu.memory_space<vmem>> -> memref<1x128xi32, #tpu.memory_space<vmem>>
    %dma_wait3A_59 = tpu.memref_squeeze %dma_wait3A_58 : memref<1x128xi32, #tpu.memory_space<vmem>> -> memref<128xi32, #tpu.memory_space<vmem>>
    %dma_wait3A_60 = arith.constant 0 : i32
    %dma_wait3A_61 = arith.constant 0 : i32
    %dma_wait3A_62 = tpu.memref_slice %arg2[%dma_wait3A_60, %dma_wait3A_61] : memref<10000x128xf32, #tpu.memory_space<hbm>> -> memref<10000x128xf32, #tpu.memory_space<hbm>>
    tpu.wait_indirect_dma semaphore(%arg12 : memref<!tpu.dma_semaphore, #tpu.memory_space<semaphore_mem>>) src(%dma_wait3A_62 : memref<10000x128xf32, #tpu.memory_space<hbm>>) dst(%arg9 : memref<128x128xf32, #tpu.memory_space<vmem>>)
    %dma_wait3A_63 = arith.constant 0 : i32
    %dma_wait3A_64 = arith.constant 0 : i32
    %dma_wait3A_65 = tpu.memref_slice %arg7[%dma_wait3A_63, %dma_wait3A_64] : memref<40x128xi32, #tpu.memory_space<vmem>> -> memref<1x128xi32, #tpu.memory_space<vmem>>
    %dma_wait3A_66 = tpu.memref_squeeze %dma_wait3A_65 : memref<1x128xi32, #tpu.memory_space<vmem>> -> memref<128xi32, #tpu.memory_space<vmem>>
    %dma_wait3A_67 = arith.constant 0 : i32
    %dma_wait3A_68 = arith.constant 0 : i32
    %dma_wait3A_69 = tpu.memref_slice %arg2[%dma_wait3A_67, %dma_wait3A_68] : memref<10000x128xf32, #tpu.memory_space<hbm>> -> memref<10000x128xf32, #tpu.memory_space<hbm>>
    tpu.wait_indirect_dma semaphore(%arg13 : memref<!tpu.dma_semaphore, #tpu.memory_space<semaphore_mem>>) src(%dma_wait3A_69 : memref<10000x128xf32, #tpu.memory_space<hbm>>) dst(%arg10 : memref<128x128xf32, #tpu.memory_space<vmem>>)
    %dma_start3A_70 = arith.constant 38 : i32
    %dma_start3A_71 = arith.constant 0 : i32
    %dma_start3A_72 = tpu.memref_slice %arg7[%dma_start3A_70, %dma_start3A_71] : memref<40x128xi32, #tpu.memory_space<vmem>> -> memref<1x128xi32, #tpu.memory_space<vmem>>
    %dma_start3A_73 = tpu.memref_squeeze %dma_start3A_72 : memref<1x128xi32, #tpu.memory_space<vmem>> -> memref<128xi32, #tpu.memory_space<vmem>>
    %dma_start3A_74 = arith.constant 0 : i32
    %dma_start3A_75 = arith.constant 0 : i32
    %dma_start3A_76 = tpu.memref_slice %arg2[%dma_start3A_74, %dma_start3A_75] : memref<10000x128xf32, #tpu.memory_space<hbm>> -> memref<10000x128xf32, #tpu.memory_space<hbm>>
    tpu.enqueue_indirect_dma source(%dma_start3A_76 : memref<10000x128xf32, #tpu.memory_space<hbm>>) target(%arg9 : memref<128x128xf32, #tpu.memory_space<vmem>>) offsets(%dma_start3A_73 : memref<128xi32, #tpu.memory_space<vmem>>) semaphore(%arg12 : memref<!tpu.dma_semaphore, #tpu.memory_space<semaphore_mem>>)
    %dma_wait3A_77 = arith.constant 38 : i32
    %dma_wait3A_78 = arith.constant 0 : i32
    %dma_wait3A_79 = tpu.memref_slice %arg7[%dma_wait3A_77, %dma_wait3A_78] : memref<40x128xi32, #tpu.memory_space<vmem>> -> memref<1x128xi32, #tpu.memory_space<vmem>>
    %dma_wait3A_80 = tpu.memref_squeeze %dma_wait3A_79 : memref<1x128xi32, #tpu.memory_space<vmem>> -> memref<128xi32, #tpu.memory_space<vmem>>
    %dma_wait3A_81 = arith.constant 0 : i32
    %dma_wait3A_82 = arith.constant 0 : i32
    %dma_wait3A_83 = tpu.memref_slice %arg2[%dma_wait3A_81, %dma_wait3A_82] : memref<10000x128xf32, #tpu.memory_space<hbm>> -> memref<10000x128xf32, #tpu.memory_space<hbm>>
    tpu.wait_indirect_dma semaphore(%arg12 : memref<!tpu.dma_semaphore, #tpu.memory_space<semaphore_mem>>) src(%dma_wait3A_83 : memref<10000x128xf32, #tpu.memory_space<hbm>>) dst(%arg9 : memref<128x128xf32, #tpu.memory_space<vmem>>)
    %run_scoped3A = arith.constant 38 : i32
    "tpu.region"() ({
      %run_scoped3A_89 = tpu.sem_alloc : memref<!tpu.dma_semaphore, #tpu.memory_space<semaphore_mem>>
      %dma_start3A_90 = arith.constant 0 : i32
      %dma_start3A_91 = tpu.memref_slice %arg8[%run_scoped3A, %dma_start3A_90] : memref<40x128xi32, #tpu.memory_space<vmem>> -> memref<1x128xi32, #tpu.memory_space<vmem>>
      %dma_start3A_92 = tpu.memref_squeeze %dma_start3A_91 : memref<1x128xi32, #tpu.memory_space<vmem>> -> memref<128xi32, #tpu.memory_space<vmem>>
      %dma_start3A_93 = arith.constant 0 : i32
      %dma_start3A_94 = arith.constant 0 : i32
      %dma_start3A_95 = tpu.memref_slice %arg11[%dma_start3A_93, %dma_start3A_94] : memref<10112x128xf32, #tpu.memory_space<vmem_shared>> -> memref<10112x128xf32, #tpu.memory_space<vmem_shared>>
      tpu.enqueue_indirect_dma source(%arg9 : memref<128x128xf32, #tpu.memory_space<vmem>>) target(%dma_start3A_95 : memref<10112x128xf32, #tpu.memory_space<vmem_shared>>) offsets(%dma_start3A_92 : memref<128xi32, #tpu.memory_space<vmem>>) semaphore(%run_scoped3A_89 : memref<!tpu.dma_semaphore, #tpu.memory_space<semaphore_mem>>) {add = true}
      %dma_wait3A_96 = arith.constant 0 : i32
      %dma_wait3A_97 = tpu.memref_slice %arg8[%run_scoped3A, %dma_wait3A_96] : memref<40x128xi32, #tpu.memory_space<vmem>> -> memref<1x128xi32, #tpu.memory_space<vmem>>
      %dma_wait3A_98 = tpu.memref_squeeze %dma_wait3A_97 : memref<1x128xi32, #tpu.memory_space<vmem>> -> memref<128xi32, #tpu.memory_space<vmem>>
      %dma_wait3A_99 = arith.constant 0 : i32
      %dma_wait3A_100 = arith.constant 0 : i32
      %dma_wait3A_101 = tpu.memref_slice %arg11[%dma_wait3A_99, %dma_wait3A_100] : memref<10112x128xf32, #tpu.memory_space<vmem_shared>> -> memref<10112x128xf32, #tpu.memory_space<vmem_shared>>
      tpu.wait_indirect_dma semaphore(%run_scoped3A_89 : memref<!tpu.dma_semaphore, #tpu.memory_space<semaphore_mem>>) src(%arg9 : memref<128x128xf32, #tpu.memory_space<vmem>>) dst(%dma_wait3A_101 : memref<10112x128xf32, #tpu.memory_space<vmem_shared>>)
      tpu.yield
    }) : () -> ()
    %barrier3A_84 = arith.constant 0 : index
    tpu.barrier barrier_id(%barrier3A_84)
    %mul3A_85 = arith.constant 632 : i32
    %mul3A_86 = arith.muli %arg1, %mul3A_85 : i32
    %mul3A_87 = arith.constant 632 : i32
    %mul3A_88 = arith.muli %arg1, %mul3A_87 : i32
    "tpu.region"() ({
      %run_scoped3A_89 = tpu.sem_alloc : memref<!tpu.dma_semaphore, #tpu.memory_space<semaphore_mem>>
      %dma_start3A_90 = arith.constant 0 : i32
      %dma_start3A_91 = tpu.memref_slice %arg6[%arg0, %mul3A_88, %dma_start3A_90] : memref<2x10112x128xf32, #tpu.memory_space<hbm>> -> memref<1x632x128xf32, #tpu.memory_space<hbm>>
      %dma_start3A_92 = tpu.memref_squeeze %dma_start3A_91 : memref<1x632x128xf32, #tpu.memory_space<hbm>> -> memref<632x128xf32, #tpu.memory_space<hbm>>
      %dma_start3A_93 = arith.constant 0 : i32
      %dma_start3A_94 = tpu.memref_slice %arg11[%mul3A_86, %dma_start3A_93] : memref<10112x128xf32, #tpu.memory_space<vmem_shared>> -> memref<632x128xf32, #tpu.memory_space<vmem_shared>>
      tpu.enqueue_dma source(%dma_start3A_94 : memref<632x128xf32, #tpu.memory_space<vmem_shared>>) target(%dma_start3A_92 : memref<632x128xf32, #tpu.memory_space<hbm>>) target_semaphore(%run_scoped3A_89 : memref<!tpu.dma_semaphore, #tpu.memory_space<semaphore_mem>>)
      %dma_wait3A_95 = arith.constant 0 : i32
      %dma_wait3A_96 = tpu.memref_slice %arg6[%arg0, %mul3A_88, %dma_wait3A_95] : memref<2x10112x128xf32, #tpu.memory_space<hbm>> -> memref<1x632x128xf32, #tpu.memory_space<hbm>>
      %dma_wait3A_97 = tpu.memref_squeeze %dma_wait3A_96 : memref<1x632x128xf32, #tpu.memory_space<hbm>> -> memref<632x128xf32, #tpu.memory_space<hbm>>
      %dma_wait3A_98 = arith.constant 0 : i32
      %dma_wait3A_99 = tpu.memref_slice %arg11[%mul3A_86, %dma_wait3A_98] : memref<10112x128xf32, #tpu.memory_space<vmem_shared>> -> memref<632x128xf32, #tpu.memory_space<vmem_shared>>
      tpu.wait_dma2 semaphore(%run_scoped3A_89 : memref<!tpu.dma_semaphore, #tpu.memory_space<semaphore_mem>>) src(%dma_wait3A_99 : memref<632x128xf32, #tpu.memory_space<vmem_shared>>) dst(%dma_wait3A_97 : memref<632x128xf32, #tpu.memory_space<hbm>>)
      tpu.yield
    }) : () -> ()
    return
  }
}

#map = affine_map<(d0, d1) -> (0, 0, 0)>
#map1 = affine_map<(d0, d1) -> (0, 0)>
module attributes {stable_mosaic.version = 14 : i64} {
  func.func @k(%arg0: i32, %arg1: i32, %arg2: memref<32x79x128xi32, #tpu.memory_space<hbm>>, %arg3: memref<128x128xf32, #tpu.memory_space<hbm>>, %arg4: memref<10112x128xf32, #tpu.memory_space<hbm>>, %arg5: memref<2x10112x128xf32, #tpu.memory_space<hbm>>, %arg6: memref<79x128xi32, #tpu.memory_space<vmem>>, %arg7: memref<128x128xf32, #tpu.memory_space<vmem>>, %arg8: memref<10112x128xf32, #tpu.memory_space<vmem_shared>>) attributes {dimension_semantics = [#tpu.dimension_semantics<core_parallel>, #tpu.dimension_semantics<subcore_parallel>], iteration_bounds = array<i64: 2, 16>, scalar_prefetch = 0 : i64, scratch_operands = 3 : i64, tpu.core_type = #tpu.core_type<sc_vector_subcore>, window_params = [{transform_indices = #map}, {transform_indices = #map1}, {transform_indices = #map1}, {transform_indices = #map}]} {
    %mul3A = arith.constant 16 : i32
    %mul3A_0 = arith.muli %arg0, %mul3A : i32
    %add3A = arith.addi %mul3A_0, %arg1 : i32
    %mul3A_1 = arith.constant 632 : i32
    %mul3A_2 = arith.muli %arg1, %mul3A_1 : i32
    %mul3A_3 = arith.constant 632 : i32
    %mul3A_4 = arith.muli %arg1, %mul3A_3 : i32
    "tpu.region"() ({
      %run_scoped3A = tpu.sem_alloc : memref<!tpu.dma_semaphore, #tpu.memory_space<semaphore_mem>>
      %dma_start3A = arith.constant 0 : i32
      %dma_start3A_15 = tpu.memref_slice %arg8[%mul3A_4, %dma_start3A] : memref<10112x128xf32, #tpu.memory_space<vmem_shared>> -> memref<632x128xf32, #tpu.memory_space<vmem_shared>>
      %dma_start3A_16 = arith.constant 0 : i32
      %dma_start3A_17 = tpu.memref_slice %arg4[%mul3A_2, %dma_start3A_16] : memref<10112x128xf32, #tpu.memory_space<hbm>> -> memref<632x128xf32, #tpu.memory_space<hbm>>
      tpu.enqueue_dma source(%dma_start3A_17 : memref<632x128xf32, #tpu.memory_space<hbm>>) target(%dma_start3A_15 : memref<632x128xf32, #tpu.memory_space<vmem_shared>>) target_semaphore(%run_scoped3A : memref<!tpu.dma_semaphore, #tpu.memory_space<semaphore_mem>>)
      %dma_wait3A = arith.constant 0 : i32
      %dma_wait3A_18 = tpu.memref_slice %arg8[%mul3A_4, %dma_wait3A] : memref<10112x128xf32, #tpu.memory_space<vmem_shared>> -> memref<632x128xf32, #tpu.memory_space<vmem_shared>>
      %dma_wait3A_19 = arith.constant 0 : i32
      %dma_wait3A_20 = tpu.memref_slice %arg4[%mul3A_2, %dma_wait3A_19] : memref<10112x128xf32, #tpu.memory_space<hbm>> -> memref<632x128xf32, #tpu.memory_space<hbm>>
      tpu.wait_dma2 semaphore(%run_scoped3A : memref<!tpu.dma_semaphore, #tpu.memory_space<semaphore_mem>>) src(%dma_wait3A_20 : memref<632x128xf32, #tpu.memory_space<hbm>>) dst(%dma_wait3A_18 : memref<632x128xf32, #tpu.memory_space<vmem_shared>>)
      tpu.yield
    }) : () -> ()
    "tpu.region"() ({
      %run_scoped3A = tpu.sem_alloc : memref<!tpu.dma_semaphore, #tpu.memory_space<semaphore_mem>>
      %dma_start3A = arith.constant 0 : i32
      %dma_start3A_15 = arith.constant 0 : i32
      %dma_start3A_16 = tpu.memref_slice %arg2[%add3A, %dma_start3A, %dma_start3A_15] : memref<32x79x128xi32, #tpu.memory_space<hbm>> -> memref<1x79x128xi32, #tpu.memory_space<hbm>>
      %dma_start3A_17 = tpu.memref_squeeze %dma_start3A_16 : memref<1x79x128xi32, #tpu.memory_space<hbm>> -> memref<79x128xi32, #tpu.memory_space<hbm>>
      %dma_start3A_18 = arith.constant 0 : i32
      %dma_start3A_19 = arith.constant 0 : i32
      %dma_start3A_20 = tpu.memref_slice %arg2[%add3A, %dma_start3A_18, %dma_start3A_19] : memref<32x79x128xi32, #tpu.memory_space<hbm>> -> memref<1x79x128xi32, #tpu.memory_space<hbm>>
      %dma_start3A_21 = tpu.memref_squeeze %dma_start3A_20 : memref<1x79x128xi32, #tpu.memory_space<hbm>> -> memref<79x128xi32, #tpu.memory_space<hbm>>
      tpu.enqueue_dma source(%dma_start3A_21 : memref<79x128xi32, #tpu.memory_space<hbm>>) target(%arg6 : memref<79x128xi32, #tpu.memory_space<vmem>>) target_semaphore(%run_scoped3A : memref<!tpu.dma_semaphore, #tpu.memory_space<semaphore_mem>>)
      %dma_wait3A = arith.constant 0 : i32
      %dma_wait3A_22 = arith.constant 0 : i32
      %dma_wait3A_23 = tpu.memref_slice %arg2[%add3A, %dma_wait3A, %dma_wait3A_22] : memref<32x79x128xi32, #tpu.memory_space<hbm>> -> memref<1x79x128xi32, #tpu.memory_space<hbm>>
      %dma_wait3A_24 = tpu.memref_squeeze %dma_wait3A_23 : memref<1x79x128xi32, #tpu.memory_space<hbm>> -> memref<79x128xi32, #tpu.memory_space<hbm>>
      %dma_wait3A_25 = arith.constant 0 : i32
      %dma_wait3A_26 = arith.constant 0 : i32
      %dma_wait3A_27 = tpu.memref_slice %arg2[%add3A, %dma_wait3A_25, %dma_wait3A_26] : memref<32x79x128xi32, #tpu.memory_space<hbm>> -> memref<1x79x128xi32, #tpu.memory_space<hbm>>
      %dma_wait3A_28 = tpu.memref_squeeze %dma_wait3A_27 : memref<1x79x128xi32, #tpu.memory_space<hbm>> -> memref<79x128xi32, #tpu.memory_space<hbm>>
      tpu.wait_dma2 semaphore(%run_scoped3A : memref<!tpu.dma_semaphore, #tpu.memory_space<semaphore_mem>>) src(%dma_wait3A_28 : memref<79x128xi32, #tpu.memory_space<hbm>>) dst(%arg6 : memref<79x128xi32, #tpu.memory_space<vmem>>)
      tpu.yield
    }) : () -> ()
    "tpu.region"() ({
      %run_scoped3A = tpu.sem_alloc : memref<!tpu.dma_semaphore, #tpu.memory_space<semaphore_mem>>
      tpu.enqueue_dma source(%arg3 : memref<128x128xf32, #tpu.memory_space<hbm>>) target(%arg7 : memref<128x128xf32, #tpu.memory_space<vmem>>) target_semaphore(%run_scoped3A : memref<!tpu.dma_semaphore, #tpu.memory_space<semaphore_mem>>)
      tpu.wait_dma2 semaphore(%run_scoped3A : memref<!tpu.dma_semaphore, #tpu.memory_space<semaphore_mem>>) src(%arg3 : memref<128x128xf32, #tpu.memory_space<hbm>>) dst(%arg7 : memref<128x128xf32, #tpu.memory_space<vmem>>)
      tpu.yield
    }) : () -> ()
    %barrier3A = arith.constant 0 : index
    tpu.barrier barrier_id(%barrier3A)
    %scan3A = arith.constant 0 : i32
    %scan3A_5 = arith.constant 0 : i32
    %scan3A_6 = arith.constant 79 : i32
    %scan3A_7 = arith.addi %scan3A_5, %scan3A_6 : i32
    %scan3A_8 = arith.constant 1 : i32
    scf.for %scan3A_15 = %scan3A_5 to %scan3A_7 step %scan3A_8  : i32 {
      "tpu.region"() ({
        %run_scoped3A = tpu.sem_alloc : memref<!tpu.dma_semaphore, #tpu.memory_space<semaphore_mem>>
        %dma_start3A = arith.constant 0 : i32
        %dma_start3A_16 = tpu.memref_slice %arg6[%scan3A_15, %dma_start3A] : memref<79x128xi32, #tpu.memory_space<vmem>> -> memref<1x128xi32, #tpu.memory_space<vmem>>
        %dma_start3A_17 = tpu.memref_squeeze %dma_start3A_16 : memref<1x128xi32, #tpu.memory_space<vmem>> -> memref<128xi32, #tpu.memory_space<vmem>>
        %dma_start3A_18 = arith.constant 0 : i32
        %dma_start3A_19 = arith.constant 0 : i32
        %dma_start3A_20 = tpu.memref_slice %arg8[%dma_start3A_18, %dma_start3A_19] : memref<10112x128xf32, #tpu.memory_space<vmem_shared>> -> memref<10112x128xf32, #tpu.memory_space<vmem_shared>>
        tpu.enqueue_indirect_dma source(%arg7 : memref<128x128xf32, #tpu.memory_space<vmem>>) target(%dma_start3A_20 : memref<10112x128xf32, #tpu.memory_space<vmem_shared>>) offsets(%dma_start3A_17 : memref<128xi32, #tpu.memory_space<vmem>>) semaphore(%run_scoped3A : memref<!tpu.dma_semaphore, #tpu.memory_space<semaphore_mem>>) {add = true}
        %dma_wait3A = arith.constant 0 : i32
        %dma_wait3A_21 = tpu.memref_slice %arg6[%scan3A_15, %dma_wait3A] : memref<79x128xi32, #tpu.memory_space<vmem>> -> memref<1x128xi32, #tpu.memory_space<vmem>>
        %dma_wait3A_22 = tpu.memref_squeeze %dma_wait3A_21 : memref<1x128xi32, #tpu.memory_space<vmem>> -> memref<128xi32, #tpu.memory_space<vmem>>
        %dma_wait3A_23 = arith.constant 0 : i32
        %dma_wait3A_24 = arith.constant 0 : i32
        %dma_wait3A_25 = tpu.memref_slice %arg8[%dma_wait3A_23, %dma_wait3A_24] : memref<10112x128xf32, #tpu.memory_space<vmem_shared>> -> memref<10112x128xf32, #tpu.memory_space<vmem_shared>>
        tpu.wait_indirect_dma semaphore(%run_scoped3A : memref<!tpu.dma_semaphore, #tpu.memory_space<semaphore_mem>>) src(%arg7 : memref<128x128xf32, #tpu.memory_space<vmem>>) dst(%dma_wait3A_25 : memref<10112x128xf32, #tpu.memory_space<vmem_shared>>)
        tpu.yield
      }) : () -> ()
    }
    %scan3A_9 = arith.constant 79 : i32
    %barrier3A_10 = arith.constant 0 : index
    tpu.barrier barrier_id(%barrier3A_10)
    %mul3A_11 = arith.constant 632 : i32
    %mul3A_12 = arith.muli %arg1, %mul3A_11 : i32
    %mul3A_13 = arith.constant 632 : i32
    %mul3A_14 = arith.muli %arg1, %mul3A_13 : i32
    "tpu.region"() ({
      %run_scoped3A = tpu.sem_alloc : memref<!tpu.dma_semaphore, #tpu.memory_space<semaphore_mem>>
      %dma_start3A = arith.constant 0 : i32
      %dma_start3A_15 = tpu.memref_slice %arg5[%arg0, %mul3A_14, %dma_start3A] : memref<2x10112x128xf32, #tpu.memory_space<hbm>> -> memref<1x632x128xf32, #tpu.memory_space<hbm>>
      %dma_start3A_16 = tpu.memref_squeeze %dma_start3A_15 : memref<1x632x128xf32, #tpu.memory_space<hbm>> -> memref<632x128xf32, #tpu.memory_space<hbm>>
      %dma_start3A_17 = arith.constant 0 : i32
      %dma_start3A_18 = tpu.memref_slice %arg8[%mul3A_12, %dma_start3A_17] : memref<10112x128xf32, #tpu.memory_space<vmem_shared>> -> memref<632x128xf32, #tpu.memory_space<vmem_shared>>
      tpu.enqueue_dma source(%dma_start3A_18 : memref<632x128xf32, #tpu.memory_space<vmem_shared>>) target(%dma_start3A_16 : memref<632x128xf32, #tpu.memory_space<hbm>>) target_semaphore(%run_scoped3A : memref<!tpu.dma_semaphore, #tpu.memory_space<semaphore_mem>>)
      %dma_wait3A = arith.constant 0 : i32
      %dma_wait3A_19 = tpu.memref_slice %arg5[%arg0, %mul3A_14, %dma_wait3A] : memref<2x10112x128xf32, #tpu.memory_space<hbm>> -> memref<1x632x128xf32, #tpu.memory_space<hbm>>
      %dma_wait3A_20 = tpu.memref_squeeze %dma_wait3A_19 : memref<1x632x128xf32, #tpu.memory_space<hbm>> -> memref<632x128xf32, #tpu.memory_space<hbm>>
      %dma_wait3A_21 = arith.constant 0 : i32
      %dma_wait3A_22 = tpu.memref_slice %arg8[%mul3A_12, %dma_wait3A_21] : memref<10112x128xf32, #tpu.memory_space<vmem_shared>> -> memref<632x128xf32, #tpu.memory_space<vmem_shared>>
      tpu.wait_dma2 semaphore(%run_scoped3A : memref<!tpu.dma_semaphore, #tpu.memory_space<semaphore_mem>>) src(%dma_wait3A_22 : memref<632x128xf32, #tpu.memory_space<vmem_shared>>) dst(%dma_wait3A_20 : memref<632x128xf32, #tpu.memory_space<hbm>>)
      tpu.yield
    }) : () -> ()
    return
  }
}

#map = affine_map<(d0, d1) -> (0, 0)>
#map1 = affine_map<(d0, d1) -> (0, 0, 0)>
module attributes {stable_mosaic.version = 14 : i64} {
  func.func @k(%arg0: i32, %arg1: i32, %arg2: memref<10000x128xf32, #tpu.memory_space<hbm>>, %arg3: memref<32x79x128xi32, #tpu.memory_space<hbm>>, %arg4: memref<32x79x128xi32, #tpu.memory_space<hbm>>, %arg5: memref<10112x128xf32, #tpu.memory_space<hbm>>, %arg6: memref<2x10112x128xf32, #tpu.memory_space<hbm>>, %arg7: memref<40x128xi32, #tpu.memory_space<vmem>>, %arg8: memref<40x128xi32, #tpu.memory_space<vmem>>, %arg9: memref<128x128xf32, #tpu.memory_space<vmem>>, %arg10: memref<128x128xf32, #tpu.memory_space<vmem>>, %arg11: memref<10112x128xf32, #tpu.memory_space<vmem_shared>>, %arg12: memref<!tpu.dma_semaphore, #tpu.memory_space<semaphore_mem>>, %arg13: memref<!tpu.dma_semaphore, #tpu.memory_space<semaphore_mem>>, %arg14: memref<!tpu.dma_semaphore, #tpu.memory_space<semaphore_mem>>, %arg15: memref<!tpu.dma_semaphore, #tpu.memory_space<semaphore_mem>>) attributes {dimension_semantics = [#tpu.dimension_semantics<core_parallel>, #tpu.dimension_semantics<subcore_parallel>], iteration_bounds = array<i64: 2, 16>, scalar_prefetch = 0 : i64, scratch_operands = 9 : i64, tpu.core_type = #tpu.core_type<sc_vector_subcore>, window_params = [{transform_indices = #map}, {transform_indices = #map1}, {transform_indices = #map1}, {transform_indices = #map}, {transform_indices = #map1}]} {
    %mul3A = arith.constant 16 : i32
    %mul3A_0 = arith.muli %arg0, %mul3A : i32
    %add3A = arith.addi %mul3A_0, %arg1 : i32
    %mul3A_1 = arith.constant 632 : i32
    %mul3A_2 = arith.muli %arg1, %mul3A_1 : i32
    %mul3A_3 = arith.constant 632 : i32
    %mul3A_4 = arith.muli %arg1, %mul3A_3 : i32
    "tpu.region"() ({
      %run_scoped3A_89 = tpu.sem_alloc : memref<!tpu.dma_semaphore, #tpu.memory_space<semaphore_mem>>
      %dma_start3A_90 = arith.constant 0 : i32
      %dma_start3A_91 = tpu.memref_slice %arg11[%mul3A_4, %dma_start3A_90] : memref<10112x128xf32, #tpu.memory_space<vmem_shared>> -> memref<632x128xf32, #tpu.memory_space<vmem_shared>>
      %dma_start3A_92 = arith.constant 0 : i32
      %dma_start3A_93 = tpu.memref_slice %arg5[%mul3A_2, %dma_start3A_92] : memref<10112x128xf32, #tpu.memory_space<hbm>> -> memref<632x128xf32, #tpu.memory_space<hbm>>
      tpu.enqueue_dma source(%dma_start3A_93 : memref<632x128xf32, #tpu.memory_space<hbm>>) target(%dma_start3A_91 : memref<632x128xf32, #tpu.memory_space<vmem_shared>>) target_semaphore(%run_scoped3A_89 : memref<!tpu.dma_semaphore, #tpu.memory_space<semaphore_mem>>)
      %dma_wait3A_94 = arith.constant 0 : i32
      %dma_wait3A_95 = tpu.memref_slice %arg11[%mul3A_4, %dma_wait3A_94] : memref<10112x128xf32, #tpu.memory_space<vmem_shared>> -> memref<632x128xf32, #tpu.memory_space<vmem_shared>>
      %dma_wait3A_96 = arith.constant 0 : i32
      %dma_wait3A_97 = tpu.memref_slice %arg5[%mul3A_2, %dma_wait3A_96] : memref<10112x128xf32, #tpu.memory_space<hbm>> -> memref<632x128xf32, #tpu.memory_space<hbm>>
      tpu.wait_dma2 semaphore(%run_scoped3A_89 : memref<!tpu.dma_semaphore, #tpu.memory_space<semaphore_mem>>) src(%dma_wait3A_97 : memref<632x128xf32, #tpu.memory_space<hbm>>) dst(%dma_wait3A_95 : memref<632x128xf32, #tpu.memory_space<vmem_shared>>)
      tpu.yield
    }) : () -> ()
    %barrier3A = arith.constant 0 : index
    tpu.barrier barrier_id(%barrier3A)
    "tpu.region"() ({
      %run_scoped3A_89 = tpu.sem_alloc : memref<!tpu.dma_semaphore, #tpu.memory_space<semaphore_mem>>
      %dma_start3A_90 = arith.constant 0 : i32
      %dma_start3A_91 = arith.constant 0 : i32
      %dma_start3A_92 = tpu.memref_slice %arg3[%add3A, %dma_start3A_90, %dma_start3A_91] : memref<32x79x128xi32, #tpu.memory_space<hbm>> -> memref<1x40x128xi32, #tpu.memory_space<hbm>>
      %dma_start3A_93 = tpu.memref_squeeze %dma_start3A_92 : memref<1x40x128xi32, #tpu.memory_space<hbm>> -> memref<40x128xi32, #tpu.memory_space<hbm>>
      %dma_start3A_94 = arith.constant 0 : i32
      %dma_start3A_95 = arith.constant 0 : i32
      %dma_start3A_96 = tpu.memref_slice %arg3[%add3A, %dma_start3A_94, %dma_start3A_95] : memref<32x79x128xi32, #tpu.memory_space<hbm>> -> memref<1x40x128xi32, #tpu.memory_space<hbm>>
      %dma_start3A_97 = tpu.memref_squeeze %dma_start3A_96 : memref<1x40x128xi32, #tpu.memory_space<hbm>> -> memref<40x128xi32, #tpu.memory_space<hbm>>
      tpu.enqueue_dma source(%dma_start3A_97 : memref<40x128xi32, #tpu.memory_space<hbm>>) target(%arg7 : memref<40x128xi32, #tpu.memory_space<vmem>>) target_semaphore(%run_scoped3A_89 : memref<!tpu.dma_semaphore, #tpu.memory_space<semaphore_mem>>)
      %dma_wait3A_98 = arith.constant 0 : i32
      %dma_wait3A_99 = arith.constant 0 : i32
      %dma_wait3A_100 = tpu.memref_slice %arg3[%add3A, %dma_wait3A_98, %dma_wait3A_99] : memref<32x79x128xi32, #tpu.memory_space<hbm>> -> memref<1x40x128xi32, #tpu.memory_space<hbm>>
      %dma_wait3A_101 = tpu.memref_squeeze %dma_wait3A_100 : memref<1x40x128xi32, #tpu.memory_space<hbm>> -> memref<40x128xi32, #tpu.memory_space<hbm>>
      %dma_wait3A_102 = arith.constant 0 : i32
      %dma_wait3A_103 = arith.constant 0 : i32
      %dma_wait3A_104 = tpu.memref_slice %arg3[%add3A, %dma_wait3A_102, %dma_wait3A_103] : memref<32x79x128xi32, #tpu.memory_space<hbm>> -> memref<1x40x128xi32, #tpu.memory_space<hbm>>
      %dma_wait3A_105 = tpu.memref_squeeze %dma_wait3A_104 : memref<1x40x128xi32, #tpu.memory_space<hbm>> -> memref<40x128xi32, #tpu.memory_space<hbm>>
      tpu.wait_dma2 semaphore(%run_scoped3A_89 : memref<!tpu.dma_semaphore, #tpu.memory_space<semaphore_mem>>) src(%dma_wait3A_105 : memref<40x128xi32, #tpu.memory_space<hbm>>) dst(%arg7 : memref<40x128xi32, #tpu.memory_space<vmem>>)
      tpu.yield
    }) : () -> ()
    "tpu.region"() ({
      %run_scoped3A_89 = tpu.sem_alloc : memref<!tpu.dma_semaphore, #tpu.memory_space<semaphore_mem>>
      %dma_start3A_90 = arith.constant 0 : i32
      %dma_start3A_91 = arith.constant 0 : i32
      %dma_start3A_92 = tpu.memref_slice %arg4[%add3A, %dma_start3A_90, %dma_start3A_91] : memref<32x79x128xi32, #tpu.memory_space<hbm>> -> memref<1x40x128xi32, #tpu.memory_space<hbm>>
      %dma_start3A_93 = tpu.memref_squeeze %dma_start3A_92 : memref<1x40x128xi32, #tpu.memory_space<hbm>> -> memref<40x128xi32, #tpu.memory_space<hbm>>
      %dma_start3A_94 = arith.constant 0 : i32
      %dma_start3A_95 = arith.constant 0 : i32
      %dma_start3A_96 = tpu.memref_slice %arg4[%add3A, %dma_start3A_94, %dma_start3A_95] : memref<32x79x128xi32, #tpu.memory_space<hbm>> -> memref<1x40x128xi32, #tpu.memory_space<hbm>>
      %dma_start3A_97 = tpu.memref_squeeze %dma_start3A_96 : memref<1x40x128xi32, #tpu.memory_space<hbm>> -> memref<40x128xi32, #tpu.memory_space<hbm>>
      tpu.enqueue_dma source(%dma_start3A_97 : memref<40x128xi32, #tpu.memory_space<hbm>>) target(%arg8 : memref<40x128xi32, #tpu.memory_space<vmem>>) target_semaphore(%run_scoped3A_89 : memref<!tpu.dma_semaphore, #tpu.memory_space<semaphore_mem>>)
      %dma_wait3A_98 = arith.constant 0 : i32
      %dma_wait3A_99 = arith.constant 0 : i32
      %dma_wait3A_100 = tpu.memref_slice %arg4[%add3A, %dma_wait3A_98, %dma_wait3A_99] : memref<32x79x128xi32, #tpu.memory_space<hbm>> -> memref<1x40x128xi32, #tpu.memory_space<hbm>>
      %dma_wait3A_101 = tpu.memref_squeeze %dma_wait3A_100 : memref<1x40x128xi32, #tpu.memory_space<hbm>> -> memref<40x128xi32, #tpu.memory_space<hbm>>
      %dma_wait3A_102 = arith.constant 0 : i32
      %dma_wait3A_103 = arith.constant 0 : i32
      %dma_wait3A_104 = tpu.memref_slice %arg4[%add3A, %dma_wait3A_102, %dma_wait3A_103] : memref<32x79x128xi32, #tpu.memory_space<hbm>> -> memref<1x40x128xi32, #tpu.memory_space<hbm>>
      %dma_wait3A_105 = tpu.memref_squeeze %dma_wait3A_104 : memref<1x40x128xi32, #tpu.memory_space<hbm>> -> memref<40x128xi32, #tpu.memory_space<hbm>>
      tpu.wait_dma2 semaphore(%run_scoped3A_89 : memref<!tpu.dma_semaphore, #tpu.memory_space<semaphore_mem>>) src(%dma_wait3A_105 : memref<40x128xi32, #tpu.memory_space<hbm>>) dst(%arg8 : memref<40x128xi32, #tpu.memory_space<vmem>>)
      tpu.yield
    }) : () -> ()
    %dma_start3A = arith.constant 0 : i32
    %dma_start3A_5 = arith.constant 0 : i32
    %dma_start3A_6 = tpu.memref_slice %arg7[%dma_start3A, %dma_start3A_5] : memref<40x128xi32, #tpu.memory_space<vmem>> -> memref<1x128xi32, #tpu.memory_space<vmem>>
    %dma_start3A_7 = tpu.memref_squeeze %dma_start3A_6 : memref<1x128xi32, #tpu.memory_space<vmem>> -> memref<128xi32, #tpu.memory_space<vmem>>
    %dma_start3A_8 = arith.constant 0 : i32
    %dma_start3A_9 = arith.constant 0 : i32
    %dma_start3A_10 = tpu.memref_slice %arg2[%dma_start3A_8, %dma_start3A_9] : memref<10000x128xf32, #tpu.memory_space<hbm>> -> memref<10000x128xf32, #tpu.memory_space<hbm>>
    tpu.enqueue_indirect_dma source(%dma_start3A_10 : memref<10000x128xf32, #tpu.memory_space<hbm>>) target(%arg9 : memref<128x128xf32, #tpu.memory_space<vmem>>) offsets(%dma_start3A_7 : memref<128xi32, #tpu.memory_space<vmem>>) semaphore(%arg12 : memref<!tpu.dma_semaphore, #tpu.memory_space<semaphore_mem>>)
    %dma_start3A_11 = arith.constant 1 : i32
    %dma_start3A_12 = arith.constant 0 : i32
    %dma_start3A_13 = tpu.memref_slice %arg7[%dma_start3A_11, %dma_start3A_12] : memref<40x128xi32, #tpu.memory_space<vmem>> -> memref<1x128xi32, #tpu.memory_space<vmem>>
    %dma_start3A_14 = tpu.memref_squeeze %dma_start3A_13 : memref<1x128xi32, #tpu.memory_space<vmem>> -> memref<128xi32, #tpu.memory_space<vmem>>
    %dma_start3A_15 = arith.constant 0 : i32
    %dma_start3A_16 = arith.constant 0 : i32
    %dma_start3A_17 = tpu.memref_slice %arg2[%dma_start3A_15, %dma_start3A_16] : memref<10000x128xf32, #tpu.memory_space<hbm>> -> memref<10000x128xf32, #tpu.memory_space<hbm>>
    tpu.enqueue_indirect_dma source(%dma_start3A_17 : memref<10000x128xf32, #tpu.memory_space<hbm>>) target(%arg10 : memref<128x128xf32, #tpu.memory_space<vmem>>) offsets(%dma_start3A_14 : memref<128xi32, #tpu.memory_space<vmem>>) semaphore(%arg13 : memref<!tpu.dma_semaphore, #tpu.memory_space<semaphore_mem>>)
    %scan3A = arith.constant 0 : i32
    %scan3A_18 = arith.constant 0 : i32
    %scan3A_19 = arith.constant 20 : i32
    %scan3A_20 = arith.addi %scan3A_18, %scan3A_19 : i32
    %scan3A_21 = arith.constant 1 : i32
    scf.for %scan3A_89 = %scan3A_18 to %scan3A_20 step %scan3A_21  : i32 {
      %mul3A_90 = arith.constant 2 : i32
      %mul3A_91 = arith.muli %mul3A_90, %scan3A_89 : i32
      %dma_wait3A_92 = arith.constant 0 : i32
      %dma_wait3A_93 = arith.constant 0 : i32
      %dma_wait3A_94 = tpu.memref_slice %arg7[%dma_wait3A_92, %dma_wait3A_93] : memref<40x128xi32, #tpu.memory_space<vmem>> -> memref<1x128xi32, #tpu.memory_space<vmem>>
      %dma_wait3A_95 = tpu.memref_squeeze %dma_wait3A_94 : memref<1x128xi32, #tpu.memory_space<vmem>> -> memref<128xi32, #tpu.memory_space<vmem>>
      %dma_wait3A_96 = arith.constant 0 : i32
      %dma_wait3A_97 = arith.constant 0 : i32
      %dma_wait3A_98 = tpu.memref_slice %arg2[%dma_wait3A_96, %dma_wait3A_97] : memref<10000x128xf32, #tpu.memory_space<hbm>> -> memref<10000x128xf32, #tpu.memory_space<hbm>>
      tpu.wait_indirect_dma semaphore(%arg12 : memref<!tpu.dma_semaphore, #tpu.memory_space<semaphore_mem>>) src(%dma_wait3A_98 : memref<10000x128xf32, #tpu.memory_space<hbm>>) dst(%arg9 : memref<128x128xf32, #tpu.memory_space<vmem>>)
      %dma_start3A_99 = arith.constant 0 : i32
      %dma_start3A_100 = tpu.memref_slice %arg8[%mul3A_91, %dma_start3A_99] : memref<40x128xi32, #tpu.memory_space<vmem>> -> memref<1x128xi32, #tpu.memory_space<vmem>>
      %dma_start3A_101 = tpu.memref_squeeze %dma_start3A_100 : memref<1x128xi32, #tpu.memory_space<vmem>> -> memref<128xi32, #tpu.memory_space<vmem>>
      %dma_start3A_102 = arith.constant 0 : i32
      %dma_start3A_103 = arith.constant 0 : i32
      %dma_start3A_104 = tpu.memref_slice %arg11[%dma_start3A_102, %dma_start3A_103] : memref<10112x128xf32, #tpu.memory_space<vmem_shared>> -> memref<10112x128xf32, #tpu.memory_space<vmem_shared>>
      tpu.enqueue_indirect_dma source(%arg9 : memref<128x128xf32, #tpu.memory_space<vmem>>) target(%dma_start3A_104 : memref<10112x128xf32, #tpu.memory_space<vmem_shared>>) offsets(%dma_start3A_101 : memref<128xi32, #tpu.memory_space<vmem>>) semaphore(%arg14 : memref<!tpu.dma_semaphore, #tpu.memory_space<semaphore_mem>>) {add = true}
      %dma_wait3A_105 = arith.constant 0 : i32
      %dma_wait3A_106 = arith.constant 0 : i32
      %dma_wait3A_107 = tpu.memref_slice %arg7[%dma_wait3A_105, %dma_wait3A_106] : memref<40x128xi32, #tpu.memory_space<vmem>> -> memref<1x128xi32, #tpu.memory_space<vmem>>
      %dma_wait3A_108 = tpu.memref_squeeze %dma_wait3A_107 : memref<1x128xi32, #tpu.memory_space<vmem>> -> memref<128xi32, #tpu.memory_space<vmem>>
      %dma_wait3A_109 = arith.constant 0 : i32
      %dma_wait3A_110 = arith.constant 0 : i32
      %dma_wait3A_111 = tpu.memref_slice %arg2[%dma_wait3A_109, %dma_wait3A_110] : memref<10000x128xf32, #tpu.memory_space<hbm>> -> memref<10000x128xf32, #tpu.memory_space<hbm>>
      tpu.wait_indirect_dma semaphore(%arg13 : memref<!tpu.dma_semaphore, #tpu.memory_space<semaphore_mem>>) src(%dma_wait3A_111 : memref<10000x128xf32, #tpu.memory_space<hbm>>) dst(%arg10 : memref<128x128xf32, #tpu.memory_space<vmem>>)
      %add3A_112 = arith.constant 1 : i32
      %add3A_113 = arith.addi %mul3A_91, %add3A_112 : i32
      %dma_start3A_114 = arith.constant 0 : i32
      %dma_start3A_115 = tpu.memref_slice %arg8[%add3A_113, %dma_start3A_114] : memref<40x128xi32, #tpu.memory_space<vmem>> -> memref<1x128xi32, #tpu.memory_space<vmem>>
      %dma_start3A_116 = tpu.memref_squeeze %dma_start3A_115 : memref<1x128xi32, #tpu.memory_space<vmem>> -> memref<128xi32, #tpu.memory_space<vmem>>
      %dma_start3A_117 = arith.constant 0 : i32
      %dma_start3A_118 = arith.constant 0 : i32
      %dma_start3A_119 = tpu.memref_slice %arg11[%dma_start3A_117, %dma_start3A_118] : memref<10112x128xf32, #tpu.memory_space<vmem_shared>> -> memref<10112x128xf32, #tpu.memory_space<vmem_shared>>
      tpu.enqueue_indirect_dma source(%arg10 : memref<128x128xf32, #tpu.memory_space<vmem>>) target(%dma_start3A_119 : memref<10112x128xf32, #tpu.memory_space<vmem_shared>>) offsets(%dma_start3A_116 : memref<128xi32, #tpu.memory_space<vmem>>) semaphore(%arg15 : memref<!tpu.dma_semaphore, #tpu.memory_space<semaphore_mem>>) {add = true}
      %dma_wait3A_120 = arith.constant 0 : i32
      %dma_wait3A_121 = tpu.memref_slice %arg8[%mul3A_91, %dma_wait3A_120] : memref<40x128xi32, #tpu.memory_space<vmem>> -> memref<1x128xi32, #tpu.memory_space<vmem>>
      %dma_wait3A_122 = tpu.memref_squeeze %dma_wait3A_121 : memref<1x128xi32, #tpu.memory_space<vmem>> -> memref<128xi32, #tpu.memory_space<vmem>>
      %dma_wait3A_123 = arith.constant 0 : i32
      %dma_wait3A_124 = arith.constant 0 : i32
      %dma_wait3A_125 = tpu.memref_slice %arg11[%dma_wait3A_123, %dma_wait3A_124] : memref<10112x128xf32, #tpu.memory_space<vmem_shared>> -> memref<10112x128xf32, #tpu.memory_space<vmem_shared>>
      tpu.wait_indirect_dma semaphore(%arg14 : memref<!tpu.dma_semaphore, #tpu.memory_space<semaphore_mem>>) src(%arg9 : memref<128x128xf32, #tpu.memory_space<vmem>>) dst(%dma_wait3A_125 : memref<10112x128xf32, #tpu.memory_space<vmem_shared>>)
      %add3A_126 = arith.constant 2 : i32
      %add3A_127 = arith.addi %mul3A_91, %add3A_126 : i32
      %min3A = arith.constant 39 : i32
      %min3A_128 = arith.minsi %add3A_127, %min3A : i32
      %dma_start3A_129 = arith.constant 0 : i32
      %dma_start3A_130 = tpu.memref_slice %arg7[%min3A_128, %dma_start3A_129] : memref<40x128xi32, #tpu.memory_space<vmem>> -> memref<1x128xi32, #tpu.memory_space<vmem>>
      %dma_start3A_131 = tpu.memref_squeeze %dma_start3A_130 : memref<1x128xi32, #tpu.memory_space<vmem>> -> memref<128xi32, #tpu.memory_space<vmem>>
      %dma_start3A_132 = arith.constant 0 : i32
      %dma_start3A_133 = arith.constant 0 : i32
      %dma_start3A_134 = tpu.memref_slice %arg2[%dma_start3A_132, %dma_start3A_133] : memref<10000x128xf32, #tpu.memory_space<hbm>> -> memref<10000x128xf32, #tpu.memory_space<hbm>>
      tpu.enqueue_indirect_dma source(%dma_start3A_134 : memref<10000x128xf32, #tpu.memory_space<hbm>>) target(%arg9 : memref<128x128xf32, #tpu.memory_space<vmem>>) offsets(%dma_start3A_131 : memref<128xi32, #tpu.memory_space<vmem>>) semaphore(%arg12 : memref<!tpu.dma_semaphore, #tpu.memory_space<semaphore_mem>>)
      %add3A_135 = arith.constant 1 : i32
      %add3A_136 = arith.addi %mul3A_91, %add3A_135 : i32
      %dma_wait3A_137 = arith.constant 0 : i32
      %dma_wait3A_138 = tpu.memref_slice %arg8[%add3A_136, %dma_wait3A_137] : memref<40x128xi32, #tpu.memory_space<vmem>> -> memref<1x128xi32, #tpu.memory_space<vmem>>
      %dma_wait3A_139 = tpu.memref_squeeze %dma_wait3A_138 : memref<1x128xi32, #tpu.memory_space<vmem>> -> memref<128xi32, #tpu.memory_space<vmem>>
      %dma_wait3A_140 = arith.constant 0 : i32
      %dma_wait3A_141 = arith.constant 0 : i32
      %dma_wait3A_142 = tpu.memref_slice %arg11[%dma_wait3A_140, %dma_wait3A_141] : memref<10112x128xf32, #tpu.memory_space<vmem_shared>> -> memref<10112x128xf32, #tpu.memory_space<vmem_shared>>
      tpu.wait_indirect_dma semaphore(%arg15 : memref<!tpu.dma_semaphore, #tpu.memory_space<semaphore_mem>>) src(%arg10 : memref<128x128xf32, #tpu.memory_space<vmem>>) dst(%dma_wait3A_142 : memref<10112x128xf32, #tpu.memory_space<vmem_shared>>)
      %add3A_143 = arith.constant 3 : i32
      %add3A_144 = arith.addi %mul3A_91, %add3A_143 : i32
      %min3A_145 = arith.constant 39 : i32
      %min3A_146 = arith.minsi %add3A_144, %min3A_145 : i32
      %dma_start3A_147 = arith.constant 0 : i32
      %dma_start3A_148 = tpu.memref_slice %arg7[%min3A_146, %dma_start3A_147] : memref<40x128xi32, #tpu.memory_space<vmem>> -> memref<1x128xi32, #tpu.memory_space<vmem>>
      %dma_start3A_149 = tpu.memref_squeeze %dma_start3A_148 : memref<1x128xi32, #tpu.memory_space<vmem>> -> memref<128xi32, #tpu.memory_space<vmem>>
      %dma_start3A_150 = arith.constant 0 : i32
      %dma_start3A_151 = arith.constant 0 : i32
      %dma_start3A_152 = tpu.memref_slice %arg2[%dma_start3A_150, %dma_start3A_151] : memref<10000x128xf32, #tpu.memory_space<hbm>> -> memref<10000x128xf32, #tpu.memory_space<hbm>>
      tpu.enqueue_indirect_dma source(%dma_start3A_152 : memref<10000x128xf32, #tpu.memory_space<hbm>>) target(%arg10 : memref<128x128xf32, #tpu.memory_space<vmem>>) offsets(%dma_start3A_149 : memref<128xi32, #tpu.memory_space<vmem>>) semaphore(%arg13 : memref<!tpu.dma_semaphore, #tpu.memory_space<semaphore_mem>>)
    }
    %scan3A_22 = arith.constant 20 : i32
    %dma_wait3A = arith.constant 0 : i32
    %dma_wait3A_23 = arith.constant 0 : i32
    %dma_wait3A_24 = tpu.memref_slice %arg7[%dma_wait3A, %dma_wait3A_23] : memref<40x128xi32, #tpu.memory_space<vmem>> -> memref<1x128xi32, #tpu.memory_space<vmem>>
    %dma_wait3A_25 = tpu.memref_squeeze %dma_wait3A_24 : memref<1x128xi32, #tpu.memory_space<vmem>> -> memref<128xi32, #tpu.memory_space<vmem>>
    %dma_wait3A_26 = arith.constant 0 : i32
    %dma_wait3A_27 = arith.constant 0 : i32
    %dma_wait3A_28 = tpu.memref_slice %arg2[%dma_wait3A_26, %dma_wait3A_27] : memref<10000x128xf32, #tpu.memory_space<hbm>> -> memref<10000x128xf32, #tpu.memory_space<hbm>>
    tpu.wait_indirect_dma semaphore(%arg12 : memref<!tpu.dma_semaphore, #tpu.memory_space<semaphore_mem>>) src(%dma_wait3A_28 : memref<10000x128xf32, #tpu.memory_space<hbm>>) dst(%arg9 : memref<128x128xf32, #tpu.memory_space<vmem>>)
    %dma_wait3A_29 = arith.constant 0 : i32
    %dma_wait3A_30 = arith.constant 0 : i32
    %dma_wait3A_31 = tpu.memref_slice %arg7[%dma_wait3A_29, %dma_wait3A_30] : memref<40x128xi32, #tpu.memory_space<vmem>> -> memref<1x128xi32, #tpu.memory_space<vmem>>
    %dma_wait3A_32 = tpu.memref_squeeze %dma_wait3A_31 : memref<1x128xi32, #tpu.memory_space<vmem>> -> memref<128xi32, #tpu.memory_space<vmem>>
    %dma_wait3A_33 = arith.constant 0 : i32
    %dma_wait3A_34 = arith.constant 0 : i32
    %dma_wait3A_35 = tpu.memref_slice %arg2[%dma_wait3A_33, %dma_wait3A_34] : memref<10000x128xf32, #tpu.memory_space<hbm>> -> memref<10000x128xf32, #tpu.memory_space<hbm>>
    tpu.wait_indirect_dma semaphore(%arg13 : memref<!tpu.dma_semaphore, #tpu.memory_space<semaphore_mem>>) src(%dma_wait3A_35 : memref<10000x128xf32, #tpu.memory_space<hbm>>) dst(%arg10 : memref<128x128xf32, #tpu.memory_space<vmem>>)
    "tpu.region"() ({
      %run_scoped3A_89 = tpu.sem_alloc : memref<!tpu.dma_semaphore, #tpu.memory_space<semaphore_mem>>
      %dma_start3A_90 = arith.constant 0 : i32
      %dma_start3A_91 = arith.constant 0 : i32
      %dma_start3A_92 = tpu.memref_slice %arg7[%dma_start3A_90, %dma_start3A_91] : memref<40x128xi32, #tpu.memory_space<vmem>> -> memref<39x128xi32, #tpu.memory_space<vmem>>
      %dma_start3A_93 = arith.constant 40 : i32
      %dma_start3A_94 = arith.constant 0 : i32
      %dma_start3A_95 = tpu.memref_slice %arg3[%add3A, %dma_start3A_93, %dma_start3A_94] : memref<32x79x128xi32, #tpu.memory_space<hbm>> -> memref<1x39x128xi32, #tpu.memory_space<hbm>>
      %dma_start3A_96 = tpu.memref_squeeze %dma_start3A_95 : memref<1x39x128xi32, #tpu.memory_space<hbm>> -> memref<39x128xi32, #tpu.memory_space<hbm>>
      %dma_start3A_97 = arith.constant 0 : i32
      %dma_start3A_98 = arith.constant 0 : i32
      %dma_start3A_99 = tpu.memref_slice %arg7[%dma_start3A_97, %dma_start3A_98] : memref<40x128xi32, #tpu.memory_space<vmem>> -> memref<39x128xi32, #tpu.memory_space<vmem>>
      %dma_start3A_100 = arith.constant 40 : i32
      %dma_start3A_101 = arith.constant 0 : i32
      %dma_start3A_102 = tpu.memref_slice %arg3[%add3A, %dma_start3A_100, %dma_start3A_101] : memref<32x79x128xi32, #tpu.memory_space<hbm>> -> memref<1x39x128xi32, #tpu.memory_space<hbm>>
      %dma_start3A_103 = tpu.memref_squeeze %dma_start3A_102 : memref<1x39x128xi32, #tpu.memory_space<hbm>> -> memref<39x128xi32, #tpu.memory_space<hbm>>
      tpu.enqueue_dma source(%dma_start3A_103 : memref<39x128xi32, #tpu.memory_space<hbm>>) target(%dma_start3A_99 : memref<39x128xi32, #tpu.memory_space<vmem>>) target_semaphore(%run_scoped3A_89 : memref<!tpu.dma_semaphore, #tpu.memory_space<semaphore_mem>>)
      %dma_wait3A_104 = arith.constant 0 : i32
      %dma_wait3A_105 = arith.constant 0 : i32
      %dma_wait3A_106 = tpu.memref_slice %arg7[%dma_wait3A_104, %dma_wait3A_105] : memref<40x128xi32, #tpu.memory_space<vmem>> -> memref<39x128xi32, #tpu.memory_space<vmem>>
      %dma_wait3A_107 = arith.constant 40 : i32
      %dma_wait3A_108 = arith.constant 0 : i32
      %dma_wait3A_109 = tpu.memref_slice %arg3[%add3A, %dma_wait3A_107, %dma_wait3A_108] : memref<32x79x128xi32, #tpu.memory_space<hbm>> -> memref<1x39x128xi32, #tpu.memory_space<hbm>>
      %dma_wait3A_110 = tpu.memref_squeeze %dma_wait3A_109 : memref<1x39x128xi32, #tpu.memory_space<hbm>> -> memref<39x128xi32, #tpu.memory_space<hbm>>
      %dma_wait3A_111 = arith.constant 0 : i32
      %dma_wait3A_112 = arith.constant 0 : i32
      %dma_wait3A_113 = tpu.memref_slice %arg7[%dma_wait3A_111, %dma_wait3A_112] : memref<40x128xi32, #tpu.memory_space<vmem>> -> memref<39x128xi32, #tpu.memory_space<vmem>>
      %dma_wait3A_114 = arith.constant 40 : i32
      %dma_wait3A_115 = arith.constant 0 : i32
      %dma_wait3A_116 = tpu.memref_slice %arg3[%add3A, %dma_wait3A_114, %dma_wait3A_115] : memref<32x79x128xi32, #tpu.memory_space<hbm>> -> memref<1x39x128xi32, #tpu.memory_space<hbm>>
      %dma_wait3A_117 = tpu.memref_squeeze %dma_wait3A_116 : memref<1x39x128xi32, #tpu.memory_space<hbm>> -> memref<39x128xi32, #tpu.memory_space<hbm>>
      tpu.wait_dma2 semaphore(%run_scoped3A_89 : memref<!tpu.dma_semaphore, #tpu.memory_space<semaphore_mem>>) src(%dma_wait3A_117 : memref<39x128xi32, #tpu.memory_space<hbm>>) dst(%dma_wait3A_113 : memref<39x128xi32, #tpu.memory_space<vmem>>)
      tpu.yield
    }) : () -> ()
    "tpu.region"() ({
      %run_scoped3A_89 = tpu.sem_alloc : memref<!tpu.dma_semaphore, #tpu.memory_space<semaphore_mem>>
      %dma_start3A_90 = arith.constant 0 : i32
      %dma_start3A_91 = arith.constant 0 : i32
      %dma_start3A_92 = tpu.memref_slice %arg8[%dma_start3A_90, %dma_start3A_91] : memref<40x128xi32, #tpu.memory_space<vmem>> -> memref<39x128xi32, #tpu.memory_space<vmem>>
      %dma_start3A_93 = arith.constant 40 : i32
      %dma_start3A_94 = arith.constant 0 : i32
      %dma_start3A_95 = tpu.memref_slice %arg4[%add3A, %dma_start3A_93, %dma_start3A_94] : memref<32x79x128xi32, #tpu.memory_space<hbm>> -> memref<1x39x128xi32, #tpu.memory_space<hbm>>
      %dma_start3A_96 = tpu.memref_squeeze %dma_start3A_95 : memref<1x39x128xi32, #tpu.memory_space<hbm>> -> memref<39x128xi32, #tpu.memory_space<hbm>>
      %dma_start3A_97 = arith.constant 0 : i32
      %dma_start3A_98 = arith.constant 0 : i32
      %dma_start3A_99 = tpu.memref_slice %arg8[%dma_start3A_97, %dma_start3A_98] : memref<40x128xi32, #tpu.memory_space<vmem>> -> memref<39x128xi32, #tpu.memory_space<vmem>>
      %dma_start3A_100 = arith.constant 40 : i32
      %dma_start3A_101 = arith.constant 0 : i32
      %dma_start3A_102 = tpu.memref_slice %arg4[%add3A, %dma_start3A_100, %dma_start3A_101] : memref<32x79x128xi32, #tpu.memory_space<hbm>> -> memref<1x39x128xi32, #tpu.memory_space<hbm>>
      %dma_start3A_103 = tpu.memref_squeeze %dma_start3A_102 : memref<1x39x128xi32, #tpu.memory_space<hbm>> -> memref<39x128xi32, #tpu.memory_space<hbm>>
      tpu.enqueue_dma source(%dma_start3A_103 : memref<39x128xi32, #tpu.memory_space<hbm>>) target(%dma_start3A_99 : memref<39x128xi32, #tpu.memory_space<vmem>>) target_semaphore(%run_scoped3A_89 : memref<!tpu.dma_semaphore, #tpu.memory_space<semaphore_mem>>)
      %dma_wait3A_104 = arith.constant 0 : i32
      %dma_wait3A_105 = arith.constant 0 : i32
      %dma_wait3A_106 = tpu.memref_slice %arg8[%dma_wait3A_104, %dma_wait3A_105] : memref<40x128xi32, #tpu.memory_space<vmem>> -> memref<39x128xi32, #tpu.memory_space<vmem>>
      %dma_wait3A_107 = arith.constant 40 : i32
      %dma_wait3A_108 = arith.constant 0 : i32
      %dma_wait3A_109 = tpu.memref_slice %arg4[%add3A, %dma_wait3A_107, %dma_wait3A_108] : memref<32x79x128xi32, #tpu.memory_space<hbm>> -> memref<1x39x128xi32, #tpu.memory_space<hbm>>
      %dma_wait3A_110 = tpu.memref_squeeze %dma_wait3A_109 : memref<1x39x128xi32, #tpu.memory_space<hbm>> -> memref<39x128xi32, #tpu.memory_space<hbm>>
      %dma_wait3A_111 = arith.constant 0 : i32
      %dma_wait3A_112 = arith.constant 0 : i32
      %dma_wait3A_113 = tpu.memref_slice %arg8[%dma_wait3A_111, %dma_wait3A_112] : memref<40x128xi32, #tpu.memory_space<vmem>> -> memref<39x128xi32, #tpu.memory_space<vmem>>
      %dma_wait3A_114 = arith.constant 40 : i32
      %dma_wait3A_115 = arith.constant 0 : i32
      %dma_wait3A_116 = tpu.memref_slice %arg4[%add3A, %dma_wait3A_114, %dma_wait3A_115] : memref<32x79x128xi32, #tpu.memory_space<hbm>> -> memref<1x39x128xi32, #tpu.memory_space<hbm>>
      %dma_wait3A_117 = tpu.memref_squeeze %dma_wait3A_116 : memref<1x39x128xi32, #tpu.memory_space<hbm>> -> memref<39x128xi32, #tpu.memory_space<hbm>>
      tpu.wait_dma2 semaphore(%run_scoped3A_89 : memref<!tpu.dma_semaphore, #tpu.memory_space<semaphore_mem>>) src(%dma_wait3A_117 : memref<39x128xi32, #tpu.memory_space<hbm>>) dst(%dma_wait3A_113 : memref<39x128xi32, #tpu.memory_space<vmem>>)
      tpu.yield
    }) : () -> ()
    %dma_start3A_36 = arith.constant 0 : i32
    %dma_start3A_37 = arith.constant 0 : i32
    %dma_start3A_38 = tpu.memref_slice %arg7[%dma_start3A_36, %dma_start3A_37] : memref<40x128xi32, #tpu.memory_space<vmem>> -> memref<1x128xi32, #tpu.memory_space<vmem>>
    %dma_start3A_39 = tpu.memref_squeeze %dma_start3A_38 : memref<1x128xi32, #tpu.memory_space<vmem>> -> memref<128xi32, #tpu.memory_space<vmem>>
    %dma_start3A_40 = arith.constant 0 : i32
    %dma_start3A_41 = arith.constant 0 : i32
    %dma_start3A_42 = tpu.memref_slice %arg2[%dma_start3A_40, %dma_start3A_41] : memref<10000x128xf32, #tpu.memory_space<hbm>> -> memref<10000x128xf32, #tpu.memory_space<hbm>>
    tpu.enqueue_indirect_dma source(%dma_start3A_42 : memref<10000x128xf32, #tpu.memory_space<hbm>>) target(%arg9 : memref<128x128xf32, #tpu.memory_space<vmem>>) offsets(%dma_start3A_39 : memref<128xi32, #tpu.memory_space<vmem>>) semaphore(%arg12 : memref<!tpu.dma_semaphore, #tpu.memory_space<semaphore_mem>>)
    %dma_start3A_43 = arith.constant 1 : i32
    %dma_start3A_44 = arith.constant 0 : i32
    %dma_start3A_45 = tpu.memref_slice %arg7[%dma_start3A_43, %dma_start3A_44] : memref<40x128xi32, #tpu.memory_space<vmem>> -> memref<1x128xi32, #tpu.memory_space<vmem>>
    %dma_start3A_46 = tpu.memref_squeeze %dma_start3A_45 : memref<1x128xi32, #tpu.memory_space<vmem>> -> memref<128xi32, #tpu.memory_space<vmem>>
    %dma_start3A_47 = arith.constant 0 : i32
    %dma_start3A_48 = arith.constant 0 : i32
    %dma_start3A_49 = tpu.memref_slice %arg2[%dma_start3A_47, %dma_start3A_48] : memref<10000x128xf32, #tpu.memory_space<hbm>> -> memref<10000x128xf32, #tpu.memory_space<hbm>>
    tpu.enqueue_indirect_dma source(%dma_start3A_49 : memref<10000x128xf32, #tpu.memory_space<hbm>>) target(%arg10 : memref<128x128xf32, #tpu.memory_space<vmem>>) offsets(%dma_start3A_46 : memref<128xi32, #tpu.memory_space<vmem>>) semaphore(%arg13 : memref<!tpu.dma_semaphore, #tpu.memory_space<semaphore_mem>>)
    %scan3A_50 = arith.constant 0 : i32
    %scan3A_51 = arith.constant 0 : i32
    %scan3A_52 = arith.constant 19 : i32
    %scan3A_53 = arith.addi %scan3A_51, %scan3A_52 : i32
    %scan3A_54 = arith.constant 1 : i32
    scf.for %scan3A_89 = %scan3A_51 to %scan3A_53 step %scan3A_54  : i32 {
      %mul3A_90 = arith.constant 2 : i32
      %mul3A_91 = arith.muli %mul3A_90, %scan3A_89 : i32
      %dma_wait3A_92 = arith.constant 0 : i32
      %dma_wait3A_93 = arith.constant 0 : i32
      %dma_wait3A_94 = tpu.memref_slice %arg7[%dma_wait3A_92, %dma_wait3A_93] : memref<40x128xi32, #tpu.memory_space<vmem>> -> memref<1x128xi32, #tpu.memory_space<vmem>>
      %dma_wait3A_95 = tpu.memref_squeeze %dma_wait3A_94 : memref<1x128xi32, #tpu.memory_space<vmem>> -> memref<128xi32, #tpu.memory_space<vmem>>
      %dma_wait3A_96 = arith.constant 0 : i32
      %dma_wait3A_97 = arith.constant 0 : i32
      %dma_wait3A_98 = tpu.memref_slice %arg2[%dma_wait3A_96, %dma_wait3A_97] : memref<10000x128xf32, #tpu.memory_space<hbm>> -> memref<10000x128xf32, #tpu.memory_space<hbm>>
      tpu.wait_indirect_dma semaphore(%arg12 : memref<!tpu.dma_semaphore, #tpu.memory_space<semaphore_mem>>) src(%dma_wait3A_98 : memref<10000x128xf32, #tpu.memory_space<hbm>>) dst(%arg9 : memref<128x128xf32, #tpu.memory_space<vmem>>)
      %dma_start3A_99 = arith.constant 0 : i32
      %dma_start3A_100 = tpu.memref_slice %arg8[%mul3A_91, %dma_start3A_99] : memref<40x128xi32, #tpu.memory_space<vmem>> -> memref<1x128xi32, #tpu.memory_space<vmem>>
      %dma_start3A_101 = tpu.memref_squeeze %dma_start3A_100 : memref<1x128xi32, #tpu.memory_space<vmem>> -> memref<128xi32, #tpu.memory_space<vmem>>
      %dma_start3A_102 = arith.constant 0 : i32
      %dma_start3A_103 = arith.constant 0 : i32
      %dma_start3A_104 = tpu.memref_slice %arg11[%dma_start3A_102, %dma_start3A_103] : memref<10112x128xf32, #tpu.memory_space<vmem_shared>> -> memref<10112x128xf32, #tpu.memory_space<vmem_shared>>
      tpu.enqueue_indirect_dma source(%arg9 : memref<128x128xf32, #tpu.memory_space<vmem>>) target(%dma_start3A_104 : memref<10112x128xf32, #tpu.memory_space<vmem_shared>>) offsets(%dma_start3A_101 : memref<128xi32, #tpu.memory_space<vmem>>) semaphore(%arg14 : memref<!tpu.dma_semaphore, #tpu.memory_space<semaphore_mem>>) {add = true}
      %dma_wait3A_105 = arith.constant 0 : i32
      %dma_wait3A_106 = arith.constant 0 : i32
      %dma_wait3A_107 = tpu.memref_slice %arg7[%dma_wait3A_105, %dma_wait3A_106] : memref<40x128xi32, #tpu.memory_space<vmem>> -> memref<1x128xi32, #tpu.memory_space<vmem>>
      %dma_wait3A_108 = tpu.memref_squeeze %dma_wait3A_107 : memref<1x128xi32, #tpu.memory_space<vmem>> -> memref<128xi32, #tpu.memory_space<vmem>>
      %dma_wait3A_109 = arith.constant 0 : i32
      %dma_wait3A_110 = arith.constant 0 : i32
      %dma_wait3A_111 = tpu.memref_slice %arg2[%dma_wait3A_109, %dma_wait3A_110] : memref<10000x128xf32, #tpu.memory_space<hbm>> -> memref<10000x128xf32, #tpu.memory_space<hbm>>
      tpu.wait_indirect_dma semaphore(%arg13 : memref<!tpu.dma_semaphore, #tpu.memory_space<semaphore_mem>>) src(%dma_wait3A_111 : memref<10000x128xf32, #tpu.memory_space<hbm>>) dst(%arg10 : memref<128x128xf32, #tpu.memory_space<vmem>>)
      %add3A_112 = arith.constant 1 : i32
      %add3A_113 = arith.addi %mul3A_91, %add3A_112 : i32
      %dma_start3A_114 = arith.constant 0 : i32
      %dma_start3A_115 = tpu.memref_slice %arg8[%add3A_113, %dma_start3A_114] : memref<40x128xi32, #tpu.memory_space<vmem>> -> memref<1x128xi32, #tpu.memory_space<vmem>>
      %dma_start3A_116 = tpu.memref_squeeze %dma_start3A_115 : memref<1x128xi32, #tpu.memory_space<vmem>> -> memref<128xi32, #tpu.memory_space<vmem>>
      %dma_start3A_117 = arith.constant 0 : i32
      %dma_start3A_118 = arith.constant 0 : i32
      %dma_start3A_119 = tpu.memref_slice %arg11[%dma_start3A_117, %dma_start3A_118] : memref<10112x128xf32, #tpu.memory_space<vmem_shared>> -> memref<10112x128xf32, #tpu.memory_space<vmem_shared>>
      tpu.enqueue_indirect_dma source(%arg10 : memref<128x128xf32, #tpu.memory_space<vmem>>) target(%dma_start3A_119 : memref<10112x128xf32, #tpu.memory_space<vmem_shared>>) offsets(%dma_start3A_116 : memref<128xi32, #tpu.memory_space<vmem>>) semaphore(%arg15 : memref<!tpu.dma_semaphore, #tpu.memory_space<semaphore_mem>>) {add = true}
      %dma_wait3A_120 = arith.constant 0 : i32
      %dma_wait3A_121 = tpu.memref_slice %arg8[%mul3A_91, %dma_wait3A_120] : memref<40x128xi32, #tpu.memory_space<vmem>> -> memref<1x128xi32, #tpu.memory_space<vmem>>
      %dma_wait3A_122 = tpu.memref_squeeze %dma_wait3A_121 : memref<1x128xi32, #tpu.memory_space<vmem>> -> memref<128xi32, #tpu.memory_space<vmem>>
      %dma_wait3A_123 = arith.constant 0 : i32
      %dma_wait3A_124 = arith.constant 0 : i32
      %dma_wait3A_125 = tpu.memref_slice %arg11[%dma_wait3A_123, %dma_wait3A_124] : memref<10112x128xf32, #tpu.memory_space<vmem_shared>> -> memref<10112x128xf32, #tpu.memory_space<vmem_shared>>
      tpu.wait_indirect_dma semaphore(%arg14 : memref<!tpu.dma_semaphore, #tpu.memory_space<semaphore_mem>>) src(%arg9 : memref<128x128xf32, #tpu.memory_space<vmem>>) dst(%dma_wait3A_125 : memref<10112x128xf32, #tpu.memory_space<vmem_shared>>)
      %add3A_126 = arith.constant 2 : i32
      %add3A_127 = arith.addi %mul3A_91, %add3A_126 : i32
      %min3A = arith.constant 37 : i32
      %min3A_128 = arith.minsi %add3A_127, %min3A : i32
      %dma_start3A_129 = arith.constant 0 : i32
      %dma_start3A_130 = tpu.memref_slice %arg7[%min3A_128, %dma_start3A_129] : memref<40x128xi32, #tpu.memory_space<vmem>> -> memref<1x128xi32, #tpu.memory_space<vmem>>
      %dma_start3A_131 = tpu.memref_squeeze %dma_start3A_130 : memref<1x128xi32, #tpu.memory_space<vmem>> -> memref<128xi32, #tpu.memory_space<vmem>>
      %dma_start3A_132 = arith.constant 0 : i32
      %dma_start3A_133 = arith.constant 0 : i32
      %dma_start3A_134 = tpu.memref_slice %arg2[%dma_start3A_132, %dma_start3A_133] : memref<10000x128xf32, #tpu.memory_space<hbm>> -> memref<10000x128xf32, #tpu.memory_space<hbm>>
      tpu.enqueue_indirect_dma source(%dma_start3A_134 : memref<10000x128xf32, #tpu.memory_space<hbm>>) target(%arg9 : memref<128x128xf32, #tpu.memory_space<vmem>>) offsets(%dma_start3A_131 : memref<128xi32, #tpu.memory_space<vmem>>) semaphore(%arg12 : memref<!tpu.dma_semaphore, #tpu.memory_space<semaphore_mem>>)
      %add3A_135 = arith.constant 1 : i32
      %add3A_136 = arith.addi %mul3A_91, %add3A_135 : i32
      %dma_wait3A_137 = arith.constant 0 : i32
      %dma_wait3A_138 = tpu.memref_slice %arg8[%add3A_136, %dma_wait3A_137] : memref<40x128xi32, #tpu.memory_space<vmem>> -> memref<1x128xi32, #tpu.memory_space<vmem>>
      %dma_wait3A_139 = tpu.memref_squeeze %dma_wait3A_138 : memref<1x128xi32, #tpu.memory_space<vmem>> -> memref<128xi32, #tpu.memory_space<vmem>>
      %dma_wait3A_140 = arith.constant 0 : i32
      %dma_wait3A_141 = arith.constant 0 : i32
      %dma_wait3A_142 = tpu.memref_slice %arg11[%dma_wait3A_140, %dma_wait3A_141] : memref<10112x128xf32, #tpu.memory_space<vmem_shared>> -> memref<10112x128xf32, #tpu.memory_space<vmem_shared>>
      tpu.wait_indirect_dma semaphore(%arg15 : memref<!tpu.dma_semaphore, #tpu.memory_space<semaphore_mem>>) src(%arg10 : memref<128x128xf32, #tpu.memory_space<vmem>>) dst(%dma_wait3A_142 : memref<10112x128xf32, #tpu.memory_space<vmem_shared>>)
      %add3A_143 = arith.constant 3 : i32
      %add3A_144 = arith.addi %mul3A_91, %add3A_143 : i32
      %min3A_145 = arith.constant 37 : i32
      %min3A_146 = arith.minsi %add3A_144, %min3A_145 : i32
      %dma_start3A_147 = arith.constant 0 : i32
      %dma_start3A_148 = tpu.memref_slice %arg7[%min3A_146, %dma_start3A_147] : memref<40x128xi32, #tpu.memory_space<vmem>> -> memref<1x128xi32, #tpu.memory_space<vmem>>
      %dma_start3A_149 = tpu.memref_squeeze %dma_start3A_148 : memref<1x128xi32, #tpu.memory_space<vmem>> -> memref<128xi32, #tpu.memory_space<vmem>>
      %dma_start3A_150 = arith.constant 0 : i32
      %dma_start3A_151 = arith.constant 0 : i32
      %dma_start3A_152 = tpu.memref_slice %arg2[%dma_start3A_150, %dma_start3A_151] : memref<10000x128xf32, #tpu.memory_space<hbm>> -> memref<10000x128xf32, #tpu.memory_space<hbm>>
      tpu.enqueue_indirect_dma source(%dma_start3A_152 : memref<10000x128xf32, #tpu.memory_space<hbm>>) target(%arg10 : memref<128x128xf32, #tpu.memory_space<vmem>>) offsets(%dma_start3A_149 : memref<128xi32, #tpu.memory_space<vmem>>) semaphore(%arg13 : memref<!tpu.dma_semaphore, #tpu.memory_space<semaphore_mem>>)
    }
    %scan3A_55 = arith.constant 19 : i32
    %dma_wait3A_56 = arith.constant 0 : i32
    %dma_wait3A_57 = arith.constant 0 : i32
    %dma_wait3A_58 = tpu.memref_slice %arg7[%dma_wait3A_56, %dma_wait3A_57] : memref<40x128xi32, #tpu.memory_space<vmem>> -> memref<1x128xi32, #tpu.memory_space<vmem>>
    %dma_wait3A_59 = tpu.memref_squeeze %dma_wait3A_58 : memref<1x128xi32, #tpu.memory_space<vmem>> -> memref<128xi32, #tpu.memory_space<vmem>>
    %dma_wait3A_60 = arith.constant 0 : i32
    %dma_wait3A_61 = arith.constant 0 : i32
    %dma_wait3A_62 = tpu.memref_slice %arg2[%dma_wait3A_60, %dma_wait3A_61] : memref<10000x128xf32, #tpu.memory_space<hbm>> -> memref<10000x128xf32, #tpu.memory_space<hbm>>
    tpu.wait_indirect_dma semaphore(%arg12 : memref<!tpu.dma_semaphore, #tpu.memory_space<semaphore_mem>>) src(%dma_wait3A_62 : memref<10000x128xf32, #tpu.memory_space<hbm>>) dst(%arg9 : memref<128x128xf32, #tpu.memory_space<vmem>>)
    %dma_wait3A_63 = arith.constant 0 : i32
    %dma_wait3A_64 = arith.constant 0 : i32
    %dma_wait3A_65 = tpu.memref_slice %arg7[%dma_wait3A_63, %dma_wait3A_64] : memref<40x128xi32, #tpu.memory_space<vmem>> -> memref<1x128xi32, #tpu.memory_space<vmem>>
    %dma_wait3A_66 = tpu.memref_squeeze %dma_wait3A_65 : memref<1x128xi32, #tpu.memory_space<vmem>> -> memref<128xi32, #tpu.memory_space<vmem>>
    %dma_wait3A_67 = arith.constant 0 : i32
    %dma_wait3A_68 = arith.constant 0 : i32
    %dma_wait3A_69 = tpu.memref_slice %arg2[%dma_wait3A_67, %dma_wait3A_68] : memref<10000x128xf32, #tpu.memory_space<hbm>> -> memref<10000x128xf32, #tpu.memory_space<hbm>>
    tpu.wait_indirect_dma semaphore(%arg13 : memref<!tpu.dma_semaphore, #tpu.memory_space<semaphore_mem>>) src(%dma_wait3A_69 : memref<10000x128xf32, #tpu.memory_space<hbm>>) dst(%arg10 : memref<128x128xf32, #tpu.memory_space<vmem>>)
    %dma_start3A_70 = arith.constant 38 : i32
    %dma_start3A_71 = arith.constant 0 : i32
    %dma_start3A_72 = tpu.memref_slice %arg7[%dma_start3A_70, %dma_start3A_71] : memref<40x128xi32, #tpu.memory_space<vmem>> -> memref<1x128xi32, #tpu.memory_space<vmem>>
    %dma_start3A_73 = tpu.memref_squeeze %dma_start3A_72 : memref<1x128xi32, #tpu.memory_space<vmem>> -> memref<128xi32, #tpu.memory_space<vmem>>
    %dma_start3A_74 = arith.constant 0 : i32
    %dma_start3A_75 = arith.constant 0 : i32
    %dma_start3A_76 = tpu.memref_slice %arg2[%dma_start3A_74, %dma_start3A_75] : memref<10000x128xf32, #tpu.memory_space<hbm>> -> memref<10000x128xf32, #tpu.memory_space<hbm>>
    tpu.enqueue_indirect_dma source(%dma_start3A_76 : memref<10000x128xf32, #tpu.memory_space<hbm>>) target(%arg9 : memref<128x128xf32, #tpu.memory_space<vmem>>) offsets(%dma_start3A_73 : memref<128xi32, #tpu.memory_space<vmem>>) semaphore(%arg12 : memref<!tpu.dma_semaphore, #tpu.memory_space<semaphore_mem>>)
    %dma_wait3A_77 = arith.constant 38 : i32
    %dma_wait3A_78 = arith.constant 0 : i32
    %dma_wait3A_79 = tpu.memref_slice %arg7[%dma_wait3A_77, %dma_wait3A_78] : memref<40x128xi32, #tpu.memory_space<vmem>> -> memref<1x128xi32, #tpu.memory_space<vmem>>
    %dma_wait3A_80 = tpu.memref_squeeze %dma_wait3A_79 : memref<1x128xi32, #tpu.memory_space<vmem>> -> memref<128xi32, #tpu.memory_space<vmem>>
    %dma_wait3A_81 = arith.constant 0 : i32
    %dma_wait3A_82 = arith.constant 0 : i32
    %dma_wait3A_83 = tpu.memref_slice %arg2[%dma_wait3A_81, %dma_wait3A_82] : memref<10000x128xf32, #tpu.memory_space<hbm>> -> memref<10000x128xf32, #tpu.memory_space<hbm>>
    tpu.wait_indirect_dma semaphore(%arg12 : memref<!tpu.dma_semaphore, #tpu.memory_space<semaphore_mem>>) src(%dma_wait3A_83 : memref<10000x128xf32, #tpu.memory_space<hbm>>) dst(%arg9 : memref<128x128xf32, #tpu.memory_space<vmem>>)
    %run_scoped3A = arith.constant 38 : i32
    "tpu.region"() ({
      %run_scoped3A_89 = tpu.sem_alloc : memref<!tpu.dma_semaphore, #tpu.memory_space<semaphore_mem>>
      %dma_start3A_90 = arith.constant 0 : i32
      %dma_start3A_91 = tpu.memref_slice %arg8[%run_scoped3A, %dma_start3A_90] : memref<40x128xi32, #tpu.memory_space<vmem>> -> memref<1x128xi32, #tpu.memory_space<vmem>>
      %dma_start3A_92 = tpu.memref_squeeze %dma_start3A_91 : memref<1x128xi32, #tpu.memory_space<vmem>> -> memref<128xi32, #tpu.memory_space<vmem>>
      %dma_start3A_93 = arith.constant 0 : i32
      %dma_start3A_94 = arith.constant 0 : i32
      %dma_start3A_95 = tpu.memref_slice %arg11[%dma_start3A_93, %dma_start3A_94] : memref<10112x128xf32, #tpu.memory_space<vmem_shared>> -> memref<10112x128xf32, #tpu.memory_space<vmem_shared>>
      tpu.enqueue_indirect_dma source(%arg9 : memref<128x128xf32, #tpu.memory_space<vmem>>) target(%dma_start3A_95 : memref<10112x128xf32, #tpu.memory_space<vmem_shared>>) offsets(%dma_start3A_92 : memref<128xi32, #tpu.memory_space<vmem>>) semaphore(%run_scoped3A_89 : memref<!tpu.dma_semaphore, #tpu.memory_space<semaphore_mem>>) {add = true}
      %dma_wait3A_96 = arith.constant 0 : i32
      %dma_wait3A_97 = tpu.memref_slice %arg8[%run_scoped3A, %dma_wait3A_96] : memref<40x128xi32, #tpu.memory_space<vmem>> -> memref<1x128xi32, #tpu.memory_space<vmem>>
      %dma_wait3A_98 = tpu.memref_squeeze %dma_wait3A_97 : memref<1x128xi32, #tpu.memory_space<vmem>> -> memref<128xi32, #tpu.memory_space<vmem>>
      %dma_wait3A_99 = arith.constant 0 : i32
      %dma_wait3A_100 = arith.constant 0 : i32
      %dma_wait3A_101 = tpu.memref_slice %arg11[%dma_wait3A_99, %dma_wait3A_100] : memref<10112x128xf32, #tpu.memory_space<vmem_shared>> -> memref<10112x128xf32, #tpu.memory_space<vmem_shared>>
      tpu.wait_indirect_dma semaphore(%run_scoped3A_89 : memref<!tpu.dma_semaphore, #tpu.memory_space<semaphore_mem>>) src(%arg9 : memref<128x128xf32, #tpu.memory_space<vmem>>) dst(%dma_wait3A_101 : memref<10112x128xf32, #tpu.memory_space<vmem_shared>>)
      tpu.yield
    }) : () -> ()
    %barrier3A_84 = arith.constant 0 : index
    tpu.barrier barrier_id(%barrier3A_84)
    %mul3A_85 = arith.constant 632 : i32
    %mul3A_86 = arith.muli %arg1, %mul3A_85 : i32
    %mul3A_87 = arith.constant 632 : i32
    %mul3A_88 = arith.muli %arg1, %mul3A_87 : i32
    "tpu.region"() ({
      %run_scoped3A_89 = tpu.sem_alloc : memref<!tpu.dma_semaphore, #tpu.memory_space<semaphore_mem>>
      %dma_start3A_90 = arith.constant 0 : i32
      %dma_start3A_91 = tpu.memref_slice %arg6[%arg0, %mul3A_88, %dma_start3A_90] : memref<2x10112x128xf32, #tpu.memory_space<hbm>> -> memref<1x632x128xf32, #tpu.memory_space<hbm>>
      %dma_start3A_92 = tpu.memref_squeeze %dma_start3A_91 : memref<1x632x128xf32, #tpu.memory_space<hbm>> -> memref<632x128xf32, #tpu.memory_space<hbm>>
      %dma_start3A_93 = arith.constant 0 : i32
      %dma_start3A_94 = tpu.memref_slice %arg11[%mul3A_86, %dma_start3A_93] : memref<10112x128xf32, #tpu.memory_space<vmem_shared>> -> memref<632x128xf32, #tpu.memory_space<vmem_shared>>
      tpu.enqueue_dma source(%dma_start3A_94 : memref<632x128xf32, #tpu.memory_space<vmem_shared>>) target(%dma_start3A_92 : memref<632x128xf32, #tpu.memory_space<hbm>>) target_semaphore(%run_scoped3A_89 : memref<!tpu.dma_semaphore, #tpu.memory_space<semaphore_mem>>)
      %dma_wait3A_95 = arith.constant 0 : i32
      %dma_wait3A_96 = tpu.memref_slice %arg6[%arg0, %mul3A_88, %dma_wait3A_95] : memref<2x10112x128xf32, #tpu.memory_space<hbm>> -> memref<1x632x128xf32, #tpu.memory_space<hbm>>
      %dma_wait3A_97 = tpu.memref_squeeze %dma_wait3A_96 : memref<1x632x128xf32, #tpu.memory_space<hbm>> -> memref<632x128xf32, #tpu.memory_space<hbm>>
      %dma_wait3A_98 = arith.constant 0 : i32
      %dma_wait3A_99 = tpu.memref_slice %arg11[%mul3A_86, %dma_wait3A_98] : memref<10112x128xf32, #tpu.memory_space<vmem_shared>> -> memref<632x128xf32, #tpu.memory_space<vmem_shared>>
      tpu.wait_dma2 semaphore(%run_scoped3A_89 : memref<!tpu.dma_semaphore, #tpu.memory_space<semaphore_mem>>) src(%dma_wait3A_99 : memref<632x128xf32, #tpu.memory_space<vmem_shared>>) dst(%dma_wait3A_97 : memref<632x128xf32, #tpu.memory_space<hbm>>)
      tpu.yield
    }) : () -> ()
    return
  }
}

#map = affine_map<(d0, d1) -> (0, 0)>
#map1 = affine_map<(d0, d1) -> (0, 0, 0)>
module attributes {stable_mosaic.version = 14 : i64} {
  func.func @k(%arg0: i32, %arg1: i32, %arg2: memref<10000x128xf32, #tpu.memory_space<hbm>>, %arg3: memref<32x79x128xi32, #tpu.memory_space<hbm>>, %arg4: memref<32x79x128xi32, #tpu.memory_space<hbm>>, %arg5: memref<10112x128xf32, #tpu.memory_space<hbm>>, %arg6: memref<2x10112x128xf32, #tpu.memory_space<hbm>>, %arg7: memref<40x128xi32, #tpu.memory_space<vmem>>, %arg8: memref<40x128xi32, #tpu.memory_space<vmem>>, %arg9: memref<128x128xf32, #tpu.memory_space<vmem>>, %arg10: memref<128x128xf32, #tpu.memory_space<vmem>>, %arg11: memref<10112x128xf32, #tpu.memory_space<vmem_shared>>, %arg12: memref<!tpu.dma_semaphore, #tpu.memory_space<semaphore_mem>>, %arg13: memref<!tpu.dma_semaphore, #tpu.memory_space<semaphore_mem>>, %arg14: memref<!tpu.dma_semaphore, #tpu.memory_space<semaphore_mem>>, %arg15: memref<!tpu.dma_semaphore, #tpu.memory_space<semaphore_mem>>) attributes {dimension_semantics = [#tpu.dimension_semantics<core_parallel>, #tpu.dimension_semantics<subcore_parallel>], iteration_bounds = array<i64: 2, 16>, scalar_prefetch = 0 : i64, scratch_operands = 9 : i64, tpu.core_type = #tpu.core_type<sc_vector_subcore>, window_params = [{transform_indices = #map}, {transform_indices = #map1}, {transform_indices = #map1}, {transform_indices = #map}, {transform_indices = #map1}]} {
    %mul3A = arith.constant 16 : i32
    %mul3A_0 = arith.muli %arg0, %mul3A : i32
    %add3A = arith.addi %mul3A_0, %arg1 : i32
    %mul3A_1 = arith.constant 632 : i32
    %mul3A_2 = arith.muli %arg1, %mul3A_1 : i32
    %mul3A_3 = arith.constant 632 : i32
    %mul3A_4 = arith.muli %arg1, %mul3A_3 : i32
    "tpu.region"() ({
      %run_scoped3A_89 = tpu.sem_alloc : memref<!tpu.dma_semaphore, #tpu.memory_space<semaphore_mem>>
      %dma_start3A_90 = arith.constant 0 : i32
      %dma_start3A_91 = tpu.memref_slice %arg11[%mul3A_4, %dma_start3A_90] : memref<10112x128xf32, #tpu.memory_space<vmem_shared>> -> memref<632x128xf32, #tpu.memory_space<vmem_shared>>
      %dma_start3A_92 = arith.constant 0 : i32
      %dma_start3A_93 = tpu.memref_slice %arg5[%mul3A_2, %dma_start3A_92] : memref<10112x128xf32, #tpu.memory_space<hbm>> -> memref<632x128xf32, #tpu.memory_space<hbm>>
      tpu.enqueue_dma source(%dma_start3A_93 : memref<632x128xf32, #tpu.memory_space<hbm>>) target(%dma_start3A_91 : memref<632x128xf32, #tpu.memory_space<vmem_shared>>) target_semaphore(%run_scoped3A_89 : memref<!tpu.dma_semaphore, #tpu.memory_space<semaphore_mem>>)
      %dma_wait3A_94 = arith.constant 0 : i32
      %dma_wait3A_95 = tpu.memref_slice %arg11[%mul3A_4, %dma_wait3A_94] : memref<10112x128xf32, #tpu.memory_space<vmem_shared>> -> memref<632x128xf32, #tpu.memory_space<vmem_shared>>
      %dma_wait3A_96 = arith.constant 0 : i32
      %dma_wait3A_97 = tpu.memref_slice %arg5[%mul3A_2, %dma_wait3A_96] : memref<10112x128xf32, #tpu.memory_space<hbm>> -> memref<632x128xf32, #tpu.memory_space<hbm>>
      tpu.wait_dma2 semaphore(%run_scoped3A_89 : memref<!tpu.dma_semaphore, #tpu.memory_space<semaphore_mem>>) src(%dma_wait3A_97 : memref<632x128xf32, #tpu.memory_space<hbm>>) dst(%dma_wait3A_95 : memref<632x128xf32, #tpu.memory_space<vmem_shared>>)
      tpu.yield
    }) : () -> ()
    %barrier3A = arith.constant 0 : index
    tpu.barrier barrier_id(%barrier3A)
    "tpu.region"() ({
      %run_scoped3A_89 = tpu.sem_alloc : memref<!tpu.dma_semaphore, #tpu.memory_space<semaphore_mem>>
      %dma_start3A_90 = arith.constant 0 : i32
      %dma_start3A_91 = arith.constant 0 : i32
      %dma_start3A_92 = tpu.memref_slice %arg3[%add3A, %dma_start3A_90, %dma_start3A_91] : memref<32x79x128xi32, #tpu.memory_space<hbm>> -> memref<1x40x128xi32, #tpu.memory_space<hbm>>
      %dma_start3A_93 = tpu.memref_squeeze %dma_start3A_92 : memref<1x40x128xi32, #tpu.memory_space<hbm>> -> memref<40x128xi32, #tpu.memory_space<hbm>>
      %dma_start3A_94 = arith.constant 0 : i32
      %dma_start3A_95 = arith.constant 0 : i32
      %dma_start3A_96 = tpu.memref_slice %arg3[%add3A, %dma_start3A_94, %dma_start3A_95] : memref<32x79x128xi32, #tpu.memory_space<hbm>> -> memref<1x40x128xi32, #tpu.memory_space<hbm>>
      %dma_start3A_97 = tpu.memref_squeeze %dma_start3A_96 : memref<1x40x128xi32, #tpu.memory_space<hbm>> -> memref<40x128xi32, #tpu.memory_space<hbm>>
      tpu.enqueue_dma source(%dma_start3A_97 : memref<40x128xi32, #tpu.memory_space<hbm>>) target(%arg7 : memref<40x128xi32, #tpu.memory_space<vmem>>) target_semaphore(%run_scoped3A_89 : memref<!tpu.dma_semaphore, #tpu.memory_space<semaphore_mem>>)
      %dma_wait3A_98 = arith.constant 0 : i32
      %dma_wait3A_99 = arith.constant 0 : i32
      %dma_wait3A_100 = tpu.memref_slice %arg3[%add3A, %dma_wait3A_98, %dma_wait3A_99] : memref<32x79x128xi32, #tpu.memory_space<hbm>> -> memref<1x40x128xi32, #tpu.memory_space<hbm>>
      %dma_wait3A_101 = tpu.memref_squeeze %dma_wait3A_100 : memref<1x40x128xi32, #tpu.memory_space<hbm>> -> memref<40x128xi32, #tpu.memory_space<hbm>>
      %dma_wait3A_102 = arith.constant 0 : i32
      %dma_wait3A_103 = arith.constant 0 : i32
      %dma_wait3A_104 = tpu.memref_slice %arg3[%add3A, %dma_wait3A_102, %dma_wait3A_103] : memref<32x79x128xi32, #tpu.memory_space<hbm>> -> memref<1x40x128xi32, #tpu.memory_space<hbm>>
      %dma_wait3A_105 = tpu.memref_squeeze %dma_wait3A_104 : memref<1x40x128xi32, #tpu.memory_space<hbm>> -> memref<40x128xi32, #tpu.memory_space<hbm>>
      tpu.wait_dma2 semaphore(%run_scoped3A_89 : memref<!tpu.dma_semaphore, #tpu.memory_space<semaphore_mem>>) src(%dma_wait3A_105 : memref<40x128xi32, #tpu.memory_space<hbm>>) dst(%arg7 : memref<40x128xi32, #tpu.memory_space<vmem>>)
      tpu.yield
    }) : () -> ()
    "tpu.region"() ({
      %run_scoped3A_89 = tpu.sem_alloc : memref<!tpu.dma_semaphore, #tpu.memory_space<semaphore_mem>>
      %dma_start3A_90 = arith.constant 0 : i32
      %dma_start3A_91 = arith.constant 0 : i32
      %dma_start3A_92 = tpu.memref_slice %arg4[%add3A, %dma_start3A_90, %dma_start3A_91] : memref<32x79x128xi32, #tpu.memory_space<hbm>> -> memref<1x40x128xi32, #tpu.memory_space<hbm>>
      %dma_start3A_93 = tpu.memref_squeeze %dma_start3A_92 : memref<1x40x128xi32, #tpu.memory_space<hbm>> -> memref<40x128xi32, #tpu.memory_space<hbm>>
      %dma_start3A_94 = arith.constant 0 : i32
      %dma_start3A_95 = arith.constant 0 : i32
      %dma_start3A_96 = tpu.memref_slice %arg4[%add3A, %dma_start3A_94, %dma_start3A_95] : memref<32x79x128xi32, #tpu.memory_space<hbm>> -> memref<1x40x128xi32, #tpu.memory_space<hbm>>
      %dma_start3A_97 = tpu.memref_squeeze %dma_start3A_96 : memref<1x40x128xi32, #tpu.memory_space<hbm>> -> memref<40x128xi32, #tpu.memory_space<hbm>>
      tpu.enqueue_dma source(%dma_start3A_97 : memref<40x128xi32, #tpu.memory_space<hbm>>) target(%arg8 : memref<40x128xi32, #tpu.memory_space<vmem>>) target_semaphore(%run_scoped3A_89 : memref<!tpu.dma_semaphore, #tpu.memory_space<semaphore_mem>>)
      %dma_wait3A_98 = arith.constant 0 : i32
      %dma_wait3A_99 = arith.constant 0 : i32
      %dma_wait3A_100 = tpu.memref_slice %arg4[%add3A, %dma_wait3A_98, %dma_wait3A_99] : memref<32x79x128xi32, #tpu.memory_space<hbm>> -> memref<1x40x128xi32, #tpu.memory_space<hbm>>
      %dma_wait3A_101 = tpu.memref_squeeze %dma_wait3A_100 : memref<1x40x128xi32, #tpu.memory_space<hbm>> -> memref<40x128xi32, #tpu.memory_space<hbm>>
      %dma_wait3A_102 = arith.constant 0 : i32
      %dma_wait3A_103 = arith.constant 0 : i32
      %dma_wait3A_104 = tpu.memref_slice %arg4[%add3A, %dma_wait3A_102, %dma_wait3A_103] : memref<32x79x128xi32, #tpu.memory_space<hbm>> -> memref<1x40x128xi32, #tpu.memory_space<hbm>>
      %dma_wait3A_105 = tpu.memref_squeeze %dma_wait3A_104 : memref<1x40x128xi32, #tpu.memory_space<hbm>> -> memref<40x128xi32, #tpu.memory_space<hbm>>
      tpu.wait_dma2 semaphore(%run_scoped3A_89 : memref<!tpu.dma_semaphore, #tpu.memory_space<semaphore_mem>>) src(%dma_wait3A_105 : memref<40x128xi32, #tpu.memory_space<hbm>>) dst(%arg8 : memref<40x128xi32, #tpu.memory_space<vmem>>)
      tpu.yield
    }) : () -> ()
    %dma_start3A = arith.constant 0 : i32
    %dma_start3A_5 = arith.constant 0 : i32
    %dma_start3A_6 = tpu.memref_slice %arg7[%dma_start3A, %dma_start3A_5] : memref<40x128xi32, #tpu.memory_space<vmem>> -> memref<1x128xi32, #tpu.memory_space<vmem>>
    %dma_start3A_7 = tpu.memref_squeeze %dma_start3A_6 : memref<1x128xi32, #tpu.memory_space<vmem>> -> memref<128xi32, #tpu.memory_space<vmem>>
    %dma_start3A_8 = arith.constant 0 : i32
    %dma_start3A_9 = arith.constant 0 : i32
    %dma_start3A_10 = tpu.memref_slice %arg2[%dma_start3A_8, %dma_start3A_9] : memref<10000x128xf32, #tpu.memory_space<hbm>> -> memref<10000x128xf32, #tpu.memory_space<hbm>>
    tpu.enqueue_indirect_dma source(%dma_start3A_10 : memref<10000x128xf32, #tpu.memory_space<hbm>>) target(%arg9 : memref<128x128xf32, #tpu.memory_space<vmem>>) offsets(%dma_start3A_7 : memref<128xi32, #tpu.memory_space<vmem>>) semaphore(%arg12 : memref<!tpu.dma_semaphore, #tpu.memory_space<semaphore_mem>>)
    %dma_start3A_11 = arith.constant 1 : i32
    %dma_start3A_12 = arith.constant 0 : i32
    %dma_start3A_13 = tpu.memref_slice %arg7[%dma_start3A_11, %dma_start3A_12] : memref<40x128xi32, #tpu.memory_space<vmem>> -> memref<1x128xi32, #tpu.memory_space<vmem>>
    %dma_start3A_14 = tpu.memref_squeeze %dma_start3A_13 : memref<1x128xi32, #tpu.memory_space<vmem>> -> memref<128xi32, #tpu.memory_space<vmem>>
    %dma_start3A_15 = arith.constant 0 : i32
    %dma_start3A_16 = arith.constant 0 : i32
    %dma_start3A_17 = tpu.memref_slice %arg2[%dma_start3A_15, %dma_start3A_16] : memref<10000x128xf32, #tpu.memory_space<hbm>> -> memref<10000x128xf32, #tpu.memory_space<hbm>>
    tpu.enqueue_indirect_dma source(%dma_start3A_17 : memref<10000x128xf32, #tpu.memory_space<hbm>>) target(%arg10 : memref<128x128xf32, #tpu.memory_space<vmem>>) offsets(%dma_start3A_14 : memref<128xi32, #tpu.memory_space<vmem>>) semaphore(%arg13 : memref<!tpu.dma_semaphore, #tpu.memory_space<semaphore_mem>>)
    %scan3A = arith.constant 0 : i32
    %scan3A_18 = arith.constant 0 : i32
    %scan3A_19 = arith.constant 20 : i32
    %scan3A_20 = arith.addi %scan3A_18, %scan3A_19 : i32
    %scan3A_21 = arith.constant 1 : i32
    scf.for %scan3A_89 = %scan3A_18 to %scan3A_20 step %scan3A_21  : i32 {
      %mul3A_90 = arith.constant 2 : i32
      %mul3A_91 = arith.muli %mul3A_90, %scan3A_89 : i32
      %dma_wait3A_92 = arith.constant 0 : i32
      %dma_wait3A_93 = arith.constant 0 : i32
      %dma_wait3A_94 = tpu.memref_slice %arg7[%dma_wait3A_92, %dma_wait3A_93] : memref<40x128xi32, #tpu.memory_space<vmem>> -> memref<1x128xi32, #tpu.memory_space<vmem>>
      %dma_wait3A_95 = tpu.memref_squeeze %dma_wait3A_94 : memref<1x128xi32, #tpu.memory_space<vmem>> -> memref<128xi32, #tpu.memory_space<vmem>>
      %dma_wait3A_96 = arith.constant 0 : i32
      %dma_wait3A_97 = arith.constant 0 : i32
      %dma_wait3A_98 = tpu.memref_slice %arg2[%dma_wait3A_96, %dma_wait3A_97] : memref<10000x128xf32, #tpu.memory_space<hbm>> -> memref<10000x128xf32, #tpu.memory_space<hbm>>
      tpu.wait_indirect_dma semaphore(%arg12 : memref<!tpu.dma_semaphore, #tpu.memory_space<semaphore_mem>>) src(%dma_wait3A_98 : memref<10000x128xf32, #tpu.memory_space<hbm>>) dst(%arg9 : memref<128x128xf32, #tpu.memory_space<vmem>>)
      %dma_start3A_99 = arith.constant 0 : i32
      %dma_start3A_100 = tpu.memref_slice %arg8[%mul3A_91, %dma_start3A_99] : memref<40x128xi32, #tpu.memory_space<vmem>> -> memref<1x128xi32, #tpu.memory_space<vmem>>
      %dma_start3A_101 = tpu.memref_squeeze %dma_start3A_100 : memref<1x128xi32, #tpu.memory_space<vmem>> -> memref<128xi32, #tpu.memory_space<vmem>>
      %dma_start3A_102 = arith.constant 0 : i32
      %dma_start3A_103 = arith.constant 0 : i32
      %dma_start3A_104 = tpu.memref_slice %arg11[%dma_start3A_102, %dma_start3A_103] : memref<10112x128xf32, #tpu.memory_space<vmem_shared>> -> memref<10112x128xf32, #tpu.memory_space<vmem_shared>>
      tpu.enqueue_indirect_dma source(%arg9 : memref<128x128xf32, #tpu.memory_space<vmem>>) target(%dma_start3A_104 : memref<10112x128xf32, #tpu.memory_space<vmem_shared>>) offsets(%dma_start3A_101 : memref<128xi32, #tpu.memory_space<vmem>>) semaphore(%arg14 : memref<!tpu.dma_semaphore, #tpu.memory_space<semaphore_mem>>) {add = true}
      %dma_wait3A_105 = arith.constant 0 : i32
      %dma_wait3A_106 = arith.constant 0 : i32
      %dma_wait3A_107 = tpu.memref_slice %arg7[%dma_wait3A_105, %dma_wait3A_106] : memref<40x128xi32, #tpu.memory_space<vmem>> -> memref<1x128xi32, #tpu.memory_space<vmem>>
      %dma_wait3A_108 = tpu.memref_squeeze %dma_wait3A_107 : memref<1x128xi32, #tpu.memory_space<vmem>> -> memref<128xi32, #tpu.memory_space<vmem>>
      %dma_wait3A_109 = arith.constant 0 : i32
      %dma_wait3A_110 = arith.constant 0 : i32
      %dma_wait3A_111 = tpu.memref_slice %arg2[%dma_wait3A_109, %dma_wait3A_110] : memref<10000x128xf32, #tpu.memory_space<hbm>> -> memref<10000x128xf32, #tpu.memory_space<hbm>>
      tpu.wait_indirect_dma semaphore(%arg13 : memref<!tpu.dma_semaphore, #tpu.memory_space<semaphore_mem>>) src(%dma_wait3A_111 : memref<10000x128xf32, #tpu.memory_space<hbm>>) dst(%arg10 : memref<128x128xf32, #tpu.memory_space<vmem>>)
      %add3A_112 = arith.constant 1 : i32
      %add3A_113 = arith.addi %mul3A_91, %add3A_112 : i32
      %dma_start3A_114 = arith.constant 0 : i32
      %dma_start3A_115 = tpu.memref_slice %arg8[%add3A_113, %dma_start3A_114] : memref<40x128xi32, #tpu.memory_space<vmem>> -> memref<1x128xi32, #tpu.memory_space<vmem>>
      %dma_start3A_116 = tpu.memref_squeeze %dma_start3A_115 : memref<1x128xi32, #tpu.memory_space<vmem>> -> memref<128xi32, #tpu.memory_space<vmem>>
      %dma_start3A_117 = arith.constant 0 : i32
      %dma_start3A_118 = arith.constant 0 : i32
      %dma_start3A_119 = tpu.memref_slice %arg11[%dma_start3A_117, %dma_start3A_118] : memref<10112x128xf32, #tpu.memory_space<vmem_shared>> -> memref<10112x128xf32, #tpu.memory_space<vmem_shared>>
      tpu.enqueue_indirect_dma source(%arg10 : memref<128x128xf32, #tpu.memory_space<vmem>>) target(%dma_start3A_119 : memref<10112x128xf32, #tpu.memory_space<vmem_shared>>) offsets(%dma_start3A_116 : memref<128xi32, #tpu.memory_space<vmem>>) semaphore(%arg15 : memref<!tpu.dma_semaphore, #tpu.memory_space<semaphore_mem>>) {add = true}
      %dma_wait3A_120 = arith.constant 0 : i32
      %dma_wait3A_121 = tpu.memref_slice %arg8[%mul3A_91, %dma_wait3A_120] : memref<40x128xi32, #tpu.memory_space<vmem>> -> memref<1x128xi32, #tpu.memory_space<vmem>>
      %dma_wait3A_122 = tpu.memref_squeeze %dma_wait3A_121 : memref<1x128xi32, #tpu.memory_space<vmem>> -> memref<128xi32, #tpu.memory_space<vmem>>
      %dma_wait3A_123 = arith.constant 0 : i32
      %dma_wait3A_124 = arith.constant 0 : i32
      %dma_wait3A_125 = tpu.memref_slice %arg11[%dma_wait3A_123, %dma_wait3A_124] : memref<10112x128xf32, #tpu.memory_space<vmem_shared>> -> memref<10112x128xf32, #tpu.memory_space<vmem_shared>>
      tpu.wait_indirect_dma semaphore(%arg14 : memref<!tpu.dma_semaphore, #tpu.memory_space<semaphore_mem>>) src(%arg9 : memref<128x128xf32, #tpu.memory_space<vmem>>) dst(%dma_wait3A_125 : memref<10112x128xf32, #tpu.memory_space<vmem_shared>>)
      %add3A_126 = arith.constant 2 : i32
      %add3A_127 = arith.addi %mul3A_91, %add3A_126 : i32
      %min3A = arith.constant 39 : i32
      %min3A_128 = arith.minsi %add3A_127, %min3A : i32
      %dma_start3A_129 = arith.constant 0 : i32
      %dma_start3A_130 = tpu.memref_slice %arg7[%min3A_128, %dma_start3A_129] : memref<40x128xi32, #tpu.memory_space<vmem>> -> memref<1x128xi32, #tpu.memory_space<vmem>>
      %dma_start3A_131 = tpu.memref_squeeze %dma_start3A_130 : memref<1x128xi32, #tpu.memory_space<vmem>> -> memref<128xi32, #tpu.memory_space<vmem>>
      %dma_start3A_132 = arith.constant 0 : i32
      %dma_start3A_133 = arith.constant 0 : i32
      %dma_start3A_134 = tpu.memref_slice %arg2[%dma_start3A_132, %dma_start3A_133] : memref<10000x128xf32, #tpu.memory_space<hbm>> -> memref<10000x128xf32, #tpu.memory_space<hbm>>
      tpu.enqueue_indirect_dma source(%dma_start3A_134 : memref<10000x128xf32, #tpu.memory_space<hbm>>) target(%arg9 : memref<128x128xf32, #tpu.memory_space<vmem>>) offsets(%dma_start3A_131 : memref<128xi32, #tpu.memory_space<vmem>>) semaphore(%arg12 : memref<!tpu.dma_semaphore, #tpu.memory_space<semaphore_mem>>)
      %add3A_135 = arith.constant 1 : i32
      %add3A_136 = arith.addi %mul3A_91, %add3A_135 : i32
      %dma_wait3A_137 = arith.constant 0 : i32
      %dma_wait3A_138 = tpu.memref_slice %arg8[%add3A_136, %dma_wait3A_137] : memref<40x128xi32, #tpu.memory_space<vmem>> -> memref<1x128xi32, #tpu.memory_space<vmem>>
      %dma_wait3A_139 = tpu.memref_squeeze %dma_wait3A_138 : memref<1x128xi32, #tpu.memory_space<vmem>> -> memref<128xi32, #tpu.memory_space<vmem>>
      %dma_wait3A_140 = arith.constant 0 : i32
      %dma_wait3A_141 = arith.constant 0 : i32
      %dma_wait3A_142 = tpu.memref_slice %arg11[%dma_wait3A_140, %dma_wait3A_141] : memref<10112x128xf32, #tpu.memory_space<vmem_shared>> -> memref<10112x128xf32, #tpu.memory_space<vmem_shared>>
      tpu.wait_indirect_dma semaphore(%arg15 : memref<!tpu.dma_semaphore, #tpu.memory_space<semaphore_mem>>) src(%arg10 : memref<128x128xf32, #tpu.memory_space<vmem>>) dst(%dma_wait3A_142 : memref<10112x128xf32, #tpu.memory_space<vmem_shared>>)
      %add3A_143 = arith.constant 3 : i32
      %add3A_144 = arith.addi %mul3A_91, %add3A_143 : i32
      %min3A_145 = arith.constant 39 : i32
      %min3A_146 = arith.minsi %add3A_144, %min3A_145 : i32
      %dma_start3A_147 = arith.constant 0 : i32
      %dma_start3A_148 = tpu.memref_slice %arg7[%min3A_146, %dma_start3A_147] : memref<40x128xi32, #tpu.memory_space<vmem>> -> memref<1x128xi32, #tpu.memory_space<vmem>>
      %dma_start3A_149 = tpu.memref_squeeze %dma_start3A_148 : memref<1x128xi32, #tpu.memory_space<vmem>> -> memref<128xi32, #tpu.memory_space<vmem>>
      %dma_start3A_150 = arith.constant 0 : i32
      %dma_start3A_151 = arith.constant 0 : i32
      %dma_start3A_152 = tpu.memref_slice %arg2[%dma_start3A_150, %dma_start3A_151] : memref<10000x128xf32, #tpu.memory_space<hbm>> -> memref<10000x128xf32, #tpu.memory_space<hbm>>
      tpu.enqueue_indirect_dma source(%dma_start3A_152 : memref<10000x128xf32, #tpu.memory_space<hbm>>) target(%arg10 : memref<128x128xf32, #tpu.memory_space<vmem>>) offsets(%dma_start3A_149 : memref<128xi32, #tpu.memory_space<vmem>>) semaphore(%arg13 : memref<!tpu.dma_semaphore, #tpu.memory_space<semaphore_mem>>)
    }
    %scan3A_22 = arith.constant 20 : i32
    %dma_wait3A = arith.constant 0 : i32
    %dma_wait3A_23 = arith.constant 0 : i32
    %dma_wait3A_24 = tpu.memref_slice %arg7[%dma_wait3A, %dma_wait3A_23] : memref<40x128xi32, #tpu.memory_space<vmem>> -> memref<1x128xi32, #tpu.memory_space<vmem>>
    %dma_wait3A_25 = tpu.memref_squeeze %dma_wait3A_24 : memref<1x128xi32, #tpu.memory_space<vmem>> -> memref<128xi32, #tpu.memory_space<vmem>>
    %dma_wait3A_26 = arith.constant 0 : i32
    %dma_wait3A_27 = arith.constant 0 : i32
    %dma_wait3A_28 = tpu.memref_slice %arg2[%dma_wait3A_26, %dma_wait3A_27] : memref<10000x128xf32, #tpu.memory_space<hbm>> -> memref<10000x128xf32, #tpu.memory_space<hbm>>
    tpu.wait_indirect_dma semaphore(%arg12 : memref<!tpu.dma_semaphore, #tpu.memory_space<semaphore_mem>>) src(%dma_wait3A_28 : memref<10000x128xf32, #tpu.memory_space<hbm>>) dst(%arg9 : memref<128x128xf32, #tpu.memory_space<vmem>>)
    %dma_wait3A_29 = arith.constant 0 : i32
    %dma_wait3A_30 = arith.constant 0 : i32
    %dma_wait3A_31 = tpu.memref_slice %arg7[%dma_wait3A_29, %dma_wait3A_30] : memref<40x128xi32, #tpu.memory_space<vmem>> -> memref<1x128xi32, #tpu.memory_space<vmem>>
    %dma_wait3A_32 = tpu.memref_squeeze %dma_wait3A_31 : memref<1x128xi32, #tpu.memory_space<vmem>> -> memref<128xi32, #tpu.memory_space<vmem>>
    %dma_wait3A_33 = arith.constant 0 : i32
    %dma_wait3A_34 = arith.constant 0 : i32
    %dma_wait3A_35 = tpu.memref_slice %arg2[%dma_wait3A_33, %dma_wait3A_34] : memref<10000x128xf32, #tpu.memory_space<hbm>> -> memref<10000x128xf32, #tpu.memory_space<hbm>>
    tpu.wait_indirect_dma semaphore(%arg13 : memref<!tpu.dma_semaphore, #tpu.memory_space<semaphore_mem>>) src(%dma_wait3A_35 : memref<10000x128xf32, #tpu.memory_space<hbm>>) dst(%arg10 : memref<128x128xf32, #tpu.memory_space<vmem>>)
    "tpu.region"() ({
      %run_scoped3A_89 = tpu.sem_alloc : memref<!tpu.dma_semaphore, #tpu.memory_space<semaphore_mem>>
      %dma_start3A_90 = arith.constant 0 : i32
      %dma_start3A_91 = arith.constant 0 : i32
      %dma_start3A_92 = tpu.memref_slice %arg7[%dma_start3A_90, %dma_start3A_91] : memref<40x128xi32, #tpu.memory_space<vmem>> -> memref<39x128xi32, #tpu.memory_space<vmem>>
      %dma_start3A_93 = arith.constant 40 : i32
      %dma_start3A_94 = arith.constant 0 : i32
      %dma_start3A_95 = tpu.memref_slice %arg3[%add3A, %dma_start3A_93, %dma_start3A_94] : memref<32x79x128xi32, #tpu.memory_space<hbm>> -> memref<1x39x128xi32, #tpu.memory_space<hbm>>
      %dma_start3A_96 = tpu.memref_squeeze %dma_start3A_95 : memref<1x39x128xi32, #tpu.memory_space<hbm>> -> memref<39x128xi32, #tpu.memory_space<hbm>>
      %dma_start3A_97 = arith.constant 0 : i32
      %dma_start3A_98 = arith.constant 0 : i32
      %dma_start3A_99 = tpu.memref_slice %arg7[%dma_start3A_97, %dma_start3A_98] : memref<40x128xi32, #tpu.memory_space<vmem>> -> memref<39x128xi32, #tpu.memory_space<vmem>>
      %dma_start3A_100 = arith.constant 40 : i32
      %dma_start3A_101 = arith.constant 0 : i32
      %dma_start3A_102 = tpu.memref_slice %arg3[%add3A, %dma_start3A_100, %dma_start3A_101] : memref<32x79x128xi32, #tpu.memory_space<hbm>> -> memref<1x39x128xi32, #tpu.memory_space<hbm>>
      %dma_start3A_103 = tpu.memref_squeeze %dma_start3A_102 : memref<1x39x128xi32, #tpu.memory_space<hbm>> -> memref<39x128xi32, #tpu.memory_space<hbm>>
      tpu.enqueue_dma source(%dma_start3A_103 : memref<39x128xi32, #tpu.memory_space<hbm>>) target(%dma_start3A_99 : memref<39x128xi32, #tpu.memory_space<vmem>>) target_semaphore(%run_scoped3A_89 : memref<!tpu.dma_semaphore, #tpu.memory_space<semaphore_mem>>)
      %dma_wait3A_104 = arith.constant 0 : i32
      %dma_wait3A_105 = arith.constant 0 : i32
      %dma_wait3A_106 = tpu.memref_slice %arg7[%dma_wait3A_104, %dma_wait3A_105] : memref<40x128xi32, #tpu.memory_space<vmem>> -> memref<39x128xi32, #tpu.memory_space<vmem>>
      %dma_wait3A_107 = arith.constant 40 : i32
      %dma_wait3A_108 = arith.constant 0 : i32
      %dma_wait3A_109 = tpu.memref_slice %arg3[%add3A, %dma_wait3A_107, %dma_wait3A_108] : memref<32x79x128xi32, #tpu.memory_space<hbm>> -> memref<1x39x128xi32, #tpu.memory_space<hbm>>
      %dma_wait3A_110 = tpu.memref_squeeze %dma_wait3A_109 : memref<1x39x128xi32, #tpu.memory_space<hbm>> -> memref<39x128xi32, #tpu.memory_space<hbm>>
      %dma_wait3A_111 = arith.constant 0 : i32
      %dma_wait3A_112 = arith.constant 0 : i32
      %dma_wait3A_113 = tpu.memref_slice %arg7[%dma_wait3A_111, %dma_wait3A_112] : memref<40x128xi32, #tpu.memory_space<vmem>> -> memref<39x128xi32, #tpu.memory_space<vmem>>
      %dma_wait3A_114 = arith.constant 40 : i32
      %dma_wait3A_115 = arith.constant 0 : i32
      %dma_wait3A_116 = tpu.memref_slice %arg3[%add3A, %dma_wait3A_114, %dma_wait3A_115] : memref<32x79x128xi32, #tpu.memory_space<hbm>> -> memref<1x39x128xi32, #tpu.memory_space<hbm>>
      %dma_wait3A_117 = tpu.memref_squeeze %dma_wait3A_116 : memref<1x39x128xi32, #tpu.memory_space<hbm>> -> memref<39x128xi32, #tpu.memory_space<hbm>>
      tpu.wait_dma2 semaphore(%run_scoped3A_89 : memref<!tpu.dma_semaphore, #tpu.memory_space<semaphore_mem>>) src(%dma_wait3A_117 : memref<39x128xi32, #tpu.memory_space<hbm>>) dst(%dma_wait3A_113 : memref<39x128xi32, #tpu.memory_space<vmem>>)
      tpu.yield
    }) : () -> ()
    "tpu.region"() ({
      %run_scoped3A_89 = tpu.sem_alloc : memref<!tpu.dma_semaphore, #tpu.memory_space<semaphore_mem>>
      %dma_start3A_90 = arith.constant 0 : i32
      %dma_start3A_91 = arith.constant 0 : i32
      %dma_start3A_92 = tpu.memref_slice %arg8[%dma_start3A_90, %dma_start3A_91] : memref<40x128xi32, #tpu.memory_space<vmem>> -> memref<39x128xi32, #tpu.memory_space<vmem>>
      %dma_start3A_93 = arith.constant 40 : i32
      %dma_start3A_94 = arith.constant 0 : i32
      %dma_start3A_95 = tpu.memref_slice %arg4[%add3A, %dma_start3A_93, %dma_start3A_94] : memref<32x79x128xi32, #tpu.memory_space<hbm>> -> memref<1x39x128xi32, #tpu.memory_space<hbm>>
      %dma_start3A_96 = tpu.memref_squeeze %dma_start3A_95 : memref<1x39x128xi32, #tpu.memory_space<hbm>> -> memref<39x128xi32, #tpu.memory_space<hbm>>
      %dma_start3A_97 = arith.constant 0 : i32
      %dma_start3A_98 = arith.constant 0 : i32
      %dma_start3A_99 = tpu.memref_slice %arg8[%dma_start3A_97, %dma_start3A_98] : memref<40x128xi32, #tpu.memory_space<vmem>> -> memref<39x128xi32, #tpu.memory_space<vmem>>
      %dma_start3A_100 = arith.constant 40 : i32
      %dma_start3A_101 = arith.constant 0 : i32
      %dma_start3A_102 = tpu.memref_slice %arg4[%add3A, %dma_start3A_100, %dma_start3A_101] : memref<32x79x128xi32, #tpu.memory_space<hbm>> -> memref<1x39x128xi32, #tpu.memory_space<hbm>>
      %dma_start3A_103 = tpu.memref_squeeze %dma_start3A_102 : memref<1x39x128xi32, #tpu.memory_space<hbm>> -> memref<39x128xi32, #tpu.memory_space<hbm>>
      tpu.enqueue_dma source(%dma_start3A_103 : memref<39x128xi32, #tpu.memory_space<hbm>>) target(%dma_start3A_99 : memref<39x128xi32, #tpu.memory_space<vmem>>) target_semaphore(%run_scoped3A_89 : memref<!tpu.dma_semaphore, #tpu.memory_space<semaphore_mem>>)
      %dma_wait3A_104 = arith.constant 0 : i32
      %dma_wait3A_105 = arith.constant 0 : i32
      %dma_wait3A_106 = tpu.memref_slice %arg8[%dma_wait3A_104, %dma_wait3A_105] : memref<40x128xi32, #tpu.memory_space<vmem>> -> memref<39x128xi32, #tpu.memory_space<vmem>>
      %dma_wait3A_107 = arith.constant 40 : i32
      %dma_wait3A_108 = arith.constant 0 : i32
      %dma_wait3A_109 = tpu.memref_slice %arg4[%add3A, %dma_wait3A_107, %dma_wait3A_108] : memref<32x79x128xi32, #tpu.memory_space<hbm>> -> memref<1x39x128xi32, #tpu.memory_space<hbm>>
      %dma_wait3A_110 = tpu.memref_squeeze %dma_wait3A_109 : memref<1x39x128xi32, #tpu.memory_space<hbm>> -> memref<39x128xi32, #tpu.memory_space<hbm>>
      %dma_wait3A_111 = arith.constant 0 : i32
      %dma_wait3A_112 = arith.constant 0 : i32
      %dma_wait3A_113 = tpu.memref_slice %arg8[%dma_wait3A_111, %dma_wait3A_112] : memref<40x128xi32, #tpu.memory_space<vmem>> -> memref<39x128xi32, #tpu.memory_space<vmem>>
      %dma_wait3A_114 = arith.constant 40 : i32
      %dma_wait3A_115 = arith.constant 0 : i32
      %dma_wait3A_116 = tpu.memref_slice %arg4[%add3A, %dma_wait3A_114, %dma_wait3A_115] : memref<32x79x128xi32, #tpu.memory_space<hbm>> -> memref<1x39x128xi32, #tpu.memory_space<hbm>>
      %dma_wait3A_117 = tpu.memref_squeeze %dma_wait3A_116 : memref<1x39x128xi32, #tpu.memory_space<hbm>> -> memref<39x128xi32, #tpu.memory_space<hbm>>
      tpu.wait_dma2 semaphore(%run_scoped3A_89 : memref<!tpu.dma_semaphore, #tpu.memory_space<semaphore_mem>>) src(%dma_wait3A_117 : memref<39x128xi32, #tpu.memory_space<hbm>>) dst(%dma_wait3A_113 : memref<39x128xi32, #tpu.memory_space<vmem>>)
      tpu.yield
    }) : () -> ()
    %dma_start3A_36 = arith.constant 0 : i32
    %dma_start3A_37 = arith.constant 0 : i32
    %dma_start3A_38 = tpu.memref_slice %arg7[%dma_start3A_36, %dma_start3A_37] : memref<40x128xi32, #tpu.memory_space<vmem>> -> memref<1x128xi32, #tpu.memory_space<vmem>>
    %dma_start3A_39 = tpu.memref_squeeze %dma_start3A_38 : memref<1x128xi32, #tpu.memory_space<vmem>> -> memref<128xi32, #tpu.memory_space<vmem>>
    %dma_start3A_40 = arith.constant 0 : i32
    %dma_start3A_41 = arith.constant 0 : i32
    %dma_start3A_42 = tpu.memref_slice %arg2[%dma_start3A_40, %dma_start3A_41] : memref<10000x128xf32, #tpu.memory_space<hbm>> -> memref<10000x128xf32, #tpu.memory_space<hbm>>
    tpu.enqueue_indirect_dma source(%dma_start3A_42 : memref<10000x128xf32, #tpu.memory_space<hbm>>) target(%arg9 : memref<128x128xf32, #tpu.memory_space<vmem>>) offsets(%dma_start3A_39 : memref<128xi32, #tpu.memory_space<vmem>>) semaphore(%arg12 : memref<!tpu.dma_semaphore, #tpu.memory_space<semaphore_mem>>)
    %dma_start3A_43 = arith.constant 1 : i32
    %dma_start3A_44 = arith.constant 0 : i32
    %dma_start3A_45 = tpu.memref_slice %arg7[%dma_start3A_43, %dma_start3A_44] : memref<40x128xi32, #tpu.memory_space<vmem>> -> memref<1x128xi32, #tpu.memory_space<vmem>>
    %dma_start3A_46 = tpu.memref_squeeze %dma_start3A_45 : memref<1x128xi32, #tpu.memory_space<vmem>> -> memref<128xi32, #tpu.memory_space<vmem>>
    %dma_start3A_47 = arith.constant 0 : i32
    %dma_start3A_48 = arith.constant 0 : i32
    %dma_start3A_49 = tpu.memref_slice %arg2[%dma_start3A_47, %dma_start3A_48] : memref<10000x128xf32, #tpu.memory_space<hbm>> -> memref<10000x128xf32, #tpu.memory_space<hbm>>
    tpu.enqueue_indirect_dma source(%dma_start3A_49 : memref<10000x128xf32, #tpu.memory_space<hbm>>) target(%arg10 : memref<128x128xf32, #tpu.memory_space<vmem>>) offsets(%dma_start3A_46 : memref<128xi32, #tpu.memory_space<vmem>>) semaphore(%arg13 : memref<!tpu.dma_semaphore, #tpu.memory_space<semaphore_mem>>)
    %scan3A_50 = arith.constant 0 : i32
    %scan3A_51 = arith.constant 0 : i32
    %scan3A_52 = arith.constant 19 : i32
    %scan3A_53 = arith.addi %scan3A_51, %scan3A_52 : i32
    %scan3A_54 = arith.constant 1 : i32
    scf.for %scan3A_89 = %scan3A_51 to %scan3A_53 step %scan3A_54  : i32 {
      %mul3A_90 = arith.constant 2 : i32
      %mul3A_91 = arith.muli %mul3A_90, %scan3A_89 : i32
      %dma_wait3A_92 = arith.constant 0 : i32
      %dma_wait3A_93 = arith.constant 0 : i32
      %dma_wait3A_94 = tpu.memref_slice %arg7[%dma_wait3A_92, %dma_wait3A_93] : memref<40x128xi32, #tpu.memory_space<vmem>> -> memref<1x128xi32, #tpu.memory_space<vmem>>
      %dma_wait3A_95 = tpu.memref_squeeze %dma_wait3A_94 : memref<1x128xi32, #tpu.memory_space<vmem>> -> memref<128xi32, #tpu.memory_space<vmem>>
      %dma_wait3A_96 = arith.constant 0 : i32
      %dma_wait3A_97 = arith.constant 0 : i32
      %dma_wait3A_98 = tpu.memref_slice %arg2[%dma_wait3A_96, %dma_wait3A_97] : memref<10000x128xf32, #tpu.memory_space<hbm>> -> memref<10000x128xf32, #tpu.memory_space<hbm>>
      tpu.wait_indirect_dma semaphore(%arg12 : memref<!tpu.dma_semaphore, #tpu.memory_space<semaphore_mem>>) src(%dma_wait3A_98 : memref<10000x128xf32, #tpu.memory_space<hbm>>) dst(%arg9 : memref<128x128xf32, #tpu.memory_space<vmem>>)
      %dma_start3A_99 = arith.constant 0 : i32
      %dma_start3A_100 = tpu.memref_slice %arg8[%mul3A_91, %dma_start3A_99] : memref<40x128xi32, #tpu.memory_space<vmem>> -> memref<1x128xi32, #tpu.memory_space<vmem>>
      %dma_start3A_101 = tpu.memref_squeeze %dma_start3A_100 : memref<1x128xi32, #tpu.memory_space<vmem>> -> memref<128xi32, #tpu.memory_space<vmem>>
      %dma_start3A_102 = arith.constant 0 : i32
      %dma_start3A_103 = arith.constant 0 : i32
      %dma_start3A_104 = tpu.memref_slice %arg11[%dma_start3A_102, %dma_start3A_103] : memref<10112x128xf32, #tpu.memory_space<vmem_shared>> -> memref<10112x128xf32, #tpu.memory_space<vmem_shared>>
      tpu.enqueue_indirect_dma source(%arg9 : memref<128x128xf32, #tpu.memory_space<vmem>>) target(%dma_start3A_104 : memref<10112x128xf32, #tpu.memory_space<vmem_shared>>) offsets(%dma_start3A_101 : memref<128xi32, #tpu.memory_space<vmem>>) semaphore(%arg14 : memref<!tpu.dma_semaphore, #tpu.memory_space<semaphore_mem>>) {add = true}
      %dma_wait3A_105 = arith.constant 0 : i32
      %dma_wait3A_106 = arith.constant 0 : i32
      %dma_wait3A_107 = tpu.memref_slice %arg7[%dma_wait3A_105, %dma_wait3A_106] : memref<40x128xi32, #tpu.memory_space<vmem>> -> memref<1x128xi32, #tpu.memory_space<vmem>>
      %dma_wait3A_108 = tpu.memref_squeeze %dma_wait3A_107 : memref<1x128xi32, #tpu.memory_space<vmem>> -> memref<128xi32, #tpu.memory_space<vmem>>
      %dma_wait3A_109 = arith.constant 0 : i32
      %dma_wait3A_110 = arith.constant 0 : i32
      %dma_wait3A_111 = tpu.memref_slice %arg2[%dma_wait3A_109, %dma_wait3A_110] : memref<10000x128xf32, #tpu.memory_space<hbm>> -> memref<10000x128xf32, #tpu.memory_space<hbm>>
      tpu.wait_indirect_dma semaphore(%arg13 : memref<!tpu.dma_semaphore, #tpu.memory_space<semaphore_mem>>) src(%dma_wait3A_111 : memref<10000x128xf32, #tpu.memory_space<hbm>>) dst(%arg10 : memref<128x128xf32, #tpu.memory_space<vmem>>)
      %add3A_112 = arith.constant 1 : i32
      %add3A_113 = arith.addi %mul3A_91, %add3A_112 : i32
      %dma_start3A_114 = arith.constant 0 : i32
      %dma_start3A_115 = tpu.memref_slice %arg8[%add3A_113, %dma_start3A_114] : memref<40x128xi32, #tpu.memory_space<vmem>> -> memref<1x128xi32, #tpu.memory_space<vmem>>
      %dma_start3A_116 = tpu.memref_squeeze %dma_start3A_115 : memref<1x128xi32, #tpu.memory_space<vmem>> -> memref<128xi32, #tpu.memory_space<vmem>>
      %dma_start3A_117 = arith.constant 0 : i32
      %dma_start3A_118 = arith.constant 0 : i32
      %dma_start3A_119 = tpu.memref_slice %arg11[%dma_start3A_117, %dma_start3A_118] : memref<10112x128xf32, #tpu.memory_space<vmem_shared>> -> memref<10112x128xf32, #tpu.memory_space<vmem_shared>>
      tpu.enqueue_indirect_dma source(%arg10 : memref<128x128xf32, #tpu.memory_space<vmem>>) target(%dma_start3A_119 : memref<10112x128xf32, #tpu.memory_space<vmem_shared>>) offsets(%dma_start3A_116 : memref<128xi32, #tpu.memory_space<vmem>>) semaphore(%arg15 : memref<!tpu.dma_semaphore, #tpu.memory_space<semaphore_mem>>) {add = true}
      %dma_wait3A_120 = arith.constant 0 : i32
      %dma_wait3A_121 = tpu.memref_slice %arg8[%mul3A_91, %dma_wait3A_120] : memref<40x128xi32, #tpu.memory_space<vmem>> -> memref<1x128xi32, #tpu.memory_space<vmem>>
      %dma_wait3A_122 = tpu.memref_squeeze %dma_wait3A_121 : memref<1x128xi32, #tpu.memory_space<vmem>> -> memref<128xi32, #tpu.memory_space<vmem>>
      %dma_wait3A_123 = arith.constant 0 : i32
      %dma_wait3A_124 = arith.constant 0 : i32
      %dma_wait3A_125 = tpu.memref_slice %arg11[%dma_wait3A_123, %dma_wait3A_124] : memref<10112x128xf32, #tpu.memory_space<vmem_shared>> -> memref<10112x128xf32, #tpu.memory_space<vmem_shared>>
      tpu.wait_indirect_dma semaphore(%arg14 : memref<!tpu.dma_semaphore, #tpu.memory_space<semaphore_mem>>) src(%arg9 : memref<128x128xf32, #tpu.memory_space<vmem>>) dst(%dma_wait3A_125 : memref<10112x128xf32, #tpu.memory_space<vmem_shared>>)
      %add3A_126 = arith.constant 2 : i32
      %add3A_127 = arith.addi %mul3A_91, %add3A_126 : i32
      %min3A = arith.constant 37 : i32
      %min3A_128 = arith.minsi %add3A_127, %min3A : i32
      %dma_start3A_129 = arith.constant 0 : i32
      %dma_start3A_130 = tpu.memref_slice %arg7[%min3A_128, %dma_start3A_129] : memref<40x128xi32, #tpu.memory_space<vmem>> -> memref<1x128xi32, #tpu.memory_space<vmem>>
      %dma_start3A_131 = tpu.memref_squeeze %dma_start3A_130 : memref<1x128xi32, #tpu.memory_space<vmem>> -> memref<128xi32, #tpu.memory_space<vmem>>
      %dma_start3A_132 = arith.constant 0 : i32
      %dma_start3A_133 = arith.constant 0 : i32
      %dma_start3A_134 = tpu.memref_slice %arg2[%dma_start3A_132, %dma_start3A_133] : memref<10000x128xf32, #tpu.memory_space<hbm>> -> memref<10000x128xf32, #tpu.memory_space<hbm>>
      tpu.enqueue_indirect_dma source(%dma_start3A_134 : memref<10000x128xf32, #tpu.memory_space<hbm>>) target(%arg9 : memref<128x128xf32, #tpu.memory_space<vmem>>) offsets(%dma_start3A_131 : memref<128xi32, #tpu.memory_space<vmem>>) semaphore(%arg12 : memref<!tpu.dma_semaphore, #tpu.memory_space<semaphore_mem>>)
      %add3A_135 = arith.constant 1 : i32
      %add3A_136 = arith.addi %mul3A_91, %add3A_135 : i32
      %dma_wait3A_137 = arith.constant 0 : i32
      %dma_wait3A_138 = tpu.memref_slice %arg8[%add3A_136, %dma_wait3A_137] : memref<40x128xi32, #tpu.memory_space<vmem>> -> memref<1x128xi32, #tpu.memory_space<vmem>>
      %dma_wait3A_139 = tpu.memref_squeeze %dma_wait3A_138 : memref<1x128xi32, #tpu.memory_space<vmem>> -> memref<128xi32, #tpu.memory_space<vmem>>
      %dma_wait3A_140 = arith.constant 0 : i32
      %dma_wait3A_141 = arith.constant 0 : i32
      %dma_wait3A_142 = tpu.memref_slice %arg11[%dma_wait3A_140, %dma_wait3A_141] : memref<10112x128xf32, #tpu.memory_space<vmem_shared>> -> memref<10112x128xf32, #tpu.memory_space<vmem_shared>>
      tpu.wait_indirect_dma semaphore(%arg15 : memref<!tpu.dma_semaphore, #tpu.memory_space<semaphore_mem>>) src(%arg10 : memref<128x128xf32, #tpu.memory_space<vmem>>) dst(%dma_wait3A_142 : memref<10112x128xf32, #tpu.memory_space<vmem_shared>>)
      %add3A_143 = arith.constant 3 : i32
      %add3A_144 = arith.addi %mul3A_91, %add3A_143 : i32
      %min3A_145 = arith.constant 37 : i32
      %min3A_146 = arith.minsi %add3A_144, %min3A_145 : i32
      %dma_start3A_147 = arith.constant 0 : i32
      %dma_start3A_148 = tpu.memref_slice %arg7[%min3A_146, %dma_start3A_147] : memref<40x128xi32, #tpu.memory_space<vmem>> -> memref<1x128xi32, #tpu.memory_space<vmem>>
      %dma_start3A_149 = tpu.memref_squeeze %dma_start3A_148 : memref<1x128xi32, #tpu.memory_space<vmem>> -> memref<128xi32, #tpu.memory_space<vmem>>
      %dma_start3A_150 = arith.constant 0 : i32
      %dma_start3A_151 = arith.constant 0 : i32
      %dma_start3A_152 = tpu.memref_slice %arg2[%dma_start3A_150, %dma_start3A_151] : memref<10000x128xf32, #tpu.memory_space<hbm>> -> memref<10000x128xf32, #tpu.memory_space<hbm>>
      tpu.enqueue_indirect_dma source(%dma_start3A_152 : memref<10000x128xf32, #tpu.memory_space<hbm>>) target(%arg10 : memref<128x128xf32, #tpu.memory_space<vmem>>) offsets(%dma_start3A_149 : memref<128xi32, #tpu.memory_space<vmem>>) semaphore(%arg13 : memref<!tpu.dma_semaphore, #tpu.memory_space<semaphore_mem>>)
    }
    %scan3A_55 = arith.constant 19 : i32
    %dma_wait3A_56 = arith.constant 0 : i32
    %dma_wait3A_57 = arith.constant 0 : i32
    %dma_wait3A_58 = tpu.memref_slice %arg7[%dma_wait3A_56, %dma_wait3A_57] : memref<40x128xi32, #tpu.memory_space<vmem>> -> memref<1x128xi32, #tpu.memory_space<vmem>>
    %dma_wait3A_59 = tpu.memref_squeeze %dma_wait3A_58 : memref<1x128xi32, #tpu.memory_space<vmem>> -> memref<128xi32, #tpu.memory_space<vmem>>
    %dma_wait3A_60 = arith.constant 0 : i32
    %dma_wait3A_61 = arith.constant 0 : i32
    %dma_wait3A_62 = tpu.memref_slice %arg2[%dma_wait3A_60, %dma_wait3A_61] : memref<10000x128xf32, #tpu.memory_space<hbm>> -> memref<10000x128xf32, #tpu.memory_space<hbm>>
    tpu.wait_indirect_dma semaphore(%arg12 : memref<!tpu.dma_semaphore, #tpu.memory_space<semaphore_mem>>) src(%dma_wait3A_62 : memref<10000x128xf32, #tpu.memory_space<hbm>>) dst(%arg9 : memref<128x128xf32, #tpu.memory_space<vmem>>)
    %dma_wait3A_63 = arith.constant 0 : i32
    %dma_wait3A_64 = arith.constant 0 : i32
    %dma_wait3A_65 = tpu.memref_slice %arg7[%dma_wait3A_63, %dma_wait3A_64] : memref<40x128xi32, #tpu.memory_space<vmem>> -> memref<1x128xi32, #tpu.memory_space<vmem>>
    %dma_wait3A_66 = tpu.memref_squeeze %dma_wait3A_65 : memref<1x128xi32, #tpu.memory_space<vmem>> -> memref<128xi32, #tpu.memory_space<vmem>>
    %dma_wait3A_67 = arith.constant 0 : i32
    %dma_wait3A_68 = arith.constant 0 : i32
    %dma_wait3A_69 = tpu.memref_slice %arg2[%dma_wait3A_67, %dma_wait3A_68] : memref<10000x128xf32, #tpu.memory_space<hbm>> -> memref<10000x128xf32, #tpu.memory_space<hbm>>
    tpu.wait_indirect_dma semaphore(%arg13 : memref<!tpu.dma_semaphore, #tpu.memory_space<semaphore_mem>>) src(%dma_wait3A_69 : memref<10000x128xf32, #tpu.memory_space<hbm>>) dst(%arg10 : memref<128x128xf32, #tpu.memory_space<vmem>>)
    %dma_start3A_70 = arith.constant 38 : i32
    %dma_start3A_71 = arith.constant 0 : i32
    %dma_start3A_72 = tpu.memref_slice %arg7[%dma_start3A_70, %dma_start3A_71] : memref<40x128xi32, #tpu.memory_space<vmem>> -> memref<1x128xi32, #tpu.memory_space<vmem>>
    %dma_start3A_73 = tpu.memref_squeeze %dma_start3A_72 : memref<1x128xi32, #tpu.memory_space<vmem>> -> memref<128xi32, #tpu.memory_space<vmem>>
    %dma_start3A_74 = arith.constant 0 : i32
    %dma_start3A_75 = arith.constant 0 : i32
    %dma_start3A_76 = tpu.memref_slice %arg2[%dma_start3A_74, %dma_start3A_75] : memref<10000x128xf32, #tpu.memory_space<hbm>> -> memref<10000x128xf32, #tpu.memory_space<hbm>>
    tpu.enqueue_indirect_dma source(%dma_start3A_76 : memref<10000x128xf32, #tpu.memory_space<hbm>>) target(%arg9 : memref<128x128xf32, #tpu.memory_space<vmem>>) offsets(%dma_start3A_73 : memref<128xi32, #tpu.memory_space<vmem>>) semaphore(%arg12 : memref<!tpu.dma_semaphore, #tpu.memory_space<semaphore_mem>>)
    %dma_wait3A_77 = arith.constant 38 : i32
    %dma_wait3A_78 = arith.constant 0 : i32
    %dma_wait3A_79 = tpu.memref_slice %arg7[%dma_wait3A_77, %dma_wait3A_78] : memref<40x128xi32, #tpu.memory_space<vmem>> -> memref<1x128xi32, #tpu.memory_space<vmem>>
    %dma_wait3A_80 = tpu.memref_squeeze %dma_wait3A_79 : memref<1x128xi32, #tpu.memory_space<vmem>> -> memref<128xi32, #tpu.memory_space<vmem>>
    %dma_wait3A_81 = arith.constant 0 : i32
    %dma_wait3A_82 = arith.constant 0 : i32
    %dma_wait3A_83 = tpu.memref_slice %arg2[%dma_wait3A_81, %dma_wait3A_82] : memref<10000x128xf32, #tpu.memory_space<hbm>> -> memref<10000x128xf32, #tpu.memory_space<hbm>>
    tpu.wait_indirect_dma semaphore(%arg12 : memref<!tpu.dma_semaphore, #tpu.memory_space<semaphore_mem>>) src(%dma_wait3A_83 : memref<10000x128xf32, #tpu.memory_space<hbm>>) dst(%arg9 : memref<128x128xf32, #tpu.memory_space<vmem>>)
    %run_scoped3A = arith.constant 38 : i32
    "tpu.region"() ({
      %run_scoped3A_89 = tpu.sem_alloc : memref<!tpu.dma_semaphore, #tpu.memory_space<semaphore_mem>>
      %dma_start3A_90 = arith.constant 0 : i32
      %dma_start3A_91 = tpu.memref_slice %arg8[%run_scoped3A, %dma_start3A_90] : memref<40x128xi32, #tpu.memory_space<vmem>> -> memref<1x128xi32, #tpu.memory_space<vmem>>
      %dma_start3A_92 = tpu.memref_squeeze %dma_start3A_91 : memref<1x128xi32, #tpu.memory_space<vmem>> -> memref<128xi32, #tpu.memory_space<vmem>>
      %dma_start3A_93 = arith.constant 0 : i32
      %dma_start3A_94 = arith.constant 0 : i32
      %dma_start3A_95 = tpu.memref_slice %arg11[%dma_start3A_93, %dma_start3A_94] : memref<10112x128xf32, #tpu.memory_space<vmem_shared>> -> memref<10112x128xf32, #tpu.memory_space<vmem_shared>>
      tpu.enqueue_indirect_dma source(%arg9 : memref<128x128xf32, #tpu.memory_space<vmem>>) target(%dma_start3A_95 : memref<10112x128xf32, #tpu.memory_space<vmem_shared>>) offsets(%dma_start3A_92 : memref<128xi32, #tpu.memory_space<vmem>>) semaphore(%run_scoped3A_89 : memref<!tpu.dma_semaphore, #tpu.memory_space<semaphore_mem>>) {add = true}
      %dma_wait3A_96 = arith.constant 0 : i32
      %dma_wait3A_97 = tpu.memref_slice %arg8[%run_scoped3A, %dma_wait3A_96] : memref<40x128xi32, #tpu.memory_space<vmem>> -> memref<1x128xi32, #tpu.memory_space<vmem>>
      %dma_wait3A_98 = tpu.memref_squeeze %dma_wait3A_97 : memref<1x128xi32, #tpu.memory_space<vmem>> -> memref<128xi32, #tpu.memory_space<vmem>>
      %dma_wait3A_99 = arith.constant 0 : i32
      %dma_wait3A_100 = arith.constant 0 : i32
      %dma_wait3A_101 = tpu.memref_slice %arg11[%dma_wait3A_99, %dma_wait3A_100] : memref<10112x128xf32, #tpu.memory_space<vmem_shared>> -> memref<10112x128xf32, #tpu.memory_space<vmem_shared>>
      tpu.wait_indirect_dma semaphore(%run_scoped3A_89 : memref<!tpu.dma_semaphore, #tpu.memory_space<semaphore_mem>>) src(%arg9 : memref<128x128xf32, #tpu.memory_space<vmem>>) dst(%dma_wait3A_101 : memref<10112x128xf32, #tpu.memory_space<vmem_shared>>)
      tpu.yield
    }) : () -> ()
    %barrier3A_84 = arith.constant 0 : index
    tpu.barrier barrier_id(%barrier3A_84)
    %mul3A_85 = arith.constant 632 : i32
    %mul3A_86 = arith.muli %arg1, %mul3A_85 : i32
    %mul3A_87 = arith.constant 632 : i32
    %mul3A_88 = arith.muli %arg1, %mul3A_87 : i32
    "tpu.region"() ({
      %run_scoped3A_89 = tpu.sem_alloc : memref<!tpu.dma_semaphore, #tpu.memory_space<semaphore_mem>>
      %dma_start3A_90 = arith.constant 0 : i32
      %dma_start3A_91 = tpu.memref_slice %arg6[%arg0, %mul3A_88, %dma_start3A_90] : memref<2x10112x128xf32, #tpu.memory_space<hbm>> -> memref<1x632x128xf32, #tpu.memory_space<hbm>>
      %dma_start3A_92 = tpu.memref_squeeze %dma_start3A_91 : memref<1x632x128xf32, #tpu.memory_space<hbm>> -> memref<632x128xf32, #tpu.memory_space<hbm>>
      %dma_start3A_93 = arith.constant 0 : i32
      %dma_start3A_94 = tpu.memref_slice %arg11[%mul3A_86, %dma_start3A_93] : memref<10112x128xf32, #tpu.memory_space<vmem_shared>> -> memref<632x128xf32, #tpu.memory_space<vmem_shared>>
      tpu.enqueue_dma source(%dma_start3A_94 : memref<632x128xf32, #tpu.memory_space<vmem_shared>>) target(%dma_start3A_92 : memref<632x128xf32, #tpu.memory_space<hbm>>) target_semaphore(%run_scoped3A_89 : memref<!tpu.dma_semaphore, #tpu.memory_space<semaphore_mem>>)
      %dma_wait3A_95 = arith.constant 0 : i32
      %dma_wait3A_96 = tpu.memref_slice %arg6[%arg0, %mul3A_88, %dma_wait3A_95] : memref<2x10112x128xf32, #tpu.memory_space<hbm>> -> memref<1x632x128xf32, #tpu.memory_space<hbm>>
      %dma_wait3A_97 = tpu.memref_squeeze %dma_wait3A_96 : memref<1x632x128xf32, #tpu.memory_space<hbm>> -> memref<632x128xf32, #tpu.memory_space<hbm>>
      %dma_wait3A_98 = arith.constant 0 : i32
      %dma_wait3A_99 = tpu.memref_slice %arg11[%mul3A_86, %dma_wait3A_98] : memref<10112x128xf32, #tpu.memory_space<vmem_shared>> -> memref<632x128xf32, #tpu.memory_space<vmem_shared>>
      tpu.wait_dma2 semaphore(%run_scoped3A_89 : memref<!tpu.dma_semaphore, #tpu.memory_space<semaphore_mem>>) src(%dma_wait3A_99 : memref<632x128xf32, #tpu.memory_space<vmem_shared>>) dst(%dma_wait3A_97 : memref<632x128xf32, #tpu.memory_space<hbm>>)
      tpu.yield
    }) : () -> ()
    return
  }
}

module attributes {stable_mosaic.version = 14 : i64} {
  func.func @body(%arg0: memref<2x10112x128xf32, #tpu.memory_space<vmem>>, %arg1: memref<10000x128xf32, #tpu.memory_space<vmem>>, %arg2: memref<128x128xf32, #tpu.memory_space<vmem>>, %arg3: memref<10000x1xf32, #tpu.memory_space<vmem>>, %arg4: memref<10000x128xf32, #tpu.memory_space<vmem>>) attributes {dimension_semantics = [], scalar_prefetch = 0 : i64, scratch_operands = 0 : i64, tpu.core_type = #tpu.core_type<tc>} {
    %get3A = arith.constant 0 : index
    %get3A_0 = arith.constant 0 : index
    %get3A_1 = arith.constant 0 : index
    %get3A_2 = vector.load %arg0[%get3A, %get3A_0, %get3A_1] : memref<2x10112x128xf32, #tpu.memory_space<vmem>>, vector<2x10112x128xf32>
    %slice3A = vector.extract_strided_slice %get3A_2 {offsets = [0, 0, 0], sizes = [1, 10000, 1], strides = [1, 1, 1]} : vector<2x10112x128xf32> to vector<1x10000x1xf32>
    %squeeze3A = vector.shape_cast %slice3A : vector<1x10000x1xf32> to vector<10000x1xf32>
    %slice3A_3 = vector.extract_strided_slice %get3A_2 {offsets = [1, 0, 0], sizes = [1, 10000, 1], strides = [1, 1, 1]} : vector<2x10112x128xf32> to vector<1x10000x1xf32>
    %squeeze3A_4 = vector.shape_cast %slice3A_3 : vector<1x10000x1xf32> to vector<10000x1xf32>
    %add3A = arith.addf %squeeze3A, %squeeze3A_4 : vector<10000x1xf32>
    %add3A_5 = arith.constant 1.000000e+00 : f32
    %add3A_6 = vector.broadcast %add3A_5 : f32 to vector<10000x1xf32>
    %add3A_7 = arith.addf %add3A, %add3A_6 : vector<10000x1xf32>
    %rsqrt3A = math.rsqrt %add3A_7 : vector<10000x1xf32>
    %swap3A = arith.constant 0 : index
    %swap3A_8 = arith.constant 0 : index
    %swap3A_9 = vector.load %arg3[%swap3A, %swap3A_8] : memref<10000x1xf32, #tpu.memory_space<vmem>>, vector<10000x1xf32>
    tpu.vector_store %arg3[%swap3A, %swap3A_8], %rsqrt3A {strides = array<i32>} : memref<10000x1xf32, #tpu.memory_space<vmem>>, vector<10000x1xf32>,
    %get3A_10 = arith.constant 0 : index
    %get3A_11 = arith.constant 0 : index
    %get3A_12 = vector.load %arg1[%get3A_10, %get3A_11] : memref<10000x128xf32, #tpu.memory_space<vmem>>, vector<10000x128xf32>
    %get3A_13 = arith.constant 0 : index
    %get3A_14 = arith.constant 0 : index
    %get3A_15 = vector.load %arg2[%get3A_13, %get3A_14] : memref<128x128xf32, #tpu.memory_space<vmem>>, vector<128x128xf32>
    %dot_general3A = arith.constant dense<0.000000e+00> : vector<10000x128xf32>
    %dot_general3A_16 = tpu.matmul %get3A_12, %get3A_15, %dot_general3A {dimension_numbers = #tpu.dot_dimension_numbers<[1], [0], [0], [1], [0, 0, 1, 1], [], []>, transpose_lhs_hint = false} : vector<10000x128xf32>, vector<128x128xf32>, vector<10000x128xf32> -> vector<10000x128xf32>
    %mul3A = vector.broadcast %rsqrt3A : vector<10000x1xf32> to vector<10000x128xf32>
    %mul3A_17 = arith.mulf %dot_general3A_16, %mul3A : vector<10000x128xf32>
    %swap3A_18 = arith.constant 0 : index
    %swap3A_19 = arith.constant 0 : index
    %swap3A_20 = vector.load %arg4[%swap3A_18, %swap3A_19] : memref<10000x128xf32, #tpu.memory_space<vmem>>, vector<10000x128xf32>
    tpu.vector_store %arg4[%swap3A_18, %swap3A_19], %mul3A_17 {strides = array<i32>} : memref<10000x128xf32, #tpu.memory_space<vmem>>, vector<10000x128xf32>,
    return
  }
}

module attributes {stable_mosaic.version = 14 : i64} {
  func.func @body(%arg0: memref<2x10112x128xf32, #tpu.memory_space<vmem>>, %arg1: memref<10000x128xf32, #tpu.memory_space<vmem>>, %arg2: memref<10000x1xf32, #tpu.memory_space<vmem>>, %arg3: memref<1x128xf32, #tpu.memory_space<vmem>>, %arg4: memref<1x128xf32, #tpu.memory_space<vmem>>, %arg5: memref<1x128xf32, #tpu.memory_space<vmem>>, %arg6: memref<128x128xf32, #tpu.memory_space<vmem>>, %arg7: memref<10000x128xf32, #tpu.memory_space<vmem>>) attributes {dimension_semantics = [], scalar_prefetch = 0 : i64, scratch_operands = 0 : i64, tpu.core_type = #tpu.core_type<tc>} {
    %get3A = arith.constant 0 : index
    %get3A_0 = arith.constant 0 : index
    %get3A_1 = arith.constant 0 : index
    %get3A_2 = vector.load %arg0[%get3A, %get3A_0, %get3A_1] : memref<2x10112x128xf32, #tpu.memory_space<vmem>>, vector<2x10112x128xf32>
    %slice3A = vector.extract_strided_slice %get3A_2 {offsets = [0, 0, 0], sizes = [1, 10000, 128], strides = [1, 1, 1]} : vector<2x10112x128xf32> to vector<1x10000x128xf32>
    %squeeze3A = vector.shape_cast %slice3A : vector<1x10000x128xf32> to vector<10000x128xf32>
    %slice3A_3 = vector.extract_strided_slice %get3A_2 {offsets = [1, 0, 0], sizes = [1, 10000, 128], strides = [1, 1, 1]} : vector<2x10112x128xf32> to vector<1x10000x128xf32>
    %squeeze3A_4 = vector.shape_cast %slice3A_3 : vector<1x10000x128xf32> to vector<10000x128xf32>
    %add3A = arith.addf %squeeze3A, %squeeze3A_4 : vector<10000x128xf32>
    %get3A_5 = arith.constant 0 : index
    %get3A_6 = arith.constant 0 : index
    %get3A_7 = vector.load %arg1[%get3A_5, %get3A_6] : memref<10000x128xf32, #tpu.memory_space<vmem>>, vector<10000x128xf32>
    %add3A_8 = arith.addf %add3A, %get3A_7 : vector<10000x128xf32>
    %get3A_9 = arith.constant 0 : index
    %get3A_10 = arith.constant 0 : index
    %get3A_11 = vector.load %arg2[%get3A_9, %get3A_10] : memref<10000x1xf32, #tpu.memory_space<vmem>>, vector<10000x1xf32>
    %mul3A = vector.broadcast %get3A_11 : vector<10000x1xf32> to vector<10000x128xf32>
    %mul3A_12 = arith.mulf %add3A_8, %mul3A : vector<10000x128xf32>
    %get3A_13 = arith.constant 0 : index
    %get3A_14 = arith.constant 0 : index
    %get3A_15 = vector.load %arg3[%get3A_13, %get3A_14] : memref<1x128xf32, #tpu.memory_space<vmem>>, vector<1x128xf32>
    %add3A_16 = vector.broadcast %get3A_15 : vector<1x128xf32> to vector<10000x128xf32>
    %add3A_17 = arith.addf %mul3A_12, %add3A_16 : vector<10000x128xf32>
    %max3A = arith.constant 0.000000e+00 : f32
    %max3A_18 = vector.broadcast %max3A : f32 to vector<10000x128xf32>
    %max3A_19 = arith.maximumf %add3A_17, %max3A_18 : vector<10000x128xf32>
    %reduce_sum3A = arith.constant dense<0.000000e+00> : vector<128xf32>
    %reduce_sum3A_20 = vector.multi_reduction <add>, %max3A_19, %reduce_sum3A [0] : vector<10000x128xf32> to vector<128xf32>
    %broadcast_in_dim3A = vector.shape_cast %reduce_sum3A_20 : vector<128xf32> to vector<1x128xf32>
    %div3A = arith.constant 1.000000e+04 : f32
    %div3A_21 = vector.broadcast %div3A : f32 to vector<1x128xf32>
    %div3A_22 = arith.divf %broadcast_in_dim3A, %div3A_21 : vector<1x128xf32>
    %mul3A_23 = arith.mulf %max3A_19, %max3A_19 : vector<10000x128xf32>
    %reduce_sum3A_24 = arith.constant dense<0.000000e+00> : vector<128xf32>
    %reduce_sum3A_25 = vector.multi_reduction <add>, %mul3A_23, %reduce_sum3A_24 [0] : vector<10000x128xf32> to vector<128xf32>
    %broadcast_in_dim3A_26 = vector.shape_cast %reduce_sum3A_25 : vector<128xf32> to vector<1x128xf32>
    %div3A_27 = arith.constant 1.000000e+04 : f32
    %div3A_28 = vector.broadcast %div3A_27 : f32 to vector<1x128xf32>
    %div3A_29 = arith.divf %broadcast_in_dim3A_26, %div3A_28 : vector<1x128xf32>
    %mul3A_30 = arith.mulf %div3A_22, %div3A_22 : vector<1x128xf32>
    %sub3A = arith.subf %div3A_29, %mul3A_30 : vector<1x128xf32>
    %sub3A_31 = vector.broadcast %div3A_22 : vector<1x128xf32> to vector<10000x128xf32>
    %sub3A_32 = arith.subf %max3A_19, %sub3A_31 : vector<10000x128xf32>
    %add3A_33 = arith.constant 9.99999974E-6 : f32
    %add3A_34 = vector.broadcast %add3A_33 : f32 to vector<1x128xf32>
    %add3A_35 = arith.addf %sub3A, %add3A_34 : vector<1x128xf32>
    %rsqrt3A = math.rsqrt %add3A_35 : vector<1x128xf32>
    %mul3A_36 = vector.broadcast %rsqrt3A : vector<1x128xf32> to vector<10000x128xf32>
    %mul3A_37 = arith.mulf %sub3A_32, %mul3A_36 : vector<10000x128xf32>
    %get3A_38 = arith.constant 0 : index
    %get3A_39 = arith.constant 0 : index
    %get3A_40 = vector.load %arg4[%get3A_38, %get3A_39] : memref<1x128xf32, #tpu.memory_space<vmem>>, vector<1x128xf32>
    %mul3A_41 = vector.broadcast %get3A_40 : vector<1x128xf32> to vector<10000x128xf32>
    %mul3A_42 = arith.mulf %mul3A_37, %mul3A_41 : vector<10000x128xf32>
    %get3A_43 = arith.constant 0 : index
    %get3A_44 = arith.constant 0 : index
    %get3A_45 = vector.load %arg5[%get3A_43, %get3A_44] : memref<1x128xf32, #tpu.memory_space<vmem>>, vector<1x128xf32>
    %add3A_46 = vector.broadcast %get3A_45 : vector<1x128xf32> to vector<10000x128xf32>
    %add3A_47 = arith.addf %mul3A_42, %add3A_46 : vector<10000x128xf32>
    %get3A_48 = arith.constant 0 : index
    %get3A_49 = arith.constant 0 : index
    %get3A_50 = vector.load %arg6[%get3A_48, %get3A_49] : memref<128x128xf32, #tpu.memory_space<vmem>>, vector<128x128xf32>
    %dot_general3A = arith.constant dense<0.000000e+00> : vector<10000x128xf32>
    %dot_general3A_51 = tpu.matmul %add3A_47, %get3A_50, %dot_general3A {dimension_numbers = #tpu.dot_dimension_numbers<[1], [0], [0], [1], [0, 0, 1, 1], [], []>, transpose_lhs_hint = false} : vector<10000x128xf32>, vector<128x128xf32>, vector<10000x128xf32> -> vector<10000x128xf32>
    %get3A_52 = arith.constant 0 : index
    %get3A_53 = arith.constant 0 : index
    %get3A_54 = vector.load %arg2[%get3A_52, %get3A_53] : memref<10000x1xf32, #tpu.memory_space<vmem>>, vector<10000x1xf32>
    %mul3A_55 = vector.broadcast %get3A_54 : vector<10000x1xf32> to vector<10000x128xf32>
    %mul3A_56 = arith.mulf %dot_general3A_51, %mul3A_55 : vector<10000x128xf32>
    %swap3A = arith.constant 0 : index
    %swap3A_57 = arith.constant 0 : index
    %swap3A_58 = vector.load %arg7[%swap3A, %swap3A_57] : memref<10000x128xf32, #tpu.memory_space<vmem>>, vector<10000x128xf32>
    tpu.vector_store %arg7[%swap3A, %swap3A_57], %mul3A_56 {strides = array<i32>} : memref<10000x128xf32, #tpu.memory_space<vmem>>, vector<10000x128xf32>,
    return
  }
}

module attributes {stable_mosaic.version = 14 : i64} {
  func.func @body(%arg0: memref<2x10112x128xf32, #tpu.memory_space<vmem>>, %arg1: memref<10000x128xf32, #tpu.memory_space<vmem>>, %arg2: memref<10000x1xf32, #tpu.memory_space<vmem>>, %arg3: memref<1x128xf32, #tpu.memory_space<vmem>>, %arg4: memref<1x128xf32, #tpu.memory_space<vmem>>, %arg5: memref<1x128xf32, #tpu.memory_space<vmem>>, %arg6: memref<10000x1xi32, #tpu.memory_space<vmem>>, %arg7: memref<128x64xf32, #tpu.memory_space<vmem>>, %arg8: memref<1x64xf32, #tpu.memory_space<vmem>>, %arg9: memref<64x1xf32, #tpu.memory_space<vmem>>, %arg10: memref<1x1xf32, #tpu.memory_space<vmem>>, %arg11: memref<64x1xf32, #tpu.memory_space<vmem>>, %arg12: memref<64x128xf32, #tpu.memory_space<vmem>>) attributes {dimension_semantics = [], scalar_prefetch = 0 : i64, scratch_operands = 1 : i64, tpu.core_type = #tpu.core_type<tc>} {
    %get3A = arith.constant 0 : index
    %get3A_0 = arith.constant 0 : index
    %get3A_1 = arith.constant 0 : index
    %get3A_2 = vector.load %arg0[%get3A, %get3A_0, %get3A_1] : memref<2x10112x128xf32, #tpu.memory_space<vmem>>, vector<2x10112x128xf32>
    %slice3A = vector.extract_strided_slice %get3A_2 {offsets = [0, 0, 0], sizes = [1, 10000, 128], strides = [1, 1, 1]} : vector<2x10112x128xf32> to vector<1x10000x128xf32>
    %squeeze3A = vector.shape_cast %slice3A : vector<1x10000x128xf32> to vector<10000x128xf32>
    %slice3A_3 = vector.extract_strided_slice %get3A_2 {offsets = [1, 0, 0], sizes = [1, 10000, 128], strides = [1, 1, 1]} : vector<2x10112x128xf32> to vector<1x10000x128xf32>
    %squeeze3A_4 = vector.shape_cast %slice3A_3 : vector<1x10000x128xf32> to vector<10000x128xf32>
    %add3A = arith.addf %squeeze3A, %squeeze3A_4 : vector<10000x128xf32>
    %get3A_5 = arith.constant 0 : index
    %get3A_6 = arith.constant 0 : index
    %get3A_7 = vector.load %arg1[%get3A_5, %get3A_6] : memref<10000x128xf32, #tpu.memory_space<vmem>>, vector<10000x128xf32>
    %add3A_8 = arith.addf %add3A, %get3A_7 : vector<10000x128xf32>
    %get3A_9 = arith.constant 0 : index
    %get3A_10 = arith.constant 0 : index
    %get3A_11 = vector.load %arg2[%get3A_9, %get3A_10] : memref<10000x1xf32, #tpu.memory_space<vmem>>, vector<10000x1xf32>
    %mul3A = vector.broadcast %get3A_11 : vector<10000x1xf32> to vector<10000x128xf32>
    %mul3A_12 = arith.mulf %add3A_8, %mul3A : vector<10000x128xf32>
    %get3A_13 = arith.constant 0 : index
    %get3A_14 = arith.constant 0 : index
    %get3A_15 = vector.load %arg3[%get3A_13, %get3A_14] : memref<1x128xf32, #tpu.memory_space<vmem>>, vector<1x128xf32>
    %add3A_16 = vector.broadcast %get3A_15 : vector<1x128xf32> to vector<10000x128xf32>
    %add3A_17 = arith.addf %mul3A_12, %add3A_16 : vector<10000x128xf32>
    %max3A = arith.constant 0.000000e+00 : f32
    %max3A_18 = vector.broadcast %max3A : f32 to vector<10000x128xf32>
    %max3A_19 = arith.maximumf %add3A_17, %max3A_18 : vector<10000x128xf32>
    %reduce_sum3A = arith.constant dense<0.000000e+00> : vector<128xf32>
    %reduce_sum3A_20 = vector.multi_reduction <add>, %max3A_19, %reduce_sum3A [0] : vector<10000x128xf32> to vector<128xf32>
    %broadcast_in_dim3A = vector.shape_cast %reduce_sum3A_20 : vector<128xf32> to vector<1x128xf32>
    %div3A = arith.constant 1.000000e+04 : f32
    %div3A_21 = vector.broadcast %div3A : f32 to vector<1x128xf32>
    %div3A_22 = arith.divf %broadcast_in_dim3A, %div3A_21 : vector<1x128xf32>
    %mul3A_23 = arith.mulf %max3A_19, %max3A_19 : vector<10000x128xf32>
    %reduce_sum3A_24 = arith.constant dense<0.000000e+00> : vector<128xf32>
    %reduce_sum3A_25 = vector.multi_reduction <add>, %mul3A_23, %reduce_sum3A_24 [0] : vector<10000x128xf32> to vector<128xf32>
    %broadcast_in_dim3A_26 = vector.shape_cast %reduce_sum3A_25 : vector<128xf32> to vector<1x128xf32>
    %div3A_27 = arith.constant 1.000000e+04 : f32
    %div3A_28 = vector.broadcast %div3A_27 : f32 to vector<1x128xf32>
    %div3A_29 = arith.divf %broadcast_in_dim3A_26, %div3A_28 : vector<1x128xf32>
    %mul3A_30 = arith.mulf %div3A_22, %div3A_22 : vector<1x128xf32>
    %sub3A = arith.subf %div3A_29, %mul3A_30 : vector<1x128xf32>
    %sub3A_31 = vector.broadcast %div3A_22 : vector<1x128xf32> to vector<10000x128xf32>
    %sub3A_32 = arith.subf %max3A_19, %sub3A_31 : vector<10000x128xf32>
    %add3A_33 = arith.constant 9.99999974E-6 : f32
    %add3A_34 = vector.broadcast %add3A_33 : f32 to vector<1x128xf32>
    %add3A_35 = arith.addf %sub3A, %add3A_34 : vector<1x128xf32>
    %rsqrt3A = math.rsqrt %add3A_35 : vector<1x128xf32>
    %mul3A_36 = vector.broadcast %rsqrt3A : vector<1x128xf32> to vector<10000x128xf32>
    %mul3A_37 = arith.mulf %sub3A_32, %mul3A_36 : vector<10000x128xf32>
    %get3A_38 = arith.constant 0 : index
    %get3A_39 = arith.constant 0 : index
    %get3A_40 = vector.load %arg4[%get3A_38, %get3A_39] : memref<1x128xf32, #tpu.memory_space<vmem>>, vector<1x128xf32>
    %mul3A_41 = vector.broadcast %get3A_40 : vector<1x128xf32> to vector<10000x128xf32>
    %mul3A_42 = arith.mulf %mul3A_37, %mul3A_41 : vector<10000x128xf32>
    %get3A_43 = arith.constant 0 : index
    %get3A_44 = arith.constant 0 : index
    %get3A_45 = vector.load %arg5[%get3A_43, %get3A_44] : memref<1x128xf32, #tpu.memory_space<vmem>>, vector<1x128xf32>
    %add3A_46 = vector.broadcast %get3A_45 : vector<1x128xf32> to vector<10000x128xf32>
    %add3A_47 = arith.addf %mul3A_42, %add3A_46 : vector<10000x128xf32>
    %get3A_48 = arith.constant 0 : index
    %get3A_49 = arith.constant 0 : index
    %get3A_50 = vector.load %arg6[%get3A_48, %get3A_49] : memref<10000x1xi32, #tpu.memory_space<vmem>>, vector<10000x1xi32>
    %scan3A = arith.constant 0xFF800000 : f32
    %scan3A_51 = arith.constant 0 : i32
    %scan3A_52 = arith.constant 64 : i32
    %scan3A_53 = arith.addi %scan3A_51, %scan3A_52 : i32
    %scan3A_54 = arith.constant 1 : i32
    scf.for %scan3A_83 = %scan3A_51 to %scan3A_53 step %scan3A_54  : i32 {
      %eq3A = vector.broadcast %scan3A_83 : i32 to vector<10000x1xi32>
      %eq3A_84 = arith.cmpi eq, %get3A_50, %eq3A : vector<10000x1xi32>
      %broadcast_in_dim3A_85 = vector.shape_cast %eq3A_84 : vector<10000x1xi1> to vector<10000x1xi1>
      %broadcast_in_dim3A_86 = vector.broadcast %broadcast_in_dim3A_85 : vector<10000x1xi1> to vector<10000x128xi1>
      %broadcast_in_dim3A_87 = vector.broadcast %scan3A : f32 to vector<10000x128xf32>
      %select_n3A = arith.select %broadcast_in_dim3A_86, %add3A_47, %broadcast_in_dim3A_87 : vector<10000x128xi1>, vector<10000x128xf32>
      %reduce_max3A = arith.constant dense<0xFF800000> : vector<128xf32>
      %reduce_max3A_88 = vector.multi_reduction <maximumf>, %select_n3A, %reduce_max3A [0] : vector<10000x128xf32> to vector<128xf32>
      %broadcast_in_dim3A_89 = vector.shape_cast %reduce_max3A_88 : vector<128xf32> to vector<1x128xf32>
      %swap3A_90 = arith.index_cast %scan3A_83 : i32 to index
      %swap3A_91 = arith.constant 0 : index
      %swap3A_92 = vector.load %arg12[%swap3A_90, %swap3A_91] : memref<64x128xf32, #tpu.memory_space<vmem>>, vector<1x128xf32>
      tpu.vector_store %arg12[%swap3A_90, %swap3A_91], %broadcast_in_dim3A_89 {strides = array<i32>} : memref<64x128xf32, #tpu.memory_space<vmem>>, vector<1x128xf32>,
    }
    %scan3A_55 = arith.constant 64 : i32
    %get3A_56 = arith.constant 0 : index
    %get3A_57 = arith.constant 0 : index
    %get3A_58 = vector.load %arg12[%get3A_56, %get3A_57] : memref<64x128xf32, #tpu.memory_space<vmem>>, vector<64x128xf32>
    %get3A_59 = arith.constant 0 : index
    %get3A_60 = arith.constant 0 : index
    %get3A_61 = vector.load %arg7[%get3A_59, %get3A_60] : memref<128x64xf32, #tpu.memory_space<vmem>>, vector<128x64xf32>
    %dot_general3A = arith.constant dense<0.000000e+00> : vector<64x64xf32>
    %dot_general3A_62 = tpu.matmul %get3A_58, %get3A_61, %dot_general3A {dimension_numbers = #tpu.dot_dimension_numbers<[1], [0], [0], [1], [0, 0, 1, 1], [], []>, transpose_lhs_hint = false} : vector<64x128xf32>, vector<128x64xf32>, vector<64x64xf32> -> vector<64x64xf32>
    %get3A_63 = arith.constant 0 : index
    %get3A_64 = arith.constant 0 : index
    %get3A_65 = vector.load %arg8[%get3A_63, %get3A_64] : memref<1x64xf32, #tpu.memory_space<vmem>>, vector<1x64xf32>
    %add3A_66 = vector.broadcast %get3A_65 : vector<1x64xf32> to vector<64x64xf32>
    %add3A_67 = arith.addf %dot_general3A_62, %add3A_66 : vector<64x64xf32>
    %max3A_68 = arith.constant 0.000000e+00 : f32
    %max3A_69 = vector.broadcast %max3A_68 : f32 to vector<64x64xf32>
    %max3A_70 = arith.maximumf %add3A_67, %max3A_69 : vector<64x64xf32>
    %get3A_71 = arith.constant 0 : index
    %get3A_72 = arith.constant 0 : index
    %get3A_73 = vector.load %arg9[%get3A_71, %get3A_72] : memref<64x1xf32, #tpu.memory_space<vmem>>, vector<64x1xf32>
    %dot_general3A_74 = arith.constant dense<0.000000e+00> : vector<64x1xf32>
    %dot_general3A_75 = tpu.matmul %max3A_70, %get3A_73, %dot_general3A_74 {dimension_numbers = #tpu.dot_dimension_numbers<[1], [0], [0], [1], [0, 0, 1, 1], [], []>, transpose_lhs_hint = false} : vector<64x64xf32>, vector<64x1xf32>, vector<64x1xf32> -> vector<64x1xf32>
    %get3A_76 = arith.constant 0 : index
    %get3A_77 = arith.constant 0 : index
    %get3A_78 = vector.load %arg10[%get3A_76, %get3A_77] : memref<1x1xf32, #tpu.memory_space<vmem>>, vector<1x1xf32>
    %add3A_79 = vector.broadcast %get3A_78 : vector<1x1xf32> to vector<64x1xf32>
    %add3A_80 = arith.addf %dot_general3A_75, %add3A_79 : vector<64x1xf32>
    %swap3A = arith.constant 0 : index
    %swap3A_81 = arith.constant 0 : index
    %swap3A_82 = vector.load %arg11[%swap3A, %swap3A_81] : memref<64x1xf32, #tpu.memory_space<vmem>>, vector<64x1xf32>
    tpu.vector_store %arg11[%swap3A, %swap3A_81], %add3A_80 {strides = array<i32>} : memref<64x1xf32, #tpu.memory_space<vmem>>, vector<64x1xf32>,
    return
  }
}

</mosaic_0001>

<sc_bundles>
// kernel: kernel.10.cloned.1.call-start
scs
__scs_entry_jumppad:
0x0: {  	(pc) =	sbr.rel $0x88, $3  }
0x1: {  	(tag) =	ssettag $0x0;
	lr =	simm.s32 $0x1  }
0x2: {  	[smem:$0x3F8E] =	sst lr;
	_ =	strace $0xD0000000  }
0x3: {  	_ = 	snop  }
0x4: {  	_ = 	snop  }
0x5: {  	_ = 	snop  }
0x6: {  	_ = 	snop  }
0x7: {  	_ = 	snop  }
__scs_overlays_trampoline_lowered:
0x8: {  	[smem:$0x3F9D] =	sst s0  }
0x9: {  	[smem:$0x3F9E] =	sst s1  }
0xa: {  	[smem:$0x3F9F] =	sst s2  }
0xb: {  	[smem:$0x3FA0] =	sst s3  }
0xc: {  	[smem:$0x3FA1] =	sst s4  }
0xd: {  	[smem:$0x3FA2] =	sst s5  }
0xe: {  	[smem:$0x3FA3] =	sst s6  }
0xf: {  	[smem:$0x3FA4] =	sst s7  }
0x10: {  	[smem:$0x3FA5] =	sst s8  }
0x11: {  	[smem:$0x3FA6] =	sst s9;
	s0 =	simm.s32 @!p0 $0x0  }
0x12: {  	s1 =	sld [smem:$0x3F8C];
	s0 =	simm.s32 @p0 $0x1  }
0x13: {  	[smem:$0x3FA7] =	sst s0;
	s0 =	simm.s32 @!p1 $0x0  }
0x14: {  	s2 =	sld [smem:$0x3F8B];
	s0 =	simm.s32 @p1 $0x1  }
0x15: {  	[smem:$0x3FA8] =	sst s0;
	s0 =	simm.s32 @!p2 $0x0  }
0x16: {  	s3 =	sld [smem:$0x3FDB];
	s0 =	simm.s32 @p2 $0x1  }
0x17: {  	s4 =	simm.s32 $0x1BF5;
	[smem:$0x3FAA] =	sst s0  }
0x18: {  	s0 =	sld [smem:$0x3F8D];
	_ =	swait.ge [sflag:s4], $0x0  }
0x19: {  	s7 =	sld [smem:$0x3F8E]  }
0x1a: {  	s8 =	sadd.s32 $0xFFFFE003, lr  }
0x1b: {  	s9 =	sadd.s32 $0xFFFFFEF7, lr;
	s5 =	simm.s32 $0xFFFFFFFF;
	p2 =	slt.u32 s8, $0xFFFFF086  }
0x1c: {  	p1 =	slt.u32 s9, $0xF7A;
	s5 =	simm.s32 @!p2 $0x0  }
0x1d: {  	s5 =	simm.s32 @p1 $0x1;
	p0 =	seq.s32 s7, s2  }
0x1e: {  	s7 =	smul.u32 @!p0 $0xF7A, s2;
	p2 =	seq.s32 @!p0 s5, $0x0  }
0x1f: {  	s9 =	smul.u32 $0xF7A, s1;
	s8 =	simm.s32 @!p0 $0x1BF5;
	p2 =	por !p2, p0  }
0x20: {  	[sflag:s8] =	ssyncset.s32 @!p0 $0xFFFFF086;
	s6 =	sadd.s32 @!p0 s3, s7;
	s7 =	simm.s32 @!p0 $0x108  }
0x21: {  	s3 =	sadd.s32 s3, s9;
	s6 =	sadd.s32 @!p0 $0x88, s6;
	s7 =	simm.s32 @p2 $0x1082  }
0x22: {  	[simem:s7], [sflag:s8] =	dma.local @!p0 [hbm:s6], $0xF7A  }
0x23: {  	s9 =	sor.u32 $0xD0000000, s2;
	s6 =	simm.s32 $0x108;
	_ =	swait.ge @!p0 [sflag:s8], $0x0  }
0x24: {  	s3 =	sadd.s32 $0x88, s3;
	s6 =	simm.s32 @!p1 $0x1082;
	[sflag:s4] =	ssyncset.s32 $0xFFFFF086  }
0x25: {  	[simem:s6], [sflag:s4] =	dma.local [hbm:s3], $0xF7A  }
0x26: {  	[smem:$0x3F8E] =	sst s1;
	(tag) =	ssettag s2;
	_ =	strace s9  }
0x27: {  	s1 =	sld [smem:$0x3F9E]  }
0x28: {  	s2 =	sld [smem:$0x3F9F]  }
0x29: {  	s4 =	sld [smem:$0x3FA1]  }
0x2a: {  	p0 =	seq.s32 s5, $0x0;
	s5 =	sld [smem:$0x3FA2]  }
0x2b: {  	s6 =	sld [smem:$0x3FA3]  }
0x2c: {  	s7 =	sld [smem:$0x3FA4]  }
0x2d: {  	s3 =	simm.s32 $0x108;
	s8 =	sld [smem:$0x3FA5]  }
0x2e: {  	s3 =	simm.s32 @!p0 $0x1082;
	s9 =	sld [smem:$0x3FA6]  }
0x2f: {  	lr =	sadd.s32 s0, s3;
	s0 =	sld [smem:$0x3F9D]  }
0x30: {  	s3 =	sld [smem:$0x3FA0]  }
0x31: {  	[smem:$0x3FA9] =	sst s10  }
0x32: {  	s10 =	sld [smem:$0x3FA7];
	_ =	sdelay $0x3  }
0x33: {  	p0 =	seq.s32 s10, $0x1;
	s10 =	sld [smem:$0x3FA9];
	_ =	sdelay $0x3  }
0x34: {  	[smem:$0x3FA9] =	sst s10  }
0x35: {  	s10 =	sld [smem:$0x3FA8];
	_ =	sdelay $0x3  }
0x36: {  	p1 =	seq.s32 s10, $0x1;
	s10 =	sld [smem:$0x3FA9];
	_ =	sdelay $0x3  }
0x37: {  	[smem:$0x3FA9] =	sst s10  }
0x38: {  	s10 =	sld [smem:$0x3FAA]  }
0x39: {  	_ = 	snop;
	(pc) =	sbr.ind lr, $3  }
0x3a: {  	_ = 	snop  }
0x3b: {  	_ = 	snop  }
0x3c: {  	p2 =	seq.s32 s10, $0x1;
	s10 =	sld [smem:$0x3FA9]  }
0x3d: {  	_ =	shalt  }
0x3e: {  	_ =	shalt  }
0x3f: {  	_ =	shalt  }
0x40: {  	_ =	shalt  }
0x41: {  	_ =	shalt  }
0x42: {  	_ =	shalt  }
0x43: {  	_ =	shalt  }
0x44: {  	_ =	shalt  }
0x45: {  	_ =	shalt  }
0x46: {  	_ =	shalt  }
0x47: {  	_ =	shalt  }
0x48: {  	_ =	shalt  }
0x49: {  	_ =	shalt  }
0x4a: {  	_ =	shalt  }
0x4b: {  	_ =	shalt  }
0x4c: {  	_ =	shalt  }
0x4d: {  	_ =	shalt  }
0x4e: {  	_ =	shalt  }
0x4f: {  	_ =	shalt  }
0x50: {  	_ =	shalt  }
0x51: {  	_ =	shalt  }
0x52: {  	_ =	shalt  }
0x53: {  	_ =	shalt  }
0x54: {  	_ =	shalt  }
0x55: {  	_ =	shalt  }
0x56: {  	_ =	shalt  }
0x57: {  	_ =	shalt  }
0x58: {  	_ =	shalt  }
0x59: {  	_ =	shalt  }
0x5a: {  	_ =	shalt  }
0x5b: {  	_ =	shalt  }
0x5c: {  	_ =	shalt  }
0x5d: {  	_ =	shalt  }
0x5e: {  	_ =	shalt  }
0x5f: {  	_ =	shalt  }
0x60: {  	_ =	shalt  }
0x61: {  	_ =	shalt  }
0x62: {  	_ =	shalt  }
0x63: {  	_ =	shalt  }
0x64: {  	_ =	shalt  }
0x65: {  	_ =	shalt  }
0x66: {  	_ =	shalt  }
0x67: {  	_ =	shalt  }
0x68: {  	_ =	shalt  }
0x69: {  	_ =	shalt  }
0x6a: {  	_ =	shalt  }
0x6b: {  	_ =	shalt  }
0x6c: {  	_ =	shalt  }
0x6d: {  	_ =	shalt  }
0x6e: {  	_ =	shalt  }
0x6f: {  	_ =	shalt  }
0x70: {  	_ =	shalt  }
0x71: {  	_ =	shalt  }
0x72: {  	_ =	shalt  }
0x73: {  	_ =	shalt  }
0x74: {  	_ =	shalt  }
0x75: {  	_ =	shalt  }
0x76: {  	_ =	shalt  }
0x77: {  	_ =	shalt  }
0x78: {  	_ =	shalt  }
0x79: {  	_ =	shalt  }
0x7a: {  	_ =	shalt  }
0x7b: {  	_ =	shalt  }
0x7c: {  	_ =	shalt  }
0x7d: {  	_ =	shalt  }
0x7e: {  	_ =	shalt  }
0x7f: {  	_ =	shalt  }
0x80: {  	_ =	shalt  }
0x81: {  	_ =	shalt  }
0x82: {  	_ =	shalt  }
0x83: {  	_ =	shalt  }
0x84: {  	_ =	shalt  }
0x85: {  	_ =	shalt  }
0x86: {  	_ =	shalt  }
0x87: {  	_ =	shalt  }
.Lfunc_end0:
.L_simem_size_0:
called_computation_lowered:
.L_overlay_start_0:
0x88: {  	s2 =	sld [smem:$0x3FD9]  }
0x89: {  	s3 =	sld [smem:$0x3FFE];
	_ =	sdelay $0x1  }
0x8a: {  	s1 =	srdreg.scid  }
0x8b: {  	s0 =	sand.u32 $0x1, s1  }
0x8c: {  	s16 =	sshll.u32 s0, $0xA;
	s2 =	sadd.s32 s3, s2  }
0x8d: {  	s2 =	sadd.s32 s2, s16  }
0x8e: {  	[smem:$0x3FB5] =	sst s2  }
0x8f: {  	_ = 	snop  }
0x90: {  	(tm) =	ssettm $0x1  }
0x91: {  	s17 =	sld [smem:$0x3FFB];
	_ =	sdelay $0x3  }
0x92: {  	_ =	strace s17  }
0x93: {  	s2 =	sld [smem:$0x3FFC];
	_ =	sdelay $0x3  }
0x94: {  	_ =	strace s2  }
0x95: {  	s2 =	sld [smem:$0x3FFD];
	_ =	sdelay $0x3  }
0x96: {  	_ =	strace s2  }
0x97: {  	_ =	strace $0x8FFFFFFF  }
0x98: {  	s18 =	sld [smem:$0x3FDB];
	_ =	sdelay $0x1  }
0x99: {  	s19 =	simm.s32 $_scs_section_size  }
0x9a: {  	s4 =	simm.s32 $_size__tile_overlayer_lowered;
	s5 =	simm.s32 $_tile_overlayer_lowered  }
0x9b: {  	s22 =	simm.s32 $0x1BFF;
	s21 =	sshll.u32 s5, $0x1;
	s2 =	sadd.s32 s19, s18  }
0x9c: {  	s6 =	simm.s32 $0x0;
	s20 =	sshll.u32 s4, $0x1;
	s4 =	sadd.s32 s21, s2  }
0x9d: {  	[timem:s6], [sflag:s22] =	dma.local [hbm:s4], s20  }
0x9e: {  	_ =	swait.ge [sflag:s22], s20  }
0x9f: {  	s3 =	ssub.s32 $0x0, s20;
	[sflag:s22] =	ssyncset.done $0x0  }
0xa0: {  	[sflag:s22] =	ssyncadd.s32 s3;
	_ =	sdelay $0x1  }
0xa1: {  	s23 =	simm.s32 $0x1B8B  }
0xa2: {  	_ =	swait.ge [sflag:s23], $0x1  }
0xa3: {  	[sflag:s23] =	ssyncset.done $0x0  }
0xa4: {  	s25 =	simm.s32 $0x1B8E;
	s24 =	sld [smem:$0x3FFE];
	[sflag:s23] =	ssyncadd.s32 $0xFFFFFFFF  }
0xa5: {  	s26 =	simm.s32 $execute0_lowered;
	[smem:$0x3FD2] =	sst s25  }
0xa6: {  	s4 =	sshll.u32 s26, $0x1;
	_ =	strace $0x80000046;
	[dreg:$0x1] =	wrdreg $0xFFFFFFFF  }
0xa7: {  	s28 =	simm.s32 $_size_execute0_lowered;
	s2 =	sadd.s32 s2, s4;
	[dreg:$0x0] =	wrdreg $0x0  }
0xa8: {  	s4 =	sshll.u32 s28, $0x1;
	[dreg:$0x2] =	wrdreg s2  }
0xa9: {  	[dreg:$0x3] =	wrdreg s4  }
0xaa: {  	[dreg:$0x4] =	wrdreg $0xC0  }
0xab: {  	_ =	task [dreg:s6], $0x5FFFF  }
0xac: {  	[dreg:$0x1] =	wrdreg $0xFFFFFFFF  }
0xad: {  	[dreg:$0x0] =	wrdreg $0x60  }
0xae: {  	[dreg:$0x2] =	wrdreg s24  }
0xaf: {  	[dreg:$0x3] =	wrdreg $0x68000  }
0xb0: {  	[dreg:$0x4] =	wrdreg $0x9  }
0xb1: {  	_ =	task.clear_ibuf [dreg:s6], $0x5FFFF;
	_ =	strace $0x90000046  }
0xb2: {  	s29 =	simm.s32 $0x9;
	_ =	strace $0x80000048  }
0xb3: {  	_ =	swait.ge [sflag:s29], $0x1  }
0xb4: {  	[sflag:s29] =	ssyncadd.s32 $0xFFFFFFFF  }
0xb5: {  	_ =	strace $0x90000048  }
0xb6: {  	_ =	sfence  }
0xb7: {  	s30 =	sld [smem:$0x0];
	_ =	sdelay $0x2  }
0xb8: {  	s31 =	sshll.u32 s1, $0xD;
	s1 =	sshrl.u32 s1, $0x2  }
0xb9: {  	s3 =	sand.u32 $0x4000, s31;
	s1 =	sadd.s32 s1, s30  }
0xba: {  	s0 =	sor.u32 s3, s0;
	s1 =	sshll.u32 s1, $0x11  }
0xbb: {  	s0 =	sor.u32 s1, s0  }
0xbc: {  	s0 =	sadd.s32 $0x8F2B, s0  }
0xbd: {  	[sflag:s0] =	ssyncadd.remote.s32 $0x1  }
0xbe: {  	_ =	sfence.sel $0xFFFF  }
0xbf: {  	[dreg:$0x0] =	wrdreg $0xFFFFFFFF;
	(pc) =	sbr.abs _section_cstart, $3  }
0xc0: {  	[dreg:$0x1] =	wrdreg $0xFFFFFFFF  }
0xc1: {  	_ =	task.clear_ibuf [dreg:s6], $0x2FFFF;
	_ =	strace $0x9FFFFFFF  }
0xc2: {  	(tm) =	ssettm $0x7FFFFFFF  }
0xc3: {  	_ =	shalt  }
tec
execute0_lowered:
.L_overlay_start_1:
0x0: {  	(tag) =	ssettag $0x1  }
0x1: {  	s0 =	srdreg.scid;
	s6 =	rddreg [dreg:$0x0]  }
0x2: {  	s2 =	rddreg [dreg:$0x1];
	s5 =	sand.u32 $0x1, s0;
	s0 =	stileid.u32  }
0x3: {  	s3 =	simm.s32 $0x0;
	s14 =	simm.s32 $0x0;
	s7 =	smul.u32 $0x13C00, s0  }
0x4: {  	[smem:$0x7FF] =	sst s3;
	s1 =	sshll.u32 s5, $0x4;
	s8 =	smul.u32 $0x13C000, s5  }
0x5: {  	s5 =	ssub.s32 $0x2, s5;
	s29 =	smul.u32 $0x4F000, s0;
	s31 =	sshll.u32 s0, $0x6  }
0x6: {  	s4 =	sor.u32 s0, s1;
	s1 =	rddreg [dreg:$0x2];
	_ =	strace $0x80000047  }
0x7: {  	s11 =	sshrl.u32 s5, $0x1;
	s4 =	smul.u32 $0x500, s4;
	s10 =	sshrl.u32 s7, $0x3  }
0x8: {  	s7 =	sadd.s32 s7, s8;
	s11 =	ssub.s32 s5, s11;
	s30 =	sshrl.u32 s29, $0x2  }
0x9: {  	s10 =	sadd.s32 s10, s6;
	s7 =	sshrl.u32 s7, $0x3;
	s13 =	sadd.s32 s30, s2  }
0xa: {  	s9 =	sadd.s32 s4, s6;
	s4 =	sadd.s32 $0x35C00, s6;
	s12 =	sadd.s32 s7, s6  }
0xb: {  	s5 =	sadd.s32 $0xE400, s10;
	s6 =	sor.u32 $0x1C01, s31;
	s10 =	sshrl.u32 s13, $0x3  }
0xc: {  	s13 =	simm.s32 $0x80;
	s7 =	sadd.s32 $0x4400, s9;
	s8 =	sadd.s32 $0x36400, s12  }
0xd: {  	s9 =	smax.u32 s11, $0x1;
	s11 =	simm.s32 $0x1;
	s12 =	simm.s32 $0x2800  }
.LBB2_1:
0xe: {  	[spmem:s10], [sflag:s6] =	dma.local [hbm:s5], $0x2780  }
0xf: {  	_ =	swait.ge [sflag:s11], $0x2780  }
0x10: {  	[sflag:s11] =	ssyncset.done $0x0  }
0x11: {  	[sflag:s11] =	ssyncadd.s32 $0xFFFFD880  }
0x12: {  	[tilespmem:s3], [sflag:$0x1] =	stream.linear.gather [hbm4b:s7+s3], $0x2780, $0x38;
	[tilespmem:$0x1A400] =	vst v63  }
0x13: {  	_ =	swait.ge [sflag:s11], $0x2780  }
0x14: {  	[sflag:s11] =	ssyncset.done $0x0  }
0x15: {  	[sflag:s11] =	ssyncadd.s32 $0xFFFFD880  }
0x16: {  	[tilespmem:s12], [sflag:$0x1] =	stream.linear.gather [hbm4b:s4+s3], $0x4000, $0x38;
	[tilespmem:$0x1A400] =	vst v63  }
0x17: {  	_ =	swait.ge [sflag:s11], $0x4000  }
0x18: {  	[sflag:s11] =	ssyncset.done $0x0  }
0x19: {  	[sflag:s11] =	ssyncadd.s32 $0xFFFFC000  }
0x1a: {  	s15 =	simm.s32 $0x0;
	[bflag:$0x0] =	sbarrier.arrive $0xFFFF  }
0x1b: {  	[spmem:s2] =	stream.indirect.scatter.add.f32 [tilespmem:s12], [sflag:$0x1], $0x80, s15, s13, $0xb8;
	[tilespmem:$0x1A400] =	vst v63  }
0x1c: {  	_ =	swait.ge [sflag:s11], $0x4000  }
0x1d: {  	s15 =	simm.s32 $0x200;
	[sflag:s11] =	ssyncset.done $0x0  }
.LBB2_2:
0x1e: {  	s16 =	sshra.s32 s15, $0x2;
	[sflag:s11] =	ssyncadd.s32 $0xFFFFC000;
	p0 =	sne.s32 s15, $0x9C00  }
0x1f: {  	[spmem:s2] =	stream.indirect.scatter.add.f32 [tilespmem:s12], [sflag:$0x1], $0x80, s16, s13, $0xb8;
	[tilespmem:$0x1A400] =	vst v63  }
.Ltmp0:
0x20: {  	_ = 	snop;
	(pc) =	sbr.rel @p0 .LBB2_2-.Ltmp0, $4  }
0x21: {  	_ = 	snop  }
0x22: {  	s15 =	sadd.s32 $0x200, s15  }
0x23: {  	_ =	swait.ge [sflag:s11], $0x4000  }
0x24: {  	[sflag:s11] =	ssyncset.done $0x0  }
0x25: {  	s14 =	sadd.s32 $0x1, s14  }
0x26: {  	[sflag:s11] =	ssyncadd.s32 $0xFFFFC000;
	p0 =	sne.s32 s14, s9  }
.Ltmp1:
0x27: {  	[bflag:$0x0] =	sbarrier.arrive $0xFFFF;
	(pc) =	sbr.rel @p0 .LBB2_1-.Ltmp1, $4  }
0x28: {  	[hbm:s8], [sflag:s6] =	dma.local [spmem:s10], $0x2780  }
0x29: {  	_ =	swait.ge [sflag:s11], $0x2780  }
0x2a: {  	[sflag:s11] =	ssyncset.done $0x0  }
0x2b: {  	[sflag:s11] =	ssyncadd.s32 $0xFFFFD880  }
0x2c: {  	_ =	sfence.sel $0x180000  }
0x2d: {  	[bflag:$0x0] =	sbarrier.arrive $0xFFFF  }
0x2e: {  	p0 =	sne.s32 s0, $0x0;
	_ =	strace $0x90000047  }
0x2f: {  	s0 =	sadd.s32 @!p0 $0x100000, s1;
	[bflag:$0x2] =	sbarrier.arrive $0xFFFF  }
0x30: {  	[sflag:s0] =	ssyncadd.tile.s32 @!p0 $0x1;
	_ =	shalt  }
.Lfunc_end2:
_tile_overlayer_lowered:
.L_overlay_start_2:
0x31: {  	(tag) =	ssettag $0x2  }
0x32: {  	s0 =	rddreg [dreg:$0x0];
	s2 =	stileid.u32  }
0x33: {  	s1 =	rddreg [dreg:$0x1];
	p0 =	sne.s32 s2, $0x0  }
0x34: {  	s3 =	rddreg [dreg:$0x2];
	[bflag:$0x3] =	sbarrier.arrive $0xFFFF;
	s2 =	simm.s32 @!p0 $0x1C01  }
0x35: {  	[timem:s3], [sflag:s2] =	dma.local @!p0 [hbm:s0], s1  }
0x36: {  	s0 =	simm.s32 @!p0 $0x1  }
0x37: {  	_ =	swait.ge @!p0 [sflag:s0], s1  }
0x38: {  	s1 =	ssub.s32 @!p0 $0x0, s1;
	[sflag:s0] =	ssyncset.done @!p0 $0x0  }
0x39: {  	[sflag:s0] =	ssyncadd.s32 @!p0 s1  }
0x3a: {  	[bflag:$0x3] =	sbarrier.arrive $0xFFFF  }
0x3b: {  	_ =	shalt  }

// kernel: kernel.13.cloned.1.call-start
scs
__scs_entry_jumppad:
0x0: {  	(pc) =	sbr.rel $0x88, $3  }
0x1: {  	(tag) =	ssettag $0x0;
	lr =	simm.s32 $0x1  }
0x2: {  	[smem:$0x3F8E] =	sst lr;
	_ =	strace $0xD0000000  }
0x3: {  	_ = 	snop  }
0x4: {  	_ = 	snop  }
0x5: {  	_ = 	snop  }
0x6: {  	_ = 	snop  }
0x7: {  	_ = 	snop  }
__scs_overlays_trampoline_lowered:
0x8: {  	[smem:$0x3F9D] =	sst s0  }
0x9: {  	[smem:$0x3F9E] =	sst s1  }
0xa: {  	[smem:$0x3F9F] =	sst s2  }
0xb: {  	[smem:$0x3FA0] =	sst s3  }
0xc: {  	[smem:$0x3FA1] =	sst s4  }
0xd: {  	[smem:$0x3FA2] =	sst s5  }
0xe: {  	[smem:$0x3FA3] =	sst s6  }
0xf: {  	[smem:$0x3FA4] =	sst s7  }
0x10: {  	[smem:$0x3FA5] =	sst s8  }
0x11: {  	[smem:$0x3FA6] =	sst s9;
	s0 =	simm.s32 @!p0 $0x0  }
0x12: {  	s1 =	sld [smem:$0x3F8C];
	s0 =	simm.s32 @p0 $0x1  }
0x13: {  	[smem:$0x3FA7] =	sst s0;
	s0 =	simm.s32 @!p1 $0x0  }
0x14: {  	s2 =	sld [smem:$0x3F8B];
	s0 =	simm.s32 @p1 $0x1  }
0x15: {  	[smem:$0x3FA8] =	sst s0;
	s0 =	simm.s32 @!p2 $0x0  }
0x16: {  	s3 =	sld [smem:$0x3FDB];
	s0 =	simm.s32 @p2 $0x1  }
0x17: {  	s4 =	simm.s32 $0x1BF5;
	[smem:$0x3FAA] =	sst s0  }
0x18: {  	s0 =	sld [smem:$0x3F8D];
	_ =	swait.ge [sflag:s4], $0x0  }
0x19: {  	s7 =	sld [smem:$0x3F8E]  }
0x1a: {  	s8 =	sadd.s32 $0xFFFFE003, lr  }
0x1b: {  	s9 =	sadd.s32 $0xFFFFFEF7, lr;
	s5 =	simm.s32 $0xFFFFFFFF;
	p2 =	slt.u32 s8, $0xFFFFF086  }
0x1c: {  	p1 =	slt.u32 s9, $0xF7A;
	s5 =	simm.s32 @!p2 $0x0  }
0x1d: {  	s5 =	simm.s32 @p1 $0x1;
	p0 =	seq.s32 s7, s2  }
0x1e: {  	s7 =	smul.u32 @!p0 $0xF7A, s2;
	p2 =	seq.s32 @!p0 s5, $0x0  }
0x1f: {  	s9 =	smul.u32 $0xF7A, s1;
	s8 =	simm.s32 @!p0 $0x1BF5;
	p2 =	por !p2, p0  }
0x20: {  	[sflag:s8] =	ssyncset.s32 @!p0 $0xFFFFF086;
	s6 =	sadd.s32 @!p0 s3, s7;
	s7 =	simm.s32 @!p0 $0x108  }
0x21: {  	s3 =	sadd.s32 s3, s9;
	s6 =	sadd.s32 @!p0 $0x88, s6;
	s7 =	simm.s32 @p2 $0x1082  }
0x22: {  	[simem:s7], [sflag:s8] =	dma.local @!p0 [hbm:s6], $0xF7A  }
0x23: {  	s9 =	sor.u32 $0xD0000000, s2;
	s6 =	simm.s32 $0x108;
	_ =	swait.ge @!p0 [sflag:s8], $0x0  }
0x24: {  	s3 =	sadd.s32 $0x88, s3;
	s6 =	simm.s32 @!p1 $0x1082;
	[sflag:s4] =	ssyncset.s32 $0xFFFFF086  }
0x25: {  	[simem:s6], [sflag:s4] =	dma.local [hbm:s3], $0xF7A  }
0x26: {  	[smem:$0x3F8E] =	sst s1;
	(tag) =	ssettag s2;
	_ =	strace s9  }
0x27: {  	s1 =	sld [smem:$0x3F9E]  }
0x28: {  	s2 =	sld [smem:$0x3F9F]  }
0x29: {  	s4 =	sld [smem:$0x3FA1]  }
0x2a: {  	p0 =	seq.s32 s5, $0x0;
	s5 =	sld [smem:$0x3FA2]  }
0x2b: {  	s6 =	sld [smem:$0x3FA3]  }
0x2c: {  	s7 =	sld [smem:$0x3FA4]  }
0x2d: {  	s3 =	simm.s32 $0x108;
	s8 =	sld [smem:$0x3FA5]  }
0x2e: {  	s3 =	simm.s32 @!p0 $0x1082;
	s9 =	sld [smem:$0x3FA6]  }
0x2f: {  	lr =	sadd.s32 s0, s3;
	s0 =	sld [smem:$0x3F9D]  }
0x30: {  	s3 =	sld [smem:$0x3FA0]  }
0x31: {  	[smem:$0x3FA9] =	sst s10  }
0x32: {  	s10 =	sld [smem:$0x3FA7];
	_ =	sdelay $0x3  }
0x33: {  	p0 =	seq.s32 s10, $0x1;
	s10 =	sld [smem:$0x3FA9];
	_ =	sdelay $0x3  }
0x34: {  	[smem:$0x3FA9] =	sst s10  }
0x35: {  	s10 =	sld [smem:$0x3FA8];
	_ =	sdelay $0x3  }
0x36: {  	p1 =	seq.s32 s10, $0x1;
	s10 =	sld [smem:$0x3FA9];
	_ =	sdelay $0x3  }
0x37: {  	[smem:$0x3FA9] =	sst s10  }
0x38: {  	s10 =	sld [smem:$0x3FAA]  }
0x39: {  	_ = 	snop;
	(pc) =	sbr.ind lr, $3  }
0x3a: {  	_ = 	snop  }
0x3b: {  	_ = 	snop  }
0x3c: {  	p2 =	seq.s32 s10, $0x1;
	s10 =	sld [smem:$0x3FA9]  }
0x3d: {  	_ =	shalt  }
0x3e: {  	_ =	shalt  }
0x3f: {  	_ =	shalt  }
0x40: {  	_ =	shalt  }
0x41: {  	_ =	shalt  }
0x42: {  	_ =	shalt  }
0x43: {  	_ =	shalt  }
0x44: {  	_ =	shalt  }
0x45: {  	_ =	shalt  }
0x46: {  	_ =	shalt  }
0x47: {  	_ =	shalt  }
0x48: {  	_ =	shalt  }
0x49: {  	_ =	shalt  }
0x4a: {  	_ =	shalt  }
0x4b: {  	_ =	shalt  }
0x4c: {  	_ =	shalt  }
0x4d: {  	_ =	shalt  }
0x4e: {  	_ =	shalt  }
0x4f: {  	_ =	shalt  }
0x50: {  	_ =	shalt  }
0x51: {  	_ =	shalt  }
0x52: {  	_ =	shalt  }
0x53: {  	_ =	shalt  }
0x54: {  	_ =	shalt  }
0x55: {  	_ =	shalt  }
0x56: {  	_ =	shalt  }
0x57: {  	_ =	shalt  }
0x58: {  	_ =	shalt  }
0x59: {  	_ =	shalt  }
0x5a: {  	_ =	shalt  }
0x5b: {  	_ =	shalt  }
0x5c: {  	_ =	shalt  }
0x5d: {  	_ =	shalt  }
0x5e: {  	_ =	shalt  }
0x5f: {  	_ =	shalt  }
0x60: {  	_ =	shalt  }
0x61: {  	_ =	shalt  }
0x62: {  	_ =	shalt  }
0x63: {  	_ =	shalt  }
0x64: {  	_ =	shalt  }
0x65: {  	_ =	shalt  }
0x66: {  	_ =	shalt  }
0x67: {  	_ =	shalt  }
0x68: {  	_ =	shalt  }
0x69: {  	_ =	shalt  }
0x6a: {  	_ =	shalt  }
0x6b: {  	_ =	shalt  }
0x6c: {  	_ =	shalt  }
0x6d: {  	_ =	shalt  }
0x6e: {  	_ =	shalt  }
0x6f: {  	_ =	shalt  }
0x70: {  	_ =	shalt  }
0x71: {  	_ =	shalt  }
0x72: {  	_ =	shalt  }
0x73: {  	_ =	shalt  }
0x74: {  	_ =	shalt  }
0x75: {  	_ =	shalt  }
0x76: {  	_ =	shalt  }
0x77: {  	_ =	shalt  }
0x78: {  	_ =	shalt  }
0x79: {  	_ =	shalt  }
0x7a: {  	_ =	shalt  }
0x7b: {  	_ =	shalt  }
0x7c: {  	_ =	shalt  }
0x7d: {  	_ =	shalt  }
0x7e: {  	_ =	shalt  }
0x7f: {  	_ =	shalt  }
0x80: {  	_ =	shalt  }
0x81: {  	_ =	shalt  }
0x82: {  	_ =	shalt  }
0x83: {  	_ =	shalt  }
0x84: {  	_ =	shalt  }
0x85: {  	_ =	shalt  }
0x86: {  	_ =	shalt  }
0x87: {  	_ =	shalt  }
.Lfunc_end0:
.L_simem_size_0:
called_computation.1_lowered:
.L_overlay_start_0:
0x88: {  	s2 =	sld [smem:$0x3FD9]  }
0x89: {  	s3 =	sld [smem:$0x3FFE];
	_ =	sdelay $0x1  }
0x8a: {  	s1 =	srdreg.scid  }
0x8b: {  	s0 =	sand.u32 $0x1, s1  }
0x8c: {  	s16 =	sshll.u32 s0, $0xA;
	s2 =	sadd.s32 s3, s2  }
0x8d: {  	s2 =	sadd.s32 s2, s16  }
0x8e: {  	[smem:$0x3FB5] =	sst s2  }
0x8f: {  	_ = 	snop  }
0x90: {  	(tm) =	ssettm $0x1  }
0x91: {  	s17 =	sld [smem:$0x3FFB];
	_ =	sdelay $0x3  }
0x92: {  	_ =	strace s17  }
0x93: {  	s2 =	sld [smem:$0x3FFC];
	_ =	sdelay $0x3  }
0x94: {  	_ =	strace s2  }
0x95: {  	s2 =	sld [smem:$0x3FFD];
	_ =	sdelay $0x3  }
0x96: {  	_ =	strace s2  }
0x97: {  	_ =	strace $0x8FFFFFFF  }
0x98: {  	s18 =	sld [smem:$0x3FDB];
	_ =	sdelay $0x1  }
0x99: {  	s19 =	simm.s32 $_scs_section_size  }
0x9a: {  	s4 =	simm.s32 $_size__tile_overlayer_lowered;
	s5 =	simm.s32 $_tile_overlayer_lowered  }
0x9b: {  	s22 =	simm.s32 $0x1BFF;
	s21 =	sshll.u32 s5, $0x1;
	s2 =	sadd.s32 s19, s18  }
0x9c: {  	s6 =	simm.s32 $0x0;
	s20 =	sshll.u32 s4, $0x1;
	s4 =	sadd.s32 s21, s2  }
0x9d: {  	[timem:s6], [sflag:s22] =	dma.local [hbm:s4], s20  }
0x9e: {  	_ =	swait.ge [sflag:s22], s20  }
0x9f: {  	s3 =	ssub.s32 $0x0, s20;
	[sflag:s22] =	ssyncset.done $0x0  }
0xa0: {  	[sflag:s22] =	ssyncadd.s32 s3;
	_ =	sdelay $0x1  }
0xa1: {  	s23 =	simm.s32 $0x1B8B  }
0xa2: {  	_ =	swait.ge [sflag:s23], $0x1  }
0xa3: {  	[sflag:s23] =	ssyncset.done $0x0  }
0xa4: {  	s25 =	simm.s32 $0x1B8E;
	s24 =	sld [smem:$0x3FFE];
	[sflag:s23] =	ssyncadd.s32 $0xFFFFFFFF  }
0xa5: {  	s26 =	simm.s32 $execute0_lowered;
	[smem:$0x3FD2] =	sst s25  }
0xa6: {  	s4 =	sshll.u32 s26, $0x1;
	_ =	strace $0x80000049;
	[dreg:$0x1] =	wrdreg $0xFFFFFFFF  }
0xa7: {  	s28 =	simm.s32 $_size_execute0_lowered;
	s2 =	sadd.s32 s2, s4;
	[dreg:$0x0] =	wrdreg $0x0  }
0xa8: {  	s4 =	sshll.u32 s28, $0x1;
	[dreg:$0x2] =	wrdreg s2  }
0xa9: {  	[dreg:$0x3] =	wrdreg s4  }
0xaa: {  	[dreg:$0x4] =	wrdreg $0xC0  }
0xab: {  	_ =	task [dreg:s6], $0x5FFFF  }
0xac: {  	[dreg:$0x1] =	wrdreg $0xFFFFFFFF  }
0xad: {  	[dreg:$0x0] =	wrdreg $0x60  }
0xae: {  	[dreg:$0x2] =	wrdreg s24  }
0xaf: {  	[dreg:$0x3] =	wrdreg $0xA8000  }
0xb0: {  	[dreg:$0x4] =	wrdreg $0x9  }
0xb1: {  	_ =	task.clear_ibuf [dreg:s6], $0x5FFFF;
	_ =	strace $0x90000049  }
0xb2: {  	s29 =	simm.s32 $0x9;
	_ =	strace $0x8000004B  }
0xb3: {  	_ =	swait.ge [sflag:s29], $0x1  }
0xb4: {  	[sflag:s29] =	ssyncadd.s32 $0xFFFFFFFF  }
0xb5: {  	_ =	strace $0x9000004B  }
0xb6: {  	_ =	sfence  }
0xb7: {  	s30 =	sld [smem:$0x0];
	_ =	sdelay $0x2  }
0xb8: {  	s31 =	sshll.u32 s1, $0xD;
	s1 =	sshrl.u32 s1, $0x2  }
0xb9: {  	s3 =	sand.u32 $0x4000, s31;
	s1 =	sadd.s32 s1, s30  }
0xba: {  	s0 =	sor.u32 s3, s0;
	s1 =	sshll.u32 s1, $0x11  }
0xbb: {  	s0 =	sor.u32 s1, s0  }
0xbc: {  	s0 =	sadd.s32 $0x8F2B, s0  }
0xbd: {  	[sflag:s0] =	ssyncadd.remote.s32 $0x1  }
0xbe: {  	_ =	sfence.sel $0xFFFF  }
0xbf: {  	[dreg:$0x0] =	wrdreg $0xFFFFFFFF;
	(pc) =	sbr.abs _section_cstart, $3  }
0xc0: {  	[dreg:$0x1] =	wrdreg $0xFFFFFFFF  }
0xc1: {  	_ =	task.clear_ibuf [dreg:s6], $0x2FFFF;
	_ =	strace $0x9FFFFFFF  }
0xc2: {  	(tm) =	ssettm $0x7FFFFFFF  }
0xc3: {  	_ =	shalt  }
tec
execute0_lowered:
.L_overlay_start_1:
0x0: {  	(tag) =	ssettag $0x1  }
0x1: {  	s0 =	rddreg [dreg:$0x0]  }
0x2: {  	s2 =	rddreg [dreg:$0x1];
	s3 =	simm.s32 $0x0;
	s12 =	stileid.u32  }
0x3: {  	s1 =	srdreg.scid;
	s14 =	simm.s32 $0x5;
	s15 =	simm.s32 $0x1400  }
0x4: {  	s16 =	simm.s32 $0x80;
	s17 =	simm.s32 $0x2800;
	s18 =	simm.s32 $0x6800  }
0x5: {  	s19 =	simm.s32 $0x1;
	s20 =	simm.s32 $0x2;
	s21 =	simm.s32 $0x3  }
0x6: {  	s22 =	simm.s32 $0x4;
	s23 =	simm.s32 $0x2600;
	s28 =	simm.s32 $0x2700  }
0x7: {  	s29 =	simm.s32 $0x0;
	[smem:$0x7FF] =	sst s3;
	s5 =	smul.u32 $0x13C00, s12  }
0x8: {  	s1 =	sand.u32 $0x1, s1;
	s4 =	sadd.s32 $0x35C00, s0;
	s9 =	sadd.s32 $0x85400, s0  }
0x9: {  	s10 =	sadd.s32 $0x4400, s0;
	s8 =	smul.u32 $0x4F000, s12;
	s26 =	sshll.u32 s12, $0x6  }
0xa: {  	s6 =	smul.u32 $0x13C000, s1;
	s24 =	sshll.u32 s1, $0x4;
	s1 =	ssub.s32 $0x2, s1  }
0xb: {  	_ =	strace $0x8000004A;
	s7 =	sshrl.u32 s5, $0x3;
	s11 =	sshrl.u32 s1, $0x1  }
0xc: {  	s25 =	sshrl.u32 s8, $0x2;
	s7 =	sadd.s32 s7, s0;
	s5 =	sadd.s32 s5, s6  }
0xd: {  	s6 =	sor.u32 s12, s24;
	s1 =	ssub.s32 s1, s11;
	s13 =	sadd.s32 s25, s2  }
0xe: {  	s24 =	simm.s32 $0x2680;
	s25 =	simm.s32 $0x1300;
	s5 =	sshrl.u32 s5, $0x3  }
0xf: {  	s6 =	smul.u32 $0x2800, s6;
	s12 =	smax.u32 s1, $0x1;
	s13 =	sshrl.u32 s13, $0x3  }
0x10: {  	s1 =	simm.s32 $0x1280;
	s0 =	sadd.s32 s5, s0;
	s5 =	sadd.s32 $0xE400, s7  }
0x11: {  	s30 =	sshrl.u32 s6, $0x3;
	s6 =	sor.u32 $0x1C05, s26;
	s11 =	sadd.s32 $0x8F400, s0  }
0x12: {  	s26 =	simm.s32 $0x1380;
	s31 =	sadd.s32 $0x280, s30;
	s7 =	sadd.s32 s9, s30  }
0x13: {  	s8 =	sadd.s32 s10, s30;
	s9 =	sadd.s32 s9, s31;
	s10 =	sadd.s32 s10, s31  }
.LBB2_1:
0x14: {  	[spmem:s13], [sflag:s6] =	dma.local [hbm:s5], $0x2780  }
0x15: {  	_ =	swait.ge [sflag:s14], $0x2780  }
0x16: {  	[sflag:s14] =	ssyncset.done $0x0  }
0x17: {  	[sflag:s14] =	ssyncadd.s32 $0xFFFFD880  }
0x18: {  	[bflag:$0x0] =	sbarrier.arrive $0xFFFF  }
0x19: {  	[tilespmem:s3], [sflag:$0x5] =	stream.linear.gather [hbm4b:s7+s3], $0x1400, $0x38;
	[tilespmem:$0x1E400] =	vst v63  }
0x1a: {  	_ =	swait.ge [sflag:s14], $0x1400  }
0x1b: {  	[sflag:s14] =	ssyncset.done $0x0  }
0x1c: {  	[sflag:s14] =	ssyncadd.s32 $0xFFFFEC00  }
0x1d: {  	[tilespmem:s15], [sflag:$0x5] =	stream.linear.gather [hbm4b:s8+s3], $0x1400, $0x38;
	[tilespmem:$0x1E400] =	vst v63  }
0x1e: {  	_ =	swait.ge [sflag:s14], $0x1400  }
0x1f: {  	[sflag:s14] =	ssyncset.done $0x0  }
0x20: {  	[sflag:s14] =	ssyncadd.s32 $0xFFFFEC00  }
0x21: {  	[tilespmem:s17], [sflag:$0x1] =	stream.indirect.gather [hbm4b:s4+s16], $0x80, s3, s16, $0xb8;
	[tilespmem:$0x1E400] =	vst v63  }
0x22: {  	_ = 	snop  }
0x23: {  	[tilespmem:s18], [sflag:$0x2] =	stream.indirect.gather [hbm4b:s4+s16], $0x80, s16, s16, $0xb8;
	[tilespmem:$0x1E400] =	vst v63  }
0x24: {  	_ =	swait.ge [sflag:s19], $0x4000  }
0x25: {  	[sflag:s19] =	ssyncset.done $0x0  }
0x26: {  	s30 =	simm.s32 $0x1400;
	[sflag:s19] =	ssyncadd.s32 $0xFFFFC000  }
0x27: {  	[spmem:s2] =	stream.indirect.scatter.add.f32 [tilespmem:s17], [sflag:$0x3], $0x80, s30, s16, $0xb8;
	[tilespmem:$0x1E400] =	vst v63  }
0x28: {  	_ =	swait.ge [sflag:s20], $0x4000  }
0x29: {  	[sflag:s20] =	ssyncset.done $0x0  }
0x2a: {  	s30 =	simm.s32 $0x1480;
	[sflag:s20] =	ssyncadd.s32 $0xFFFFC000  }
0x2b: {  	[spmem:s2] =	stream.indirect.scatter.add.f32 [tilespmem:s18], [sflag:$0x4], $0x80, s30, s16, $0xb8;
	[tilespmem:$0x1E400] =	vst v63  }
0x2c: {  	_ =	swait.ge [sflag:s21], $0x4000  }
0x2d: {  	[sflag:s21] =	ssyncset.done $0x0  }
0x2e: {  	s30 =	simm.s32 $0x100;
	[sflag:s21] =	ssyncadd.s32 $0xFFFFC000  }
0x2f: {  	[tilespmem:s17], [sflag:$0x1] =	stream.indirect.gather [hbm4b:s4+s16], $0x80, s30, s16, $0xb8;
	[tilespmem:$0x1E400] =	vst v63  }
0x30: {  	_ =	swait.ge [sflag:s22], $0x4000  }
0x31: {  	[sflag:s22] =	ssyncset.done $0x0  }
0x32: {  	s31 =	simm.s32 $0x180;
	s30 =	simm.s32 $0x400;
	[sflag:s22] =	ssyncadd.s32 $0xFFFFC000  }
.LBB2_2:
0x33: {  	[tilespmem:s18], [sflag:$0x2] =	stream.indirect.gather [hbm4b:s4+s16], $0x80, s31, s16, $0xb8;
	[tilespmem:$0x1E400] =	vst v63  }
0x34: {  	s31 =	smov.u32 s30  }
0x35: {  	p0 =	sne.s32 s30, $0x4400;
	s30 =	sadd.s32 $0x400, s30;
	_ =	swait.ge [sflag:s19], $0x4000  }
0x36: {  	s31 =	sshra.s32 s31, $0x2;
	[sflag:s19] =	ssyncset.done $0x0  }
0x37: {  	s0 =	sadd.s32 $0x1400, s31;
	[sflag:s19] =	ssyncadd.s32 $0xFFFFC000  }
0x38: {  	[spmem:s2] =	stream.indirect.scatter.add.f32 [tilespmem:s17], [sflag:$0x3], $0x80, s0, s16, $0xb8;
	[tilespmem:$0x1E400] =	vst v63  }
0x39: {  	_ =	swait.ge [sflag:s20], $0x4000  }
0x3a: {  	[sflag:s20] =	ssyncset.done $0x0  }
0x3b: {  	s0 =	sadd.s32 $0x1480, s31;
	[sflag:s20] =	ssyncadd.s32 $0xFFFFC000  }
0x3c: {  	[spmem:s2] =	stream.indirect.scatter.add.f32 [tilespmem:s18], [sflag:$0x4], $0x80, s0, s16, $0xb8;
	[tilespmem:$0x1E400] =	vst v63  }
0x3d: {  	_ =	swait.ge [sflag:s21], $0x4000  }
0x3e: {  	[sflag:s21] =	ssyncset.done $0x0  }
.Ltmp0:
0x3f: {  	s0 =	sadd.s32 $0x100, s31;
	[sflag:s21] =	ssyncadd.s32 $0xFFFFC000;
	(pc) =	sbr.rel @p0 .LBB2_2-.Ltmp0, $4  }
0x40: {  	[tilespmem:s17], [sflag:$0x1] =	stream.indirect.gather [hbm4b:s4+s16], $0x80, s0, s16, $0xb8;
	[tilespmem:$0x1E400] =	vst v63  }
0x41: {  	_ =	swait.ge [sflag:s22], $0x4000  }
0x42: {  	[sflag:s22] =	ssyncset.done $0x0  }
0x43: {  	s31 =	sadd.s32 $0x180, s31;
	[sflag:s22] =	ssyncadd.s32 $0xFFFFC000  }
0x44: {  	[tilespmem:s18], [sflag:$0x2] =	stream.indirect.gather [hbm4b:s4+s16], $0x80, s31, s16, $0xb8;
	[tilespmem:$0x1E400] =	vst v63  }
0x45: {  	_ =	swait.ge [sflag:s19], $0x4000  }
0x46: {  	[sflag:s19] =	ssyncset.done $0x0  }
0x47: {  	[sflag:s19] =	ssyncadd.s32 $0xFFFFC000  }
0x48: {  	[spmem:s2] =	stream.indirect.scatter.add.f32 [tilespmem:s17], [sflag:$0x3], $0x80, s23, s16, $0xb8;
	[tilespmem:$0x1E400] =	vst v63  }
0x49: {  	_ =	swait.ge [sflag:s20], $0x4000  }
0x4a: {  	[sflag:s20] =	ssyncset.done $0x0  }
0x4b: {  	[sflag:s20] =	ssyncadd.s32 $0xFFFFC000  }
0x4c: {  	[spmem:s2] =	stream.indirect.scatter.add.f32 [tilespmem:s18], [sflag:$0x4], $0x80, s24, s16, $0xb8;
	[tilespmem:$0x1E400] =	vst v63  }
0x4d: {  	_ =	swait.ge [sflag:s21], $0x4000  }
0x4e: {  	[sflag:s21] =	ssyncset.done $0x0  }
0x4f: {  	[sflag:s21] =	ssyncadd.s32 $0xFFFFC000  }
0x50: {  	[tilespmem:s17], [sflag:$0x1] =	stream.indirect.gather [hbm4b:s4+s16], $0x80, s25, s16, $0xb8;
	[tilespmem:$0x1E400] =	vst v63  }
0x51: {  	_ =	swait.ge [sflag:s22], $0x4000  }
0x52: {  	[sflag:s22] =	ssyncset.done $0x0  }
0x53: {  	[sflag:s22] =	ssyncadd.s32 $0xFFFFC000  }
0x54: {  	[tilespmem:s18], [sflag:$0x2] =	stream.indirect.gather [hbm4b:s4+s16], $0x80, s26, s16, $0xb8;
	[tilespmem:$0x1E400] =	vst v63  }
0x55: {  	_ =	swait.ge [sflag:s19], $0x4000  }
0x56: {  	[sflag:s19] =	ssyncset.done $0x0  }
0x57: {  	[sflag:s19] =	ssyncadd.s32 $0xFFFFC000  }
0x58: {  	[spmem:s2] =	stream.indirect.scatter.add.f32 [tilespmem:s17], [sflag:$0x3], $0x80, s28, s16, $0xb8;
	[tilespmem:$0x1E400] =	vst v63  }
0x59: {  	_ =	swait.ge [sflag:s20], $0x4000  }
0x5a: {  	[sflag:s20] =	ssyncset.done $0x0  }
0x5b: {  	s0 =	simm.s32 $0x2780;
	[sflag:s20] =	ssyncadd.s32 $0xFFFFC000  }
0x5c: {  	[spmem:s2] =	stream.indirect.scatter.add.f32 [tilespmem:s18], [sflag:$0x4], $0x80, s0, s16, $0xb8;
	[tilespmem:$0x1E400] =	vst v63  }
0x5d: {  	_ =	swait.ge [sflag:s21], $0x4000  }
0x5e: {  	[sflag:s21] =	ssyncset.done $0x0  }
0x5f: {  	[sflag:s21] =	ssyncadd.s32 $0xFFFFC000  }
0x60: {  	[tilespmem:s17], [sflag:$0x1] =	stream.indirect.gather [hbm4b:s4+s16], $0x80, s26, s16, $0xb8;
	[tilespmem:$0x1E400] =	vst v63  }
0x61: {  	_ =	swait.ge [sflag:s22], $0x4000  }
0x62: {  	[sflag:s22] =	ssyncset.done $0x0  }
0x63: {  	[sflag:s22] =	ssyncadd.s32 $0xFFFFC000  }
0x64: {  	[tilespmem:s18], [sflag:$0x2] =	stream.indirect.gather [hbm4b:s4+s16], $0x80, s26, s16, $0xb8;
	[tilespmem:$0x1E400] =	vst v63  }
0x65: {  	_ =	swait.ge [sflag:s19], $0x4000  }
0x66: {  	[sflag:s19] =	ssyncset.done $0x0  }
0x67: {  	[sflag:s19] =	ssyncadd.s32 $0xFFFFC000  }
0x68: {  	_ =	swait.ge [sflag:s20], $0x4000  }
0x69: {  	[sflag:s20] =	ssyncset.done $0x0  }
0x6a: {  	s0 =	simm.s32 $0x0;
	[sflag:s20] =	ssyncadd.s32 $0xFFFFC000  }
0x6b: {  	[tilespmem:s0], [sflag:$0x5] =	stream.linear.gather [hbm4b:s9+s0], $0x1380, $0x38;
	[tilespmem:$0x1E400] =	vst v63  }
0x6c: {  	_ =	swait.ge [sflag:s14], $0x1380  }
0x6d: {  	[sflag:s14] =	ssyncset.done $0x0  }
0x6e: {  	[sflag:s14] =	ssyncadd.s32 $0xFFFFEC80  }
0x6f: {  	[tilespmem:s15], [sflag:$0x5] =	stream.linear.gather [hbm4b:s10+s0], $0x1380, $0x38;
	[tilespmem:$0x1E400] =	vst v63  }
0x70: {  	_ =	swait.ge [sflag:s14], $0x1380  }
0x71: {  	[sflag:s14] =	ssyncset.done $0x0  }
0x72: {  	[sflag:s14] =	ssyncadd.s32 $0xFFFFEC80  }
0x73: {  	[tilespmem:s17], [sflag:$0x1] =	stream.indirect.gather [hbm4b:s4+s16], $0x80, s0, s16, $0xb8;
	[tilespmem:$0x1E400] =	vst v63  }
0x74: {  	_ = 	snop  }
0x75: {  	[tilespmem:s18], [sflag:$0x2] =	stream.indirect.gather [hbm4b:s4+s16], $0x80, s16, s16, $0xb8;
	[tilespmem:$0x1E400] =	vst v63  }
0x76: {  	_ =	swait.ge [sflag:s19], $0x4000  }
0x77: {  	[sflag:s19] =	ssyncset.done $0x0  }
0x78: {  	s0 =	simm.s32 $0x1400;
	[sflag:s19] =	ssyncadd.s32 $0xFFFFC000  }
0x79: {  	[spmem:s2] =	stream.indirect.scatter.add.f32 [tilespmem:s17], [sflag:$0x3], $0x80, s0, s16, $0xb8;
	[tilespmem:$0x1E400] =	vst v63  }
0x7a: {  	_ =	swait.ge [sflag:s20], $0x4000  }
0x7b: {  	[sflag:s20] =	ssyncset.done $0x0  }
0x7c: {  	s0 =	simm.s32 $0x1480;
	[sflag:s20] =	ssyncadd.s32 $0xFFFFC000  }
0x7d: {  	[spmem:s2] =	stream.indirect.scatter.add.f32 [tilespmem:s18], [sflag:$0x4], $0x80, s0, s16, $0xb8;
	[tilespmem:$0x1E400] =	vst v63  }
0x7e: {  	_ =	swait.ge [sflag:s21], $0x4000  }
0x7f: {  	[sflag:s21] =	ssyncset.done $0x0  }
0x80: {  	s0 =	simm.s32 $0x100;
	[sflag:s21] =	ssyncadd.s32 $0xFFFFC000  }
0x81: {  	[tilespmem:s17], [sflag:$0x1] =	stream.indirect.gather [hbm4b:s4+s16], $0x80, s0, s16, $0xb8;
	[tilespmem:$0x1E400] =	vst v63  }
0x82: {  	_ =	swait.ge [sflag:s22], $0x4000  }
0x83: {  	[sflag:s22] =	ssyncset.done $0x0  }
0x84: {  	s30 =	simm.s32 $0x400;
	s31 =	simm.s32 $0x180;
	[sflag:s22] =	ssyncadd.s32 $0xFFFFC000  }
.LBB2_4:
0x85: {  	[tilespmem:s18], [sflag:$0x2] =	stream.indirect.gather [hbm4b:s4+s16], $0x80, s31, s16, $0xb8;
	[tilespmem:$0x1E400] =	vst v63  }
0x86: {  	s0 =	smov.u32 s30  }
0x87: {  	p0 =	sne.s32 s30, $0x4000;
	s30 =	sadd.s32 $0x400, s30;
	_ =	swait.ge [sflag:s19], $0x4000  }
0x88: {  	s0 =	sshra.s32 s0, $0x2;
	[sflag:s19] =	ssyncset.done $0x0  }
0x89: {  	s31 =	sadd.s32 $0x1400, s0;
	[sflag:s19] =	ssyncadd.s32 $0xFFFFC000  }
0x8a: {  	[spmem:s2] =	stream.indirect.scatter.add.f32 [tilespmem:s17], [sflag:$0x3], $0x80, s31, s16, $0xb8;
	[tilespmem:$0x1E400] =	vst v63  }
0x8b: {  	_ =	swait.ge [sflag:s20], $0x4000  }
0x8c: {  	[sflag:s20] =	ssyncset.done $0x0  }
0x8d: {  	s31 =	sadd.s32 $0x1480, s0;
	[sflag:s20] =	ssyncadd.s32 $0xFFFFC000  }
0x8e: {  	[spmem:s2] =	stream.indirect.scatter.add.f32 [tilespmem:s18], [sflag:$0x4], $0x80, s31, s16, $0xb8;
	[tilespmem:$0x1E400] =	vst v63  }
0x8f: {  	_ =	swait.ge [sflag:s21], $0x4000  }
0x90: {  	[sflag:s21] =	ssyncset.done $0x0  }
.Ltmp1:
0x91: {  	s31 =	sadd.s32 $0x100, s0;
	[sflag:s21] =	ssyncadd.s32 $0xFFFFC000;
	(pc) =	sbr.rel @p0 .LBB2_4-.Ltmp1, $4  }
0x92: {  	[tilespmem:s17], [sflag:$0x1] =	stream.indirect.gather [hbm4b:s4+s16], $0x80, s31, s16, $0xb8;
	[tilespmem:$0x1E400] =	vst v63  }
0x93: {  	_ =	swait.ge [sflag:s22], $0x4000  }
0x94: {  	[sflag:s22] =	ssyncset.done $0x0  }
0x95: {  	s31 =	sadd.s32 $0x180, s0;
	[sflag:s22] =	ssyncadd.s32 $0xFFFFC000  }
0x96: {  	[tilespmem:s18], [sflag:$0x2] =	stream.indirect.gather [hbm4b:s4+s16], $0x80, s31, s16, $0xb8;
	[tilespmem:$0x1E400] =	vst v63  }
0x97: {  	_ =	swait.ge [sflag:s19], $0x4000  }
0x98: {  	[sflag:s19] =	ssyncset.done $0x0  }
0x99: {  	s0 =	simm.s32 $0x2500;
	[sflag:s19] =	ssyncadd.s32 $0xFFFFC000  }
0x9a: {  	[spmem:s2] =	stream.indirect.scatter.add.f32 [tilespmem:s17], [sflag:$0x3], $0x80, s0, s16, $0xb8;
	[tilespmem:$0x1E400] =	vst v63  }
0x9b: {  	_ =	swait.ge [sflag:s20], $0x4000  }
0x9c: {  	[sflag:s20] =	ssyncset.done $0x0  }
0x9d: {  	s30 =	simm.s32 $0x2580;
	[sflag:s20] =	ssyncadd.s32 $0xFFFFC000  }
0x9e: {  	[spmem:s2] =	stream.indirect.scatter.add.f32 [tilespmem:s18], [sflag:$0x4], $0x80, s30, s16, $0xb8;
	[tilespmem:$0x1E400] =	vst v63  }
0x9f: {  	_ =	swait.ge [sflag:s21], $0x4000  }
0xa0: {  	[sflag:s21] =	ssyncset.done $0x0  }
0xa1: {  	s31 =	simm.s32 $0x1200;
	[sflag:s21] =	ssyncadd.s32 $0xFFFFC000  }
0xa2: {  	[tilespmem:s17], [sflag:$0x1] =	stream.indirect.gather [hbm4b:s4+s16], $0x80, s31, s16, $0xb8;
	[tilespmem:$0x1E400] =	vst v63  }
0xa3: {  	_ =	swait.ge [sflag:s22], $0x4000  }
0xa4: {  	[sflag:s22] =	ssyncset.done $0x0  }
0xa5: {  	[sflag:s22] =	ssyncadd.s32 $0xFFFFC000  }
0xa6: {  	[tilespmem:s18], [sflag:$0x2] =	stream.indirect.gather [hbm4b:s4+s16], $0x80, s1, s16, $0xb8;
	[tilespmem:$0x1E400] =	vst v63  }
0xa7: {  	_ =	swait.ge [sflag:s19], $0x4000  }
0xa8: {  	[sflag:s19] =	ssyncset.done $0x0  }
0xa9: {  	[sflag:s19] =	ssyncadd.s32 $0xFFFFC000  }
0xaa: {  	[spmem:s2] =	stream.indirect.scatter.add.f32 [tilespmem:s17], [sflag:$0x3], $0x80, s23, s16, $0xb8;
	[tilespmem:$0x1E400] =	vst v63  }
0xab: {  	_ =	swait.ge [sflag:s20], $0x4000  }
0xac: {  	[sflag:s20] =	ssyncset.done $0x0  }
0xad: {  	[sflag:s20] =	ssyncadd.s32 $0xFFFFC000  }
0xae: {  	[spmem:s2] =	stream.indirect.scatter.add.f32 [tilespmem:s18], [sflag:$0x4], $0x80, s24, s16, $0xb8;
	[tilespmem:$0x1E400] =	vst v63  }
0xaf: {  	_ =	swait.ge [sflag:s21], $0x4000  }
0xb0: {  	[sflag:s21] =	ssyncset.done $0x0  }
0xb1: {  	[sflag:s21] =	ssyncadd.s32 $0xFFFFC000  }
0xb2: {  	[tilespmem:s17], [sflag:$0x1] =	stream.indirect.gather [hbm4b:s4+s16], $0x80, s1, s16, $0xb8;
	[tilespmem:$0x1E400] =	vst v63  }
0xb3: {  	_ =	swait.ge [sflag:s22], $0x4000  }
0xb4: {  	[sflag:s22] =	ssyncset.done $0x0  }
0xb5: {  	[sflag:s22] =	ssyncadd.s32 $0xFFFFC000  }
0xb6: {  	[tilespmem:s18], [sflag:$0x2] =	stream.indirect.gather [hbm4b:s4+s16], $0x80, s1, s16, $0xb8;
	[tilespmem:$0x1E400] =	vst v63  }
0xb7: {  	_ =	swait.ge [sflag:s19], $0x4000  }
0xb8: {  	[sflag:s19] =	ssyncset.done $0x0  }
0xb9: {  	[sflag:s19] =	ssyncadd.s32 $0xFFFFC000  }
0xba: {  	_ =	swait.ge [sflag:s20], $0x4000  }
0xbb: {  	[sflag:s20] =	ssyncset.done $0x0  }
0xbc: {  	[sflag:s20] =	ssyncadd.s32 $0xFFFFC000  }
0xbd: {  	[tilespmem:s17], [sflag:$0x1] =	stream.indirect.gather [hbm4b:s4+s16], $0x80, s25, s16, $0xb8;
	[tilespmem:$0x1E400] =	vst v63  }
0xbe: {  	_ =	swait.ge [sflag:s19], $0x4000  }
0xbf: {  	[sflag:s19] =	ssyncset.done $0x0  }
0xc0: {  	[sflag:s19] =	ssyncadd.s32 $0xFFFFC000  }
0xc1: {  	[spmem:s2] =	stream.indirect.scatter.add.f32 [tilespmem:s17], [sflag:$0x5], $0x80, s28, s16, $0xb8;
	[tilespmem:$0x1E400] =	vst v63  }
0xc2: {  	_ =	swait.ge [sflag:s14], $0x4000  }
0xc3: {  	s29 =	sadd.s32 $0x1, s29;
	[sflag:s14] =	ssyncset.done $0x0  }
0xc4: {  	p0 =	sne.s32 s29, s12;
	[sflag:s14] =	ssyncadd.s32 $0xFFFFC000  }
.Ltmp2:
0xc5: {  	[bflag:$0x0] =	sbarrier.arrive $0xFFFF;
	(pc) =	sbr.rel @p0 .LBB2_1-.Ltmp2, $4  }
0xc6: {  	[hbm:s11], [sflag:s6] =	dma.local [spmem:s13], $0x2780  }
0xc7: {  	_ =	swait.ge [sflag:s14], $0x2780  }
0xc8: {  	[sflag:s14] =	ssyncset.done $0x0  }
0xc9: {  	[sflag:s14] =	ssyncadd.s32 $0xFFFFD880  }
0xca: {  	_ =	sfence.sel $0x180000  }
0xcb: {  	[bflag:$0x0] =	sbarrier.arrive $0xFFFF  }
0xcc: {  	_ =	strace $0x9000004A  }
0xcd: {  	s0 =	stileid.u32;
	[bflag:$0x2] =	sbarrier.arrive $0xFFFF  }
0xce: {  	p0 =	sne.s32 s0, $0x0;
	s0 =	rddreg [dreg:$0x2]  }
0xcf: {  	s0 =	sadd.s32 @!p0 $0x100000, s0  }
0xd0: {  	[sflag:s0] =	ssyncadd.tile.s32 @!p0 $0x1;
	_ =	shalt  }
.Lfunc_end2:
_tile_overlayer_lowered:
.L_overlay_start_2:
0xd1: {  	(tag) =	ssettag $0x2  }
0xd2: {  	s0 =	rddreg [dreg:$0x0];
	s2 =	stileid.u32  }
0xd3: {  	s1 =	rddreg [dreg:$0x1];
	p0 =	sne.s32 s2, $0x0  }
0xd4: {  	s3 =	rddreg [dreg:$0x2];
	[bflag:$0x3] =	sbarrier.arrive $0xFFFF;
	s2 =	simm.s32 @!p0 $0x1C05  }
0xd5: {  	[timem:s3], [sflag:s2] =	dma.local @!p0 [hbm:s0], s1  }
0xd6: {  	s0 =	simm.s32 @!p0 $0x5  }
0xd7: {  	_ =	swait.ge @!p0 [sflag:s0], s1  }
0xd8: {  	s1 =	ssub.s32 @!p0 $0x0, s1;
	[sflag:s0] =	ssyncset.done @!p0 $0x0  }
0xd9: {  	[sflag:s0] =	ssyncadd.s32 @!p0 s1  }
0xda: {  	[bflag:$0x3] =	sbarrier.arrive $0xFFFF  }
0xdb: {  	_ =	shalt  }

// kernel: kernel.16.cloned.1.call-start
scs
__scs_entry_jumppad:
0x0: {  	(pc) =	sbr.rel $0x88, $3  }
0x1: {  	(tag) =	ssettag $0x0;
	lr =	simm.s32 $0x1  }
0x2: {  	[smem:$0x3F8E] =	sst lr;
	_ =	strace $0xD0000000  }
0x3: {  	_ = 	snop  }
0x4: {  	_ = 	snop  }
0x5: {  	_ = 	snop  }
0x6: {  	_ = 	snop  }
0x7: {  	_ = 	snop  }
__scs_overlays_trampoline_lowered:
0x8: {  	[smem:$0x3F9D] =	sst s0  }
0x9: {  	[smem:$0x3F9E] =	sst s1  }
0xa: {  	[smem:$0x3F9F] =	sst s2  }
0xb: {  	[smem:$0x3FA0] =	sst s3  }
0xc: {  	[smem:$0x3FA1] =	sst s4  }
0xd: {  	[smem:$0x3FA2] =	sst s5  }
0xe: {  	[smem:$0x3FA3] =	sst s6  }
0xf: {  	[smem:$0x3FA4] =	sst s7  }
0x10: {  	[smem:$0x3FA5] =	sst s8  }
0x11: {  	[smem:$0x3FA6] =	sst s9;
	s0 =	simm.s32 @!p0 $0x0  }
0x12: {  	s1 =	sld [smem:$0x3F8C];
	s0 =	simm.s32 @p0 $0x1  }
0x13: {  	[smem:$0x3FA7] =	sst s0;
	s0 =	simm.s32 @!p1 $0x0  }
0x14: {  	s2 =	sld [smem:$0x3F8B];
	s0 =	simm.s32 @p1 $0x1  }
0x15: {  	[smem:$0x3FA8] =	sst s0;
	s0 =	simm.s32 @!p2 $0x0  }
0x16: {  	s3 =	sld [smem:$0x3FDB];
	s0 =	simm.s32 @p2 $0x1  }
0x17: {  	s4 =	simm.s32 $0x1BF5;
	[smem:$0x3FAA] =	sst s0  }
0x18: {  	s0 =	sld [smem:$0x3F8D];
	_ =	swait.ge [sflag:s4], $0x0  }
0x19: {  	s7 =	sld [smem:$0x3F8E]  }
0x1a: {  	s8 =	sadd.s32 $0xFFFFE003, lr  }
0x1b: {  	s9 =	sadd.s32 $0xFFFFFEF7, lr;
	s5 =	simm.s32 $0xFFFFFFFF;
	p2 =	slt.u32 s8, $0xFFFFF086  }
0x1c: {  	p1 =	slt.u32 s9, $0xF7A;
	s5 =	simm.s32 @!p2 $0x0  }
0x1d: {  	s5 =	simm.s32 @p1 $0x1;
	p0 =	seq.s32 s7, s2  }
0x1e: {  	s7 =	smul.u32 @!p0 $0xF7A, s2;
	p2 =	seq.s32 @!p0 s5, $0x0  }
0x1f: {  	s9 =	smul.u32 $0xF7A, s1;
	s8 =	simm.s32 @!p0 $0x1BF5;
	p2 =	por !p2, p0  }
0x20: {  	[sflag:s8] =	ssyncset.s32 @!p0 $0xFFFFF086;
	s6 =	sadd.s32 @!p0 s3, s7;
	s7 =	simm.s32 @!p0 $0x108  }
0x21: {  	s3 =	sadd.s32 s3, s9;
	s6 =	sadd.s32 @!p0 $0x88, s6;
	s7 =	simm.s32 @p2 $0x1082  }
0x22: {  	[simem:s7], [sflag:s8] =	dma.local @!p0 [hbm:s6], $0xF7A  }
0x23: {  	s9 =	sor.u32 $0xD0000000, s2;
	s6 =	simm.s32 $0x108;
	_ =	swait.ge @!p0 [sflag:s8], $0x0  }
0x24: {  	s3 =	sadd.s32 $0x88, s3;
	s6 =	simm.s32 @!p1 $0x1082;
	[sflag:s4] =	ssyncset.s32 $0xFFFFF086  }
0x25: {  	[simem:s6], [sflag:s4] =	dma.local [hbm:s3], $0xF7A  }
0x26: {  	[smem:$0x3F8E] =	sst s1;
	(tag) =	ssettag s2;
	_ =	strace s9  }
0x27: {  	s1 =	sld [smem:$0x3F9E]  }
0x28: {  	s2 =	sld [smem:$0x3F9F]  }
0x29: {  	s4 =	sld [smem:$0x3FA1]  }
0x2a: {  	p0 =	seq.s32 s5, $0x0;
	s5 =	sld [smem:$0x3FA2]  }
0x2b: {  	s6 =	sld [smem:$0x3FA3]  }
0x2c: {  	s7 =	sld [smem:$0x3FA4]  }
0x2d: {  	s3 =	simm.s32 $0x108;
	s8 =	sld [smem:$0x3FA5]  }
0x2e: {  	s3 =	simm.s32 @!p0 $0x1082;
	s9 =	sld [smem:$0x3FA6]  }
0x2f: {  	lr =	sadd.s32 s0, s3;
	s0 =	sld [smem:$0x3F9D]  }
0x30: {  	s3 =	sld [smem:$0x3FA0]  }
0x31: {  	[smem:$0x3FA9] =	sst s10  }
0x32: {  	s10 =	sld [smem:$0x3FA7];
	_ =	sdelay $0x3  }
0x33: {  	p0 =	seq.s32 s10, $0x1;
	s10 =	sld [smem:$0x3FA9];
	_ =	sdelay $0x3  }
0x34: {  	[smem:$0x3FA9] =	sst s10  }
0x35: {  	s10 =	sld [smem:$0x3FA8];
	_ =	sdelay $0x3  }
0x36: {  	p1 =	seq.s32 s10, $0x1;
	s10 =	sld [smem:$0x3FA9];
	_ =	sdelay $0x3  }
0x37: {  	[smem:$0x3FA9] =	sst s10  }
0x38: {  	s10 =	sld [smem:$0x3FAA]  }
0x39: {  	_ = 	snop;
	(pc) =	sbr.ind lr, $3  }
0x3a: {  	_ = 	snop  }
0x3b: {  	_ = 	snop  }
0x3c: {  	p2 =	seq.s32 s10, $0x1;
	s10 =	sld [smem:$0x3FA9]  }
0x3d: {  	_ =	shalt  }
0x3e: {  	_ =	shalt  }
0x3f: {  	_ =	shalt  }
0x40: {  	_ =	shalt  }
0x41: {  	_ =	shalt  }
0x42: {  	_ =	shalt  }
0x43: {  	_ =	shalt  }
0x44: {  	_ =	shalt  }
0x45: {  	_ =	shalt  }
0x46: {  	_ =	shalt  }
0x47: {  	_ =	shalt  }
0x48: {  	_ =	shalt  }
0x49: {  	_ =	shalt  }
0x4a: {  	_ =	shalt  }
0x4b: {  	_ =	shalt  }
0x4c: {  	_ =	shalt  }
0x4d: {  	_ =	shalt  }
0x4e: {  	_ =	shalt  }
0x4f: {  	_ =	shalt  }
0x50: {  	_ =	shalt  }
0x51: {  	_ =	shalt  }
0x52: {  	_ =	shalt  }
0x53: {  	_ =	shalt  }
0x54: {  	_ =	shalt  }
0x55: {  	_ =	shalt  }
0x56: {  	_ =	shalt  }
0x57: {  	_ =	shalt  }
0x58: {  	_ =	shalt  }
0x59: {  	_ =	shalt  }
0x5a: {  	_ =	shalt  }
0x5b: {  	_ =	shalt  }
0x5c: {  	_ =	shalt  }
0x5d: {  	_ =	shalt  }
0x5e: {  	_ =	shalt  }
0x5f: {  	_ =	shalt  }
0x60: {  	_ =	shalt  }
0x61: {  	_ =	shalt  }
0x62: {  	_ =	shalt  }
0x63: {  	_ =	shalt  }
0x64: {  	_ =	shalt  }
0x65: {  	_ =	shalt  }
0x66: {  	_ =	shalt  }
0x67: {  	_ =	shalt  }
0x68: {  	_ =	shalt  }
0x69: {  	_ =	shalt  }
0x6a: {  	_ =	shalt  }
0x6b: {  	_ =	shalt  }
0x6c: {  	_ =	shalt  }
0x6d: {  	_ =	shalt  }
0x6e: {  	_ =	shalt  }
0x6f: {  	_ =	shalt  }
0x70: {  	_ =	shalt  }
0x71: {  	_ =	shalt  }
0x72: {  	_ =	shalt  }
0x73: {  	_ =	shalt  }
0x74: {  	_ =	shalt  }
0x75: {  	_ =	shalt  }
0x76: {  	_ =	shalt  }
0x77: {  	_ =	shalt  }
0x78: {  	_ =	shalt  }
0x79: {  	_ =	shalt  }
0x7a: {  	_ =	shalt  }
0x7b: {  	_ =	shalt  }
0x7c: {  	_ =	shalt  }
0x7d: {  	_ =	shalt  }
0x7e: {  	_ =	shalt  }
0x7f: {  	_ =	shalt  }
0x80: {  	_ =	shalt  }
0x81: {  	_ =	shalt  }
0x82: {  	_ =	shalt  }
0x83: {  	_ =	shalt  }
0x84: {  	_ =	shalt  }
0x85: {  	_ =	shalt  }
0x86: {  	_ =	shalt  }
0x87: {  	_ =	shalt  }
.Lfunc_end0:
.L_simem_size_0:
called_computation.2_lowered:
.L_overlay_start_0:
0x88: {  	s2 =	sld [smem:$0x3FD9]  }
0x89: {  	s3 =	sld [smem:$0x3FFE];
	_ =	sdelay $0x1  }
0x8a: {  	s1 =	srdreg.scid  }
0x8b: {  	s0 =	sand.u32 $0x1, s1  }
0x8c: {  	s16 =	sshll.u32 s0, $0xA;
	s2 =	sadd.s32 s3, s2  }
0x8d: {  	s2 =	sadd.s32 s2, s16  }
0x8e: {  	[smem:$0x3FB5] =	sst s2  }
0x8f: {  	_ = 	snop  }
0x90: {  	(tm) =	ssettm $0x1  }
0x91: {  	s17 =	sld [smem:$0x3FFB];
	_ =	sdelay $0x3  }
0x92: {  	_ =	strace s17  }
0x93: {  	s2 =	sld [smem:$0x3FFC];
	_ =	sdelay $0x3  }
0x94: {  	_ =	strace s2  }
0x95: {  	s2 =	sld [smem:$0x3FFD];
	_ =	sdelay $0x3  }
0x96: {  	_ =	strace s2  }
0x97: {  	_ =	strace $0x8FFFFFFF  }
0x98: {  	s18 =	sld [smem:$0x3FDB];
	_ =	sdelay $0x1  }
0x99: {  	s19 =	simm.s32 $_scs_section_size  }
0x9a: {  	s4 =	simm.s32 $_size__tile_overlayer_lowered;
	s5 =	simm.s32 $_tile_overlayer_lowered  }
0x9b: {  	s22 =	simm.s32 $0x1BFF;
	s21 =	sshll.u32 s5, $0x1;
	s2 =	sadd.s32 s19, s18  }
0x9c: {  	s6 =	simm.s32 $0x0;
	s20 =	sshll.u32 s4, $0x1;
	s4 =	sadd.s32 s21, s2  }
0x9d: {  	[timem:s6], [sflag:s22] =	dma.local [hbm:s4], s20  }
0x9e: {  	_ =	swait.ge [sflag:s22], s20  }
0x9f: {  	s3 =	ssub.s32 $0x0, s20;
	[sflag:s22] =	ssyncset.done $0x0  }
0xa0: {  	[sflag:s22] =	ssyncadd.s32 s3;
	_ =	sdelay $0x1  }
0xa1: {  	s23 =	simm.s32 $0x1B8B  }
0xa2: {  	_ =	swait.ge [sflag:s23], $0x1  }
0xa3: {  	[sflag:s23] =	ssyncset.done $0x0  }
0xa4: {  	s25 =	simm.s32 $0x1B8E;
	s24 =	sld [smem:$0x3FFE];
	[sflag:s23] =	ssyncadd.s32 $0xFFFFFFFF  }
0xa5: {  	s26 =	simm.s32 $execute0_lowered;
	[smem:$0x3FD2] =	sst s25  }
0xa6: {  	s4 =	sshll.u32 s26, $0x1;
	_ =	strace $0x8000004C;
	[dreg:$0x1] =	wrdreg $0xFFFFFFFF  }
0xa7: {  	s28 =	simm.s32 $_size_execute0_lowered;
	s2 =	sadd.s32 s2, s4;
	[dreg:$0x0] =	wrdreg $0x0  }
0xa8: {  	s4 =	sshll.u32 s28, $0x1;
	[dreg:$0x2] =	wrdreg s2  }
0xa9: {  	[dreg:$0x3] =	wrdreg s4  }
0xaa: {  	[dreg:$0x4] =	wrdreg $0xC0  }
0xab: {  	_ =	task [dreg:s6], $0x5FFFF  }
0xac: {  	[dreg:$0x1] =	wrdreg $0xFFFFFFFF  }
0xad: {  	[dreg:$0x0] =	wrdreg $0x60  }
0xae: {  	[dreg:$0x2] =	wrdreg s24  }
0xaf: {  	[dreg:$0x3] =	wrdreg $0xA8000  }
0xb0: {  	[dreg:$0x4] =	wrdreg $0x9  }
0xb1: {  	_ =	task.clear_ibuf [dreg:s6], $0x5FFFF;
	_ =	strace $0x9000004C  }
0xb2: {  	s29 =	simm.s32 $0x9;
	_ =	strace $0x8000004E  }
0xb3: {  	_ =	swait.ge [sflag:s29], $0x1  }
0xb4: {  	[sflag:s29] =	ssyncadd.s32 $0xFFFFFFFF  }
0xb5: {  	_ =	strace $0x9000004E  }
0xb6: {  	_ =	sfence  }
0xb7: {  	s30 =	sld [smem:$0x0];
	_ =	sdelay $0x2  }
0xb8: {  	s31 =	sshll.u32 s1, $0xD;
	s1 =	sshrl.u32 s1, $0x2  }
0xb9: {  	s3 =	sand.u32 $0x4000, s31;
	s1 =	sadd.s32 s1, s30  }
0xba: {  	s0 =	sor.u32 s3, s0;
	s1 =	sshll.u32 s1, $0x11  }
0xbb: {  	s0 =	sor.u32 s1, s0  }
0xbc: {  	s0 =	sadd.s32 $0x8F2B, s0  }
0xbd: {  	[sflag:s0] =	ssyncadd.remote.s32 $0x1  }
0xbe: {  	_ =	sfence.sel $0xFFFF  }
0xbf: {  	[dreg:$0x0] =	wrdreg $0xFFFFFFFF;
	(pc) =	sbr.abs _section_cstart, $3  }
0xc0: {  	[dreg:$0x1] =	wrdreg $0xFFFFFFFF  }
0xc1: {  	_ =	task.clear_ibuf [dreg:s6], $0x2FFFF;
	_ =	strace $0x9FFFFFFF  }
0xc2: {  	(tm) =	ssettm $0x7FFFFFFF  }
0xc3: {  	_ =	shalt  }
tec
execute0_lowered:
.L_overlay_start_1:
0x0: {  	(tag) =	ssettag $0x1  }
0x1: {  	s0 =	rddreg [dreg:$0x0]  }
0x2: {  	s2 =	rddreg [dreg:$0x1];
	s3 =	simm.s32 $0x0;
	s12 =	stileid.u32  }
0x3: {  	s1 =	srdreg.scid;
	s14 =	simm.s32 $0x5;
	s15 =	simm.s32 $0x1400  }
0x4: {  	s16 =	simm.s32 $0x80;
	s17 =	simm.s32 $0x2800;
	s18 =	simm.s32 $0x6800  }
0x5: {  	s19 =	simm.s32 $0x1;
	s20 =	simm.s32 $0x2;
	s21 =	simm.s32 $0x3  }
0x6: {  	s22 =	simm.s32 $0x4;
	s23 =	simm.s32 $0x2600;
	s28 =	simm.s32 $0x2700  }
0x7: {  	s29 =	simm.s32 $0x0;
	[smem:$0x7FF] =	sst s3;
	s5 =	smul.u32 $0x13C00, s12  }
0x8: {  	s1 =	sand.u32 $0x1, s1;
	s4 =	sadd.s32 $0x35C00, s0;
	s9 =	sadd.s32 $0x85400, s0  }
0x9: {  	s10 =	sadd.s32 $0x4400, s0;
	s8 =	smul.u32 $0x4F000, s12;
	s26 =	sshll.u32 s12, $0x6  }
0xa: {  	s6 =	smul.u32 $0x13C000, s1;
	s24 =	sshll.u32 s1, $0x4;
	s1 =	ssub.s32 $0x2, s1  }
0xb: {  	_ =	strace $0x8000004D;
	s7 =	sshrl.u32 s5, $0x3;
	s11 =	sshrl.u32 s1, $0x1  }
0xc: {  	s25 =	sshrl.u32 s8, $0x2;
	s7 =	sadd.s32 s7, s0;
	s5 =	sadd.s32 s5, s6  }
0xd: {  	s6 =	sor.u32 s12, s24;
	s1 =	ssub.s32 s1, s11;
	s13 =	sadd.s32 s25, s2  }
0xe: {  	s24 =	simm.s32 $0x2680;
	s25 =	simm.s32 $0x1300;
	s5 =	sshrl.u32 s5, $0x3  }
0xf: {  	s6 =	smul.u32 $0x2800, s6;
	s12 =	smax.u32 s1, $0x1;
	s13 =	sshrl.u32 s13, $0x3  }
0x10: {  	s1 =	simm.s32 $0x1280;
	s0 =	sadd.s32 s5, s0;
	s5 =	sadd.s32 $0xE400, s7  }
0x11: {  	s30 =	sshrl.u32 s6, $0x3;
	s6 =	sor.u32 $0x1C05, s26;
	s11 =	sadd.s32 $0x8F400, s0  }
0x12: {  	s26 =	simm.s32 $0x1380;
	s31 =	sadd.s32 $0x280, s30;
	s7 =	sadd.s32 s9, s30  }
0x13: {  	s8 =	sadd.s32 s10, s30;
	s9 =	sadd.s32 s9, s31;
	s10 =	sadd.s32 s10, s31  }
.LBB2_1:
0x14: {  	[spmem:s13], [sflag:s6] =	dma.local [hbm:s5], $0x2780  }
0x15: {  	_ =	swait.ge [sflag:s14], $0x2780  }
0x16: {  	[sflag:s14] =	ssyncset.done $0x0  }
0x17: {  	[sflag:s14] =	ssyncadd.s32 $0xFFFFD880  }
0x18: {  	[bflag:$0x0] =	sbarrier.arrive $0xFFFF  }
0x19: {  	[tilespmem:s3], [sflag:$0x5] =	stream.linear.gather [hbm4b:s7+s3], $0x1400, $0x38;
	[tilespmem:$0x1E400] =	vst v63  }
0x1a: {  	_ =	swait.ge [sflag:s14], $0x1400  }
0x1b: {  	[sflag:s14] =	ssyncset.done $0x0  }
0x1c: {  	[sflag:s14] =	ssyncadd.s32 $0xFFFFEC00  }
0x1d: {  	[tilespmem:s15], [sflag:$0x5] =	stream.linear.gather [hbm4b:s8+s3], $0x1400, $0x38;
	[tilespmem:$0x1E400] =	vst v63  }
0x1e: {  	_ =	swait.ge [sflag:s14], $0x1400  }
0x1f: {  	[sflag:s14] =	ssyncset.done $0x0  }
0x20: {  	[sflag:s14] =	ssyncadd.s32 $0xFFFFEC00  }
0x21: {  	[tilespmem:s17], [sflag:$0x1] =	stream.indirect.gather [hbm4b:s4+s16], $0x80, s3, s16, $0xb8;
	[tilespmem:$0x1E400] =	vst v63  }
0x22: {  	_ = 	snop  }
0x23: {  	[tilespmem:s18], [sflag:$0x2] =	stream.indirect.gather [hbm4b:s4+s16], $0x80, s16, s16, $0xb8;
	[tilespmem:$0x1E400] =	vst v63  }
0x24: {  	_ =	swait.ge [sflag:s19], $0x4000  }
0x25: {  	[sflag:s19] =	ssyncset.done $0x0  }
0x26: {  	s30 =	simm.s32 $0x1400;
	[sflag:s19] =	ssyncadd.s32 $0xFFFFC000  }
0x27: {  	[spmem:s2] =	stream.indirect.scatter.add.f32 [tilespmem:s17], [sflag:$0x3], $0x80, s30, s16, $0xb8;
	[tilespmem:$0x1E400] =	vst v63  }
0x28: {  	_ =	swait.ge [sflag:s20], $0x4000  }
0x29: {  	[sflag:s20] =	ssyncset.done $0x0  }
0x2a: {  	s30 =	simm.s32 $0x1480;
	[sflag:s20] =	ssyncadd.s32 $0xFFFFC000  }
0x2b: {  	[spmem:s2] =	stream.indirect.scatter.add.f32 [tilespmem:s18], [sflag:$0x4], $0x80, s30, s16, $0xb8;
	[tilespmem:$0x1E400] =	vst v63  }
0x2c: {  	_ =	swait.ge [sflag:s21], $0x4000  }
0x2d: {  	[sflag:s21] =	ssyncset.done $0x0  }
0x2e: {  	s30 =	simm.s32 $0x100;
	[sflag:s21] =	ssyncadd.s32 $0xFFFFC000  }
0x2f: {  	[tilespmem:s17], [sflag:$0x1] =	stream.indirect.gather [hbm4b:s4+s16], $0x80, s30, s16, $0xb8;
	[tilespmem:$0x1E400] =	vst v63  }
0x30: {  	_ =	swait.ge [sflag:s22], $0x4000  }
0x31: {  	[sflag:s22] =	ssyncset.done $0x0  }
0x32: {  	s31 =	simm.s32 $0x180;
	s30 =	simm.s32 $0x400;
	[sflag:s22] =	ssyncadd.s32 $0xFFFFC000  }
.LBB2_2:
0x33: {  	[tilespmem:s18], [sflag:$0x2] =	stream.indirect.gather [hbm4b:s4+s16], $0x80, s31, s16, $0xb8;
	[tilespmem:$0x1E400] =	vst v63  }
0x34: {  	s31 =	smov.u32 s30  }
0x35: {  	p0 =	sne.s32 s30, $0x4400;
	s30 =	sadd.s32 $0x400, s30;
	_ =	swait.ge [sflag:s19], $0x4000  }
0x36: {  	s31 =	sshra.s32 s31, $0x2;
	[sflag:s19] =	ssyncset.done $0x0  }
0x37: {  	s0 =	sadd.s32 $0x1400, s31;
	[sflag:s19] =	ssyncadd.s32 $0xFFFFC000  }
0x38: {  	[spmem:s2] =	stream.indirect.scatter.add.f32 [tilespmem:s17], [sflag:$0x3], $0x80, s0, s16, $0xb8;
	[tilespmem:$0x1E400] =	vst v63  }
0x39: {  	_ =	swait.ge [sflag:s20], $0x4000  }
0x3a: {  	[sflag:s20] =	ssyncset.done $0x0  }
0x3b: {  	s0 =	sadd.s32 $0x1480, s31;
	[sflag:s20] =	ssyncadd.s32 $0xFFFFC000  }
0x3c: {  	[spmem:s2] =	stream.indirect.scatter.add.f32 [tilespmem:s18], [sflag:$0x4], $0x80, s0, s16, $0xb8;
	[tilespmem:$0x1E400] =	vst v63  }
0x3d: {  	_ =	swait.ge [sflag:s21], $0x4000  }
0x3e: {  	[sflag:s21] =	ssyncset.done $0x0  }
.Ltmp0:
0x3f: {  	s0 =	sadd.s32 $0x100, s31;
	[sflag:s21] =	ssyncadd.s32 $0xFFFFC000;
	(pc) =	sbr.rel @p0 .LBB2_2-.Ltmp0, $4  }
0x40: {  	[tilespmem:s17], [sflag:$0x1] =	stream.indirect.gather [hbm4b:s4+s16], $0x80, s0, s16, $0xb8;
	[tilespmem:$0x1E400] =	vst v63  }
0x41: {  	_ =	swait.ge [sflag:s22], $0x4000  }
0x42: {  	[sflag:s22] =	ssyncset.done $0x0  }
0x43: {  	s31 =	sadd.s32 $0x180, s31;
	[sflag:s22] =	ssyncadd.s32 $0xFFFFC000  }
0x44: {  	[tilespmem:s18], [sflag:$0x2] =	stream.indirect.gather [hbm4b:s4+s16], $0x80, s31, s16, $0xb8;
	[tilespmem:$0x1E400] =	vst v63  }
0x45: {  	_ =	swait.ge [sflag:s19], $0x4000  }
0x46: {  	[sflag:s19] =	ssyncset.done $0x0  }
0x47: {  	[sflag:s19] =	ssyncadd.s32 $0xFFFFC000  }
0x48: {  	[spmem:s2] =	stream.indirect.scatter.add.f32 [tilespmem:s17], [sflag:$0x3], $0x80, s23, s16, $0xb8;
	[tilespmem:$0x1E400] =	vst v63  }
0x49: {  	_ =	swait.ge [sflag:s20], $0x4000  }
0x4a: {  	[sflag:s20] =	ssyncset.done $0x0  }
0x4b: {  	[sflag:s20] =	ssyncadd.s32 $0xFFFFC000  }
0x4c: {  	[spmem:s2] =	stream.indirect.scatter.add.f32 [tilespmem:s18], [sflag:$0x4], $0x80, s24, s16, $0xb8;
	[tilespmem:$0x1E400] =	vst v63  }
0x4d: {  	_ =	swait.ge [sflag:s21], $0x4000  }
0x4e: {  	[sflag:s21] =	ssyncset.done $0x0  }
0x4f: {  	[sflag:s21] =	ssyncadd.s32 $0xFFFFC000  }
0x50: {  	[tilespmem:s17], [sflag:$0x1] =	stream.indirect.gather [hbm4b:s4+s16], $0x80, s25, s16, $0xb8;
	[tilespmem:$0x1E400] =	vst v63  }
0x51: {  	_ =	swait.ge [sflag:s22], $0x4000  }
0x52: {  	[sflag:s22] =	ssyncset.done $0x0  }
0x53: {  	[sflag:s22] =	ssyncadd.s32 $0xFFFFC000  }
0x54: {  	[tilespmem:s18], [sflag:$0x2] =	stream.indirect.gather [hbm4b:s4+s16], $0x80, s26, s16, $0xb8;
	[tilespmem:$0x1E400] =	vst v63  }
0x55: {  	_ =	swait.ge [sflag:s19], $0x4000  }
0x56: {  	[sflag:s19] =	ssyncset.done $0x0  }
0x57: {  	[sflag:s19] =	ssyncadd.s32 $0xFFFFC000  }
0x58: {  	[spmem:s2] =	stream.indirect.scatter.add.f32 [tilespmem:s17], [sflag:$0x3], $0x80, s28, s16, $0xb8;
	[tilespmem:$0x1E400] =	vst v63  }
0x59: {  	_ =	swait.ge [sflag:s20], $0x4000  }
0x5a: {  	[sflag:s20] =	ssyncset.done $0x0  }
0x5b: {  	s0 =	simm.s32 $0x2780;
	[sflag:s20] =	ssyncadd.s32 $0xFFFFC000  }
0x5c: {  	[spmem:s2] =	stream.indirect.scatter.add.f32 [tilespmem:s18], [sflag:$0x4], $0x80, s0, s16, $0xb8;
	[tilespmem:$0x1E400] =	vst v63  }
0x5d: {  	_ =	swait.ge [sflag:s21], $0x4000  }
0x5e: {  	[sflag:s21] =	ssyncset.done $0x0  }
0x5f: {  	[sflag:s21] =	ssyncadd.s32 $0xFFFFC000  }
0x60: {  	[tilespmem:s17], [sflag:$0x1] =	stream.indirect.gather [hbm4b:s4+s16], $0x80, s26, s16, $0xb8;
	[tilespmem:$0x1E400] =	vst v63  }
0x61: {  	_ =	swait.ge [sflag:s22], $0x4000  }
0x62: {  	[sflag:s22] =	ssyncset.done $0x0  }
0x63: {  	[sflag:s22] =	ssyncadd.s32 $0xFFFFC000  }
0x64: {  	[tilespmem:s18], [sflag:$0x2] =	stream.indirect.gather [hbm4b:s4+s16], $0x80, s26, s16, $0xb8;
	[tilespmem:$0x1E400] =	vst v63  }
0x65: {  	_ =	swait.ge [sflag:s19], $0x4000  }
0x66: {  	[sflag:s19] =	ssyncset.done $0x0  }
0x67: {  	[sflag:s19] =	ssyncadd.s32 $0xFFFFC000  }
0x68: {  	_ =	swait.ge [sflag:s20], $0x4000  }
0x69: {  	[sflag:s20] =	ssyncset.done $0x0  }
0x6a: {  	s0 =	simm.s32 $0x0;
	[sflag:s20] =	ssyncadd.s32 $0xFFFFC000  }
0x6b: {  	[tilespmem:s0], [sflag:$0x5] =	stream.linear.gather [hbm4b:s9+s0], $0x1380, $0x38;
	[tilespmem:$0x1E400] =	vst v63  }
0x6c: {  	_ =	swait.ge [sflag:s14], $0x1380  }
0x6d: {  	[sflag:s14] =	ssyncset.done $0x0  }
0x6e: {  	[sflag:s14] =	ssyncadd.s32 $0xFFFFEC80  }
0x6f: {  	[tilespmem:s15], [sflag:$0x5] =	stream.linear.gather [hbm4b:s10+s0], $0x1380, $0x38;
	[tilespmem:$0x1E400] =	vst v63  }
0x70: {  	_ =	swait.ge [sflag:s14], $0x1380  }
0x71: {  	[sflag:s14] =	ssyncset.done $0x0  }
0x72: {  	[sflag:s14] =	ssyncadd.s32 $0xFFFFEC80  }
0x73: {  	[tilespmem:s17], [sflag:$0x1] =	stream.indirect.gather [hbm4b:s4+s16], $0x80, s0, s16, $0xb8;
	[tilespmem:$0x1E400] =	vst v63  }
0x74: {  	_ = 	snop  }
0x75: {  	[tilespmem:s18], [sflag:$0x2] =	stream.indirect.gather [hbm4b:s4+s16], $0x80, s16, s16, $0xb8;
	[tilespmem:$0x1E400] =	vst v63  }
0x76: {  	_ =	swait.ge [sflag:s19], $0x4000  }
0x77: {  	[sflag:s19] =	ssyncset.done $0x0  }
0x78: {  	s0 =	simm.s32 $0x1400;
	[sflag:s19] =	ssyncadd.s32 $0xFFFFC000  }
0x79: {  	[spmem:s2] =	stream.indirect.scatter.add.f32 [tilespmem:s17], [sflag:$0x3], $0x80, s0, s16, $0xb8;
	[tilespmem:$0x1E400] =	vst v63  }
0x7a: {  	_ =	swait.ge [sflag:s20], $0x4000  }
0x7b: {  	[sflag:s20] =	ssyncset.done $0x0  }
0x7c: {  	s0 =	simm.s32 $0x1480;
	[sflag:s20] =	ssyncadd.s32 $0xFFFFC000  }
0x7d: {  	[spmem:s2] =	stream.indirect.scatter.add.f32 [tilespmem:s18], [sflag:$0x4], $0x80, s0, s16, $0xb8;
	[tilespmem:$0x1E400] =	vst v63  }
0x7e: {  	_ =	swait.ge [sflag:s21], $0x4000  }
0x7f: {  	[sflag:s21] =	ssyncset.done $0x0  }
0x80: {  	s0 =	simm.s32 $0x100;
	[sflag:s21] =	ssyncadd.s32 $0xFFFFC000  }
0x81: {  	[tilespmem:s17], [sflag:$0x1] =	stream.indirect.gather [hbm4b:s4+s16], $0x80, s0, s16, $0xb8;
	[tilespmem:$0x1E400] =	vst v63  }
0x82: {  	_ =	swait.ge [sflag:s22], $0x4000  }
0x83: {  	[sflag:s22] =	ssyncset.done $0x0  }
0x84: {  	s30 =	simm.s32 $0x400;
	s31 =	simm.s32 $0x180;
	[sflag:s22] =	ssyncadd.s32 $0xFFFFC000  }
.LBB2_4:
0x85: {  	[tilespmem:s18], [sflag:$0x2] =	stream.indirect.gather [hbm4b:s4+s16], $0x80, s31, s16, $0xb8;
	[tilespmem:$0x1E400] =	vst v63  }
0x86: {  	s0 =	smov.u32 s30  }
0x87: {  	p0 =	sne.s32 s30, $0x4000;
	s30 =	sadd.s32 $0x400, s30;
	_ =	swait.ge [sflag:s19], $0x4000  }
0x88: {  	s0 =	sshra.s32 s0, $0x2;
	[sflag:s19] =	ssyncset.done $0x0  }
0x89: {  	s31 =	sadd.s32 $0x1400, s0;
	[sflag:s19] =	ssyncadd.s32 $0xFFFFC000  }
0x8a: {  	[spmem:s2] =	stream.indirect.scatter.add.f32 [tilespmem:s17], [sflag:$0x3], $0x80, s31, s16, $0xb8;
	[tilespmem:$0x1E400] =	vst v63  }
0x8b: {  	_ =	swait.ge [sflag:s20], $0x4000  }
0x8c: {  	[sflag:s20] =	ssyncset.done $0x0  }
0x8d: {  	s31 =	sadd.s32 $0x1480, s0;
	[sflag:s20] =	ssyncadd.s32 $0xFFFFC000  }
0x8e: {  	[spmem:s2] =	stream.indirect.scatter.add.f32 [tilespmem:s18], [sflag:$0x4], $0x80, s31, s16, $0xb8;
	[tilespmem:$0x1E400] =	vst v63  }
0x8f: {  	_ =	swait.ge [sflag:s21], $0x4000  }
0x90: {  	[sflag:s21] =	ssyncset.done $0x0  }
.Ltmp1:
0x91: {  	s31 =	sadd.s32 $0x100, s0;
	[sflag:s21] =	ssyncadd.s32 $0xFFFFC000;
	(pc) =	sbr.rel @p0 .LBB2_4-.Ltmp1, $4  }
0x92: {  	[tilespmem:s17], [sflag:$0x1] =	stream.indirect.gather [hbm4b:s4+s16], $0x80, s31, s16, $0xb8;
	[tilespmem:$0x1E400] =	vst v63  }
0x93: {  	_ =	swait.ge [sflag:s22], $0x4000  }
0x94: {  	[sflag:s22] =	ssyncset.done $0x0  }
0x95: {  	s31 =	sadd.s32 $0x180, s0;
	[sflag:s22] =	ssyncadd.s32 $0xFFFFC000  }
0x96: {  	[tilespmem:s18], [sflag:$0x2] =	stream.indirect.gather [hbm4b:s4+s16], $0x80, s31, s16, $0xb8;
	[tilespmem:$0x1E400] =	vst v63  }
0x97: {  	_ =	swait.ge [sflag:s19], $0x4000  }
0x98: {  	[sflag:s19] =	ssyncset.done $0x0  }
0x99: {  	s0 =	simm.s32 $0x2500;
	[sflag:s19] =	ssyncadd.s32 $0xFFFFC000  }
0x9a: {  	[spmem:s2] =	stream.indirect.scatter.add.f32 [tilespmem:s17], [sflag:$0x3], $0x80, s0, s16, $0xb8;
	[tilespmem:$0x1E400] =	vst v63  }
0x9b: {  	_ =	swait.ge [sflag:s20], $0x4000  }
0x9c: {  	[sflag:s20] =	ssyncset.done $0x0  }
0x9d: {  	s30 =	simm.s32 $0x2580;
	[sflag:s20] =	ssyncadd.s32 $0xFFFFC000  }
0x9e: {  	[spmem:s2] =	stream.indirect.scatter.add.f32 [tilespmem:s18], [sflag:$0x4], $0x80, s30, s16, $0xb8;
	[tilespmem:$0x1E400] =	vst v63  }
0x9f: {  	_ =	swait.ge [sflag:s21], $0x4000  }
0xa0: {  	[sflag:s21] =	ssyncset.done $0x0  }
0xa1: {  	s31 =	simm.s32 $0x1200;
	[sflag:s21] =	ssyncadd.s32 $0xFFFFC000  }
0xa2: {  	[tilespmem:s17], [sflag:$0x1] =	stream.indirect.gather [hbm4b:s4+s16], $0x80, s31, s16, $0xb8;
	[tilespmem:$0x1E400] =	vst v63  }
0xa3: {  	_ =	swait.ge [sflag:s22], $0x4000  }
0xa4: {  	[sflag:s22] =	ssyncset.done $0x0  }
0xa5: {  	[sflag:s22] =	ssyncadd.s32 $0xFFFFC000  }
0xa6: {  	[tilespmem:s18], [sflag:$0x2] =	stream.indirect.gather [hbm4b:s4+s16], $0x80, s1, s16, $0xb8;
	[tilespmem:$0x1E400] =	vst v63  }
0xa7: {  	_ =	swait.ge [sflag:s19], $0x4000  }
0xa8: {  	[sflag:s19] =	ssyncset.done $0x0  }
0xa9: {  	[sflag:s19] =	ssyncadd.s32 $0xFFFFC000  }
0xaa: {  	[spmem:s2] =	stream.indirect.scatter.add.f32 [tilespmem:s17], [sflag:$0x3], $0x80, s23, s16, $0xb8;
	[tilespmem:$0x1E400] =	vst v63  }
0xab: {  	_ =	swait.ge [sflag:s20], $0x4000  }
0xac: {  	[sflag:s20] =	ssyncset.done $0x0  }
0xad: {  	[sflag:s20] =	ssyncadd.s32 $0xFFFFC000  }
0xae: {  	[spmem:s2] =	stream.indirect.scatter.add.f32 [tilespmem:s18], [sflag:$0x4], $0x80, s24, s16, $0xb8;
	[tilespmem:$0x1E400] =	vst v63  }
0xaf: {  	_ =	swait.ge [sflag:s21], $0x4000  }
0xb0: {  	[sflag:s21] =	ssyncset.done $0x0  }
0xb1: {  	[sflag:s21] =	ssyncadd.s32 $0xFFFFC000  }
0xb2: {  	[tilespmem:s17], [sflag:$0x1] =	stream.indirect.gather [hbm4b:s4+s16], $0x80, s1, s16, $0xb8;
	[tilespmem:$0x1E400] =	vst v63  }
0xb3: {  	_ =	swait.ge [sflag:s22], $0x4000  }
0xb4: {  	[sflag:s22] =	ssyncset.done $0x0  }
0xb5: {  	[sflag:s22] =	ssyncadd.s32 $0xFFFFC000  }
0xb6: {  	[tilespmem:s18], [sflag:$0x2] =	stream.indirect.gather [hbm4b:s4+s16], $0x80, s1, s16, $0xb8;
	[tilespmem:$0x1E400] =	vst v63  }
0xb7: {  	_ =	swait.ge [sflag:s19], $0x4000  }
0xb8: {  	[sflag:s19] =	ssyncset.done $0x0  }
0xb9: {  	[sflag:s19] =	ssyncadd.s32 $0xFFFFC000  }
0xba: {  	_ =	swait.ge [sflag:s20], $0x4000  }
0xbb: {  	[sflag:s20] =	ssyncset.done $0x0  }
0xbc: {  	[sflag:s20] =	ssyncadd.s32 $0xFFFFC000  }
0xbd: {  	[tilespmem:s17], [sflag:$0x1] =	stream.indirect.gather [hbm4b:s4+s16], $0x80, s25, s16, $0xb8;
	[tilespmem:$0x1E400] =	vst v63  }
0xbe: {  	_ =	swait.ge [sflag:s19], $0x4000  }
0xbf: {  	[sflag:s19] =	ssyncset.done $0x0  }
0xc0: {  	[sflag:s19] =	ssyncadd.s32 $0xFFFFC000  }
0xc1: {  	[spmem:s2] =	stream.indirect.scatter.add.f32 [tilespmem:s17], [sflag:$0x5], $0x80, s28, s16, $0xb8;
	[tilespmem:$0x1E400] =	vst v63  }
0xc2: {  	_ =	swait.ge [sflag:s14], $0x4000  }
0xc3: {  	s29 =	sadd.s32 $0x1, s29;
	[sflag:s14] =	ssyncset.done $0x0  }
0xc4: {  	p0 =	sne.s32 s29, s12;
	[sflag:s14] =	ssyncadd.s32 $0xFFFFC000  }
.Ltmp2:
0xc5: {  	[bflag:$0x0] =	sbarrier.arrive $0xFFFF;
	(pc) =	sbr.rel @p0 .LBB2_1-.Ltmp2, $4  }
0xc6: {  	[hbm:s11], [sflag:s6] =	dma.local [spmem:s13], $0x2780  }
0xc7: {  	_ =	swait.ge [sflag:s14], $0x2780  }
0xc8: {  	[sflag:s14] =	ssyncset.done $0x0  }
0xc9: {  	[sflag:s14] =	ssyncadd.s32 $0xFFFFD880  }
0xca: {  	_ =	sfence.sel $0x180000  }
0xcb: {  	[bflag:$0x0] =	sbarrier.arrive $0xFFFF  }
0xcc: {  	_ =	strace $0x9000004D  }
0xcd: {  	s0 =	stileid.u32;
	[bflag:$0x2] =	sbarrier.arrive $0xFFFF  }
0xce: {  	p0 =	sne.s32 s0, $0x0;
	s0 =	rddreg [dreg:$0x2]  }
0xcf: {  	s0 =	sadd.s32 @!p0 $0x100000, s0  }
0xd0: {  	[sflag:s0] =	ssyncadd.tile.s32 @!p0 $0x1;
	_ =	shalt  }
.Lfunc_end2:
_tile_overlayer_lowered:
.L_overlay_start_2:
0xd1: {  	(tag) =	ssettag $0x2  }
0xd2: {  	s0 =	rddreg [dreg:$0x0];
	s2 =	stileid.u32  }
0xd3: {  	s1 =	rddreg [dreg:$0x1];
	p0 =	sne.s32 s2, $0x0  }
0xd4: {  	s3 =	rddreg [dreg:$0x2];
	[bflag:$0x3] =	sbarrier.arrive $0xFFFF;
	s2 =	simm.s32 @!p0 $0x1C05  }
0xd5: {  	[timem:s3], [sflag:s2] =	dma.local @!p0 [hbm:s0], s1  }
0xd6: {  	s0 =	simm.s32 @!p0 $0x5  }
0xd7: {  	_ =	swait.ge @!p0 [sflag:s0], s1  }
0xd8: {  	s1 =	ssub.s32 @!p0 $0x0, s1;
	[sflag:s0] =	ssyncset.done @!p0 $0x0  }
0xd9: {  	[sflag:s0] =	ssyncadd.s32 @!p0 s1  }
0xda: {  	[bflag:$0x3] =	sbarrier.arrive $0xFFFF  }
0xdb: {  	_ =	shalt  }

// kernel: kernel.19.cloned.1.call-start
scs
__scs_entry_jumppad:
0x0: {  	(pc) =	sbr.rel $0x88, $3  }
0x1: {  	(tag) =	ssettag $0x0;
	lr =	simm.s32 $0x1  }
0x2: {  	[smem:$0x3F8E] =	sst lr;
	_ =	strace $0xD0000000  }
0x3: {  	_ = 	snop  }
0x4: {  	_ = 	snop  }
0x5: {  	_ = 	snop  }
0x6: {  	_ = 	snop  }
0x7: {  	_ = 	snop  }
__scs_overlays_trampoline_lowered:
0x8: {  	[smem:$0x3F9D] =	sst s0  }
0x9: {  	[smem:$0x3F9E] =	sst s1  }
0xa: {  	[smem:$0x3F9F] =	sst s2  }
0xb: {  	[smem:$0x3FA0] =	sst s3  }
0xc: {  	[smem:$0x3FA1] =	sst s4  }
0xd: {  	[smem:$0x3FA2] =	sst s5  }
0xe: {  	[smem:$0x3FA3] =	sst s6  }
0xf: {  	[smem:$0x3FA4] =	sst s7  }
0x10: {  	[smem:$0x3FA5] =	sst s8  }
0x11: {  	[smem:$0x3FA6] =	sst s9;
	s0 =	simm.s32 @!p0 $0x0  }
0x12: {  	s1 =	sld [smem:$0x3F8C];
	s0 =	simm.s32 @p0 $0x1  }
0x13: {  	[smem:$0x3FA7] =	sst s0;
	s0 =	simm.s32 @!p1 $0x0  }
0x14: {  	s2 =	sld [smem:$0x3F8B];
	s0 =	simm.s32 @p1 $0x1  }
0x15: {  	[smem:$0x3FA8] =	sst s0;
	s0 =	simm.s32 @!p2 $0x0  }
0x16: {  	s3 =	sld [smem:$0x3FDB];
	s0 =	simm.s32 @p2 $0x1  }
0x17: {  	s4 =	simm.s32 $0x1BF5;
	[smem:$0x3FAA] =	sst s0  }
0x18: {  	s0 =	sld [smem:$0x3F8D];
	_ =	swait.ge [sflag:s4], $0x0  }
0x19: {  	s7 =	sld [smem:$0x3F8E]  }
0x1a: {  	s8 =	sadd.s32 $0xFFFFE003, lr  }
0x1b: {  	s9 =	sadd.s32 $0xFFFFFEF7, lr;
	s5 =	simm.s32 $0xFFFFFFFF;
	p2 =	slt.u32 s8, $0xFFFFF086  }
0x1c: {  	p1 =	slt.u32 s9, $0xF7A;
	s5 =	simm.s32 @!p2 $0x0  }
0x1d: {  	s5 =	simm.s32 @p1 $0x1;
	p0 =	seq.s32 s7, s2  }
0x1e: {  	s7 =	smul.u32 @!p0 $0xF7A, s2;
	p2 =	seq.s32 @!p0 s5, $0x0  }
0x1f: {  	s9 =	smul.u32 $0xF7A, s1;
	s8 =	simm.s32 @!p0 $0x1BF5;
	p2 =	por !p2, p0  }
0x20: {  	[sflag:s8] =	ssyncset.s32 @!p0 $0xFFFFF086;
	s6 =	sadd.s32 @!p0 s3, s7;
	s7 =	simm.s32 @!p0 $0x108  }
0x21: {  	s3 =	sadd.s32 s3, s9;
	s6 =	sadd.s32 @!p0 $0x88, s6;
	s7 =	simm.s32 @p2 $0x1082  }
0x22: {  	[simem:s7], [sflag:s8] =	dma.local @!p0 [hbm:s6], $0xF7A  }
0x23: {  	s9 =	sor.u32 $0xD0000000, s2;
	s6 =	simm.s32 $0x108;
	_ =	swait.ge @!p0 [sflag:s8], $0x0  }
0x24: {  	s3 =	sadd.s32 $0x88, s3;
	s6 =	simm.s32 @!p1 $0x1082;
	[sflag:s4] =	ssyncset.s32 $0xFFFFF086  }
0x25: {  	[simem:s6], [sflag:s4] =	dma.local [hbm:s3], $0xF7A  }
0x26: {  	[smem:$0x3F8E] =	sst s1;
	(tag) =	ssettag s2;
	_ =	strace s9  }
0x27: {  	s1 =	sld [smem:$0x3F9E]  }
0x28: {  	s2 =	sld [smem:$0x3F9F]  }
0x29: {  	s4 =	sld [smem:$0x3FA1]  }
0x2a: {  	p0 =	seq.s32 s5, $0x0;
	s5 =	sld [smem:$0x3FA2]  }
0x2b: {  	s6 =	sld [smem:$0x3FA3]  }
0x2c: {  	s7 =	sld [smem:$0x3FA4]  }
0x2d: {  	s3 =	simm.s32 $0x108;
	s8 =	sld [smem:$0x3FA5]  }
0x2e: {  	s3 =	simm.s32 @!p0 $0x1082;
	s9 =	sld [smem:$0x3FA6]  }
0x2f: {  	lr =	sadd.s32 s0, s3;
	s0 =	sld [smem:$0x3F9D]  }
0x30: {  	s3 =	sld [smem:$0x3FA0]  }
0x31: {  	[smem:$0x3FA9] =	sst s10  }
0x32: {  	s10 =	sld [smem:$0x3FA7];
	_ =	sdelay $0x3  }
0x33: {  	p0 =	seq.s32 s10, $0x1;
	s10 =	sld [smem:$0x3FA9];
	_ =	sdelay $0x3  }
0x34: {  	[smem:$0x3FA9] =	sst s10  }
0x35: {  	s10 =	sld [smem:$0x3FA8];
	_ =	sdelay $0x3  }
0x36: {  	p1 =	seq.s32 s10, $0x1;
	s10 =	sld [smem:$0x3FA9];
	_ =	sdelay $0x3  }
0x37: {  	[smem:$0x3FA9] =	sst s10  }
0x38: {  	s10 =	sld [smem:$0x3FAA]  }
0x39: {  	_ = 	snop;
	(pc) =	sbr.ind lr, $3  }
0x3a: {  	_ = 	snop  }
0x3b: {  	_ = 	snop  }
0x3c: {  	p2 =	seq.s32 s10, $0x1;
	s10 =	sld [smem:$0x3FA9]  }
0x3d: {  	_ =	shalt  }
0x3e: {  	_ =	shalt  }
0x3f: {  	_ =	shalt  }
0x40: {  	_ =	shalt  }
0x41: {  	_ =	shalt  }
0x42: {  	_ =	shalt  }
0x43: {  	_ =	shalt  }
0x44: {  	_ =	shalt  }
0x45: {  	_ =	shalt  }
0x46: {  	_ =	shalt  }
0x47: {  	_ =	shalt  }
0x48: {  	_ =	shalt  }
0x49: {  	_ =	shalt  }
0x4a: {  	_ =	shalt  }
0x4b: {  	_ =	shalt  }
0x4c: {  	_ =	shalt  }
0x4d: {  	_ =	shalt  }
0x4e: {  	_ =	shalt  }
0x4f: {  	_ =	shalt  }
0x50: {  	_ =	shalt  }
0x51: {  	_ =	shalt  }
0x52: {  	_ =	shalt  }
0x53: {  	_ =	shalt  }
0x54: {  	_ =	shalt  }
0x55: {  	_ =	shalt  }
0x56: {  	_ =	shalt  }
0x57: {  	_ =	shalt  }
0x58: {  	_ =	shalt  }
0x59: {  	_ =	shalt  }
0x5a: {  	_ =	shalt  }
0x5b: {  	_ =	shalt  }
0x5c: {  	_ =	shalt  }
0x5d: {  	_ =	shalt  }
0x5e: {  	_ =	shalt  }
0x5f: {  	_ =	shalt  }
0x60: {  	_ =	shalt  }
0x61: {  	_ =	shalt  }
0x62: {  	_ =	shalt  }
0x63: {  	_ =	shalt  }
0x64: {  	_ =	shalt  }
0x65: {  	_ =	shalt  }
0x66: {  	_ =	shalt  }
0x67: {  	_ =	shalt  }
0x68: {  	_ =	shalt  }
0x69: {  	_ =	shalt  }
0x6a: {  	_ =	shalt  }
0x6b: {  	_ =	shalt  }
0x6c: {  	_ =	shalt  }
0x6d: {  	_ =	shalt  }
0x6e: {  	_ =	shalt  }
0x6f: {  	_ =	shalt  }
0x70: {  	_ =	shalt  }
0x71: {  	_ =	shalt  }
0x72: {  	_ =	shalt  }
0x73: {  	_ =	shalt  }
0x74: {  	_ =	shalt  }
0x75: {  	_ =	shalt  }
0x76: {  	_ =	shalt  }
0x77: {  	_ =	shalt  }
0x78: {  	_ =	shalt  }
0x79: {  	_ =	shalt  }
0x7a: {  	_ =	shalt  }
0x7b: {  	_ =	shalt  }
0x7c: {  	_ =	shalt  }
0x7d: {  	_ =	shalt  }
0x7e: {  	_ =	shalt  }
0x7f: {  	_ =	shalt  }
0x80: {  	_ =	shalt  }
0x81: {  	_ =	shalt  }
0x82: {  	_ =	shalt  }
0x83: {  	_ =	shalt  }
0x84: {  	_ =	shalt  }
0x85: {  	_ =	shalt  }
0x86: {  	_ =	shalt  }
0x87: {  	_ =	shalt  }
.Lfunc_end0:
.L_simem_size_0:
called_computation.3_lowered:
.L_overlay_start_0:
0x88: {  	s2 =	sld [smem:$0x3FD9]  }
0x89: {  	s3 =	sld [smem:$0x3FFE];
	_ =	sdelay $0x1  }
0x8a: {  	s1 =	srdreg.scid  }
0x8b: {  	s0 =	sand.u32 $0x1, s1  }
0x8c: {  	s16 =	sshll.u32 s0, $0xA;
	s2 =	sadd.s32 s3, s2  }
0x8d: {  	s2 =	sadd.s32 s2, s16  }
0x8e: {  	[smem:$0x3FB5] =	sst s2  }
0x8f: {  	_ = 	snop  }
0x90: {  	(tm) =	ssettm $0x1  }
0x91: {  	s17 =	sld [smem:$0x3FFB];
	_ =	sdelay $0x3  }
0x92: {  	_ =	strace s17  }
0x93: {  	s2 =	sld [smem:$0x3FFC];
	_ =	sdelay $0x3  }
0x94: {  	_ =	strace s2  }
0x95: {  	s2 =	sld [smem:$0x3FFD];
	_ =	sdelay $0x3  }
0x96: {  	_ =	strace s2  }
0x97: {  	_ =	strace $0x8FFFFFFF  }
0x98: {  	s18 =	sld [smem:$0x3FDB];
	_ =	sdelay $0x1  }
0x99: {  	s19 =	simm.s32 $_scs_section_size  }
0x9a: {  	s4 =	simm.s32 $_size__tile_overlayer_lowered;
	s5 =	simm.s32 $_tile_overlayer_lowered  }
0x9b: {  	s22 =	simm.s32 $0x1BFF;
	s21 =	sshll.u32 s5, $0x1;
	s2 =	sadd.s32 s19, s18  }
0x9c: {  	s6 =	simm.s32 $0x0;
	s20 =	sshll.u32 s4, $0x1;
	s4 =	sadd.s32 s21, s2  }
0x9d: {  	[timem:s6], [sflag:s22] =	dma.local [hbm:s4], s20  }
0x9e: {  	_ =	swait.ge [sflag:s22], s20  }
0x9f: {  	s3 =	ssub.s32 $0x0, s20;
	[sflag:s22] =	ssyncset.done $0x0  }
0xa0: {  	[sflag:s22] =	ssyncadd.s32 s3;
	_ =	sdelay $0x1  }
0xa1: {  	s23 =	simm.s32 $0x1B8B  }
0xa2: {  	_ =	swait.ge [sflag:s23], $0x1  }
0xa3: {  	[sflag:s23] =	ssyncset.done $0x0  }
0xa4: {  	s25 =	simm.s32 $0x1B8E;
	s24 =	sld [smem:$0x3FFE];
	[sflag:s23] =	ssyncadd.s32 $0xFFFFFFFF  }
0xa5: {  	s26 =	simm.s32 $execute0_lowered;
	[smem:$0x3FD2] =	sst s25  }
0xa6: {  	s4 =	sshll.u32 s26, $0x1;
	_ =	strace $0x8000004F;
	[dreg:$0x1] =	wrdreg $0xFFFFFFFF  }
0xa7: {  	s28 =	simm.s32 $_size_execute0_lowered;
	s2 =	sadd.s32 s2, s4;
	[dreg:$0x0] =	wrdreg $0x0  }
0xa8: {  	s4 =	sshll.u32 s28, $0x1;
	[dreg:$0x2] =	wrdreg s2  }
0xa9: {  	[dreg:$0x3] =	wrdreg s4  }
0xaa: {  	[dreg:$0x4] =	wrdreg $0xC0  }
0xab: {  	_ =	task [dreg:s6], $0x5FFFF  }
0xac: {  	[dreg:$0x1] =	wrdreg $0xFFFFFFFF  }
0xad: {  	[dreg:$0x0] =	wrdreg $0x60  }
0xae: {  	[dreg:$0x2] =	wrdreg s24  }
0xaf: {  	[dreg:$0x3] =	wrdreg $0xA8000  }
0xb0: {  	[dreg:$0x4] =	wrdreg $0x9  }
0xb1: {  	_ =	task.clear_ibuf [dreg:s6], $0x5FFFF;
	_ =	strace $0x9000004F  }
0xb2: {  	s29 =	simm.s32 $0x9;
	_ =	strace $0x80000051  }
0xb3: {  	_ =	swait.ge [sflag:s29], $0x1  }
0xb4: {  	[sflag:s29] =	ssyncadd.s32 $0xFFFFFFFF  }
0xb5: {  	_ =	strace $0x90000051  }
0xb6: {  	_ =	sfence  }
0xb7: {  	s30 =	sld [smem:$0x0];
	_ =	sdelay $0x2  }
0xb8: {  	s31 =	sshll.u32 s1, $0xD;
	s1 =	sshrl.u32 s1, $0x2  }
0xb9: {  	s3 =	sand.u32 $0x4000, s31;
	s1 =	sadd.s32 s1, s30  }
0xba: {  	s0 =	sor.u32 s3, s0;
	s1 =	sshll.u32 s1, $0x11  }
0xbb: {  	s0 =	sor.u32 s1, s0  }
0xbc: {  	s0 =	sadd.s32 $0x8F2B, s0  }
0xbd: {  	[sflag:s0] =	ssyncadd.remote.s32 $0x1  }
0xbe: {  	_ =	sfence.sel $0xFFFF  }
0xbf: {  	[dreg:$0x0] =	wrdreg $0xFFFFFFFF;
	(pc) =	sbr.abs _section_cstart, $3  }
0xc0: {  	[dreg:$0x1] =	wrdreg $0xFFFFFFFF  }
0xc1: {  	_ =	task.clear_ibuf [dreg:s6], $0x2FFFF;
	_ =	strace $0x9FFFFFFF  }
0xc2: {  	(tm) =	ssettm $0x7FFFFFFF  }
0xc3: {  	_ =	shalt  }
tec
execute0_lowered:
.L_overlay_start_1:
0x0: {  	(tag) =	ssettag $0x1  }
0x1: {  	s0 =	rddreg [dreg:$0x0]  }
0x2: {  	s2 =	rddreg [dreg:$0x1];
	s3 =	simm.s32 $0x0;
	s12 =	stileid.u32  }
0x3: {  	s1 =	srdreg.scid;
	s14 =	simm.s32 $0x5;
	s15 =	simm.s32 $0x1400  }
0x4: {  	s16 =	simm.s32 $0x80;
	s17 =	simm.s32 $0x2800;
	s18 =	simm.s32 $0x6800  }
0x5: {  	s19 =	simm.s32 $0x1;
	s20 =	simm.s32 $0x2;
	s21 =	simm.s32 $0x3  }
0x6: {  	s22 =	simm.s32 $0x4;
	s23 =	simm.s32 $0x2600;
	s28 =	simm.s32 $0x2700  }
0x7: {  	s29 =	simm.s32 $0x0;
	[smem:$0x7FF] =	sst s3;
	s5 =	smul.u32 $0x13C00, s12  }
0x8: {  	s1 =	sand.u32 $0x1, s1;
	s4 =	sadd.s32 $0x35C00, s0;
	s9 =	sadd.s32 $0x85400, s0  }
0x9: {  	s10 =	sadd.s32 $0x4400, s0;
	s8 =	smul.u32 $0x4F000, s12;
	s26 =	sshll.u32 s12, $0x6  }
0xa: {  	s6 =	smul.u32 $0x13C000, s1;
	s24 =	sshll.u32 s1, $0x4;
	s1 =	ssub.s32 $0x2, s1  }
0xb: {  	_ =	strace $0x80000050;
	s7 =	sshrl.u32 s5, $0x3;
	s11 =	sshrl.u32 s1, $0x1  }
0xc: {  	s25 =	sshrl.u32 s8, $0x2;
	s7 =	sadd.s32 s7, s0;
	s5 =	sadd.s32 s5, s6  }
0xd: {  	s6 =	sor.u32 s12, s24;
	s1 =	ssub.s32 s1, s11;
	s13 =	sadd.s32 s25, s2  }
0xe: {  	s24 =	simm.s32 $0x2680;
	s25 =	simm.s32 $0x1300;
	s5 =	sshrl.u32 s5, $0x3  }
0xf: {  	s6 =	smul.u32 $0x2800, s6;
	s12 =	smax.u32 s1, $0x1;
	s13 =	sshrl.u32 s13, $0x3  }
0x10: {  	s1 =	simm.s32 $0x1280;
	s0 =	sadd.s32 s5, s0;
	s5 =	sadd.s32 $0xE400, s7  }
0x11: {  	s30 =	sshrl.u32 s6, $0x3;
	s6 =	sor.u32 $0x1C05, s26;
	s11 =	sadd.s32 $0x8F400, s0  }
0x12: {  	s26 =	simm.s32 $0x1380;
	s31 =	sadd.s32 $0x280, s30;
	s7 =	sadd.s32 s9, s30  }
0x13: {  	s8 =	sadd.s32 s10, s30;
	s9 =	sadd.s32 s9, s31;
	s10 =	sadd.s32 s10, s31  }
.LBB2_1:
0x14: {  	[spmem:s13], [sflag:s6] =	dma.local [hbm:s5], $0x2780  }
0x15: {  	_ =	swait.ge [sflag:s14], $0x2780  }
0x16: {  	[sflag:s14] =	ssyncset.done $0x0  }
0x17: {  	[sflag:s14] =	ssyncadd.s32 $0xFFFFD880  }
0x18: {  	[bflag:$0x0] =	sbarrier.arrive $0xFFFF  }
0x19: {  	[tilespmem:s3], [sflag:$0x5] =	stream.linear.gather [hbm4b:s7+s3], $0x1400, $0x38;
	[tilespmem:$0x1E400] =	vst v63  }
0x1a: {  	_ =	swait.ge [sflag:s14], $0x1400  }
0x1b: {  	[sflag:s14] =	ssyncset.done $0x0  }
0x1c: {  	[sflag:s14] =	ssyncadd.s32 $0xFFFFEC00  }
0x1d: {  	[tilespmem:s15], [sflag:$0x5] =	stream.linear.gather [hbm4b:s8+s3], $0x1400, $0x38;
	[tilespmem:$0x1E400] =	vst v63  }
0x1e: {  	_ =	swait.ge [sflag:s14], $0x1400  }
0x1f: {  	[sflag:s14] =	ssyncset.done $0x0  }
0x20: {  	[sflag:s14] =	ssyncadd.s32 $0xFFFFEC00  }
0x21: {  	[tilespmem:s17], [sflag:$0x1] =	stream.indirect.gather [hbm4b:s4+s16], $0x80, s3, s16, $0xb8;
	[tilespmem:$0x1E400] =	vst v63  }
0x22: {  	_ = 	snop  }
0x23: {  	[tilespmem:s18], [sflag:$0x2] =	stream.indirect.gather [hbm4b:s4+s16], $0x80, s16, s16, $0xb8;
	[tilespmem:$0x1E400] =	vst v63  }
0x24: {  	_ =	swait.ge [sflag:s19], $0x4000  }
0x25: {  	[sflag:s19] =	ssyncset.done $0x0  }
0x26: {  	s30 =	simm.s32 $0x1400;
	[sflag:s19] =	ssyncadd.s32 $0xFFFFC000  }
0x27: {  	[spmem:s2] =	stream.indirect.scatter.add.f32 [tilespmem:s17], [sflag:$0x3], $0x80, s30, s16, $0xb8;
	[tilespmem:$0x1E400] =	vst v63  }
0x28: {  	_ =	swait.ge [sflag:s20], $0x4000  }
0x29: {  	[sflag:s20] =	ssyncset.done $0x0  }
0x2a: {  	s30 =	simm.s32 $0x1480;
	[sflag:s20] =	ssyncadd.s32 $0xFFFFC000  }
0x2b: {  	[spmem:s2] =	stream.indirect.scatter.add.f32 [tilespmem:s18], [sflag:$0x4], $0x80, s30, s16, $0xb8;
	[tilespmem:$0x1E400] =	vst v63  }
0x2c: {  	_ =	swait.ge [sflag:s21], $0x4000  }
0x2d: {  	[sflag:s21] =	ssyncset.done $0x0  }
0x2e: {  	s30 =	simm.s32 $0x100;
	[sflag:s21] =	ssyncadd.s32 $0xFFFFC000  }
0x2f: {  	[tilespmem:s17], [sflag:$0x1] =	stream.indirect.gather [hbm4b:s4+s16], $0x80, s30, s16, $0xb8;
	[tilespmem:$0x1E400] =	vst v63  }
0x30: {  	_ =	swait.ge [sflag:s22], $0x4000  }
0x31: {  	[sflag:s22] =	ssyncset.done $0x0  }
0x32: {  	s31 =	simm.s32 $0x180;
	s30 =	simm.s32 $0x400;
	[sflag:s22] =	ssyncadd.s32 $0xFFFFC000  }
.LBB2_2:
0x33: {  	[tilespmem:s18], [sflag:$0x2] =	stream.indirect.gather [hbm4b:s4+s16], $0x80, s31, s16, $0xb8;
	[tilespmem:$0x1E400] =	vst v63  }
0x34: {  	s31 =	smov.u32 s30  }
0x35: {  	p0 =	sne.s32 s30, $0x4400;
	s30 =	sadd.s32 $0x400, s30;
	_ =	swait.ge [sflag:s19], $0x4000  }
0x36: {  	s31 =	sshra.s32 s31, $0x2;
	[sflag:s19] =	ssyncset.done $0x0  }
0x37: {  	s0 =	sadd.s32 $0x1400, s31;
	[sflag:s19] =	ssyncadd.s32 $0xFFFFC000  }
0x38: {  	[spmem:s2] =	stream.indirect.scatter.add.f32 [tilespmem:s17], [sflag:$0x3], $0x80, s0, s16, $0xb8;
	[tilespmem:$0x1E400] =	vst v63  }
0x39: {  	_ =	swait.ge [sflag:s20], $0x4000  }
0x3a: {  	[sflag:s20] =	ssyncset.done $0x0  }
0x3b: {  	s0 =	sadd.s32 $0x1480, s31;
	[sflag:s20] =	ssyncadd.s32 $0xFFFFC000  }
0x3c: {  	[spmem:s2] =	stream.indirect.scatter.add.f32 [tilespmem:s18], [sflag:$0x4], $0x80, s0, s16, $0xb8;
	[tilespmem:$0x1E400] =	vst v63  }
0x3d: {  	_ =	swait.ge [sflag:s21], $0x4000  }
0x3e: {  	[sflag:s21] =	ssyncset.done $0x0  }
.Ltmp0:
0x3f: {  	s0 =	sadd.s32 $0x100, s31;
	[sflag:s21] =	ssyncadd.s32 $0xFFFFC000;
	(pc) =	sbr.rel @p0 .LBB2_2-.Ltmp0, $4  }
0x40: {  	[tilespmem:s17], [sflag:$0x1] =	stream.indirect.gather [hbm4b:s4+s16], $0x80, s0, s16, $0xb8;
	[tilespmem:$0x1E400] =	vst v63  }
0x41: {  	_ =	swait.ge [sflag:s22], $0x4000  }
0x42: {  	[sflag:s22] =	ssyncset.done $0x0  }
0x43: {  	s31 =	sadd.s32 $0x180, s31;
	[sflag:s22] =	ssyncadd.s32 $0xFFFFC000  }
0x44: {  	[tilespmem:s18], [sflag:$0x2] =	stream.indirect.gather [hbm4b:s4+s16], $0x80, s31, s16, $0xb8;
	[tilespmem:$0x1E400] =	vst v63  }
0x45: {  	_ =	swait.ge [sflag:s19], $0x4000  }
0x46: {  	[sflag:s19] =	ssyncset.done $0x0  }
0x47: {  	[sflag:s19] =	ssyncadd.s32 $0xFFFFC000  }
0x48: {  	[spmem:s2] =	stream.indirect.scatter.add.f32 [tilespmem:s17], [sflag:$0x3], $0x80, s23, s16, $0xb8;
	[tilespmem:$0x1E400] =	vst v63  }
0x49: {  	_ =	swait.ge [sflag:s20], $0x4000  }
0x4a: {  	[sflag:s20] =	ssyncset.done $0x0  }
0x4b: {  	[sflag:s20] =	ssyncadd.s32 $0xFFFFC000  }
0x4c: {  	[spmem:s2] =	stream.indirect.scatter.add.f32 [tilespmem:s18], [sflag:$0x4], $0x80, s24, s16, $0xb8;
	[tilespmem:$0x1E400] =	vst v63  }
0x4d: {  	_ =	swait.ge [sflag:s21], $0x4000  }
0x4e: {  	[sflag:s21] =	ssyncset.done $0x0  }
0x4f: {  	[sflag:s21] =	ssyncadd.s32 $0xFFFFC000  }
0x50: {  	[tilespmem:s17], [sflag:$0x1] =	stream.indirect.gather [hbm4b:s4+s16], $0x80, s25, s16, $0xb8;
	[tilespmem:$0x1E400] =	vst v63  }
0x51: {  	_ =	swait.ge [sflag:s22], $0x4000  }
0x52: {  	[sflag:s22] =	ssyncset.done $0x0  }
0x53: {  	[sflag:s22] =	ssyncadd.s32 $0xFFFFC000  }
0x54: {  	[tilespmem:s18], [sflag:$0x2] =	stream.indirect.gather [hbm4b:s4+s16], $0x80, s26, s16, $0xb8;
	[tilespmem:$0x1E400] =	vst v63  }
0x55: {  	_ =	swait.ge [sflag:s19], $0x4000  }
0x56: {  	[sflag:s19] =	ssyncset.done $0x0  }
0x57: {  	[sflag:s19] =	ssyncadd.s32 $0xFFFFC000  }
0x58: {  	[spmem:s2] =	stream.indirect.scatter.add.f32 [tilespmem:s17], [sflag:$0x3], $0x80, s28, s16, $0xb8;
	[tilespmem:$0x1E400] =	vst v63  }
0x59: {  	_ =	swait.ge [sflag:s20], $0x4000  }
0x5a: {  	[sflag:s20] =	ssyncset.done $0x0  }
0x5b: {  	s0 =	simm.s32 $0x2780;
	[sflag:s20] =	ssyncadd.s32 $0xFFFFC000  }
0x5c: {  	[spmem:s2] =	stream.indirect.scatter.add.f32 [tilespmem:s18], [sflag:$0x4], $0x80, s0, s16, $0xb8;
	[tilespmem:$0x1E400] =	vst v63  }
0x5d: {  	_ =	swait.ge [sflag:s21], $0x4000  }
0x5e: {  	[sflag:s21] =	ssyncset.done $0x0  }
0x5f: {  	[sflag:s21] =	ssyncadd.s32 $0xFFFFC000  }
0x60: {  	[tilespmem:s17], [sflag:$0x1] =	stream.indirect.gather [hbm4b:s4+s16], $0x80, s26, s16, $0xb8;
	[tilespmem:$0x1E400] =	vst v63  }
0x61: {  	_ =	swait.ge [sflag:s22], $0x4000  }
0x62: {  	[sflag:s22] =	ssyncset.done $0x0  }
0x63: {  	[sflag:s22] =	ssyncadd.s32 $0xFFFFC000  }
0x64: {  	[tilespmem:s18], [sflag:$0x2] =	stream.indirect.gather [hbm4b:s4+s16], $0x80, s26, s16, $0xb8;
	[tilespmem:$0x1E400] =	vst v63  }
0x65: {  	_ =	swait.ge [sflag:s19], $0x4000  }
0x66: {  	[sflag:s19] =	ssyncset.done $0x0  }
0x67: {  	[sflag:s19] =	ssyncadd.s32 $0xFFFFC000  }
0x68: {  	_ =	swait.ge [sflag:s20], $0x4000  }
0x69: {  	[sflag:s20] =	ssyncset.done $0x0  }
0x6a: {  	s0 =	simm.s32 $0x0;
	[sflag:s20] =	ssyncadd.s32 $0xFFFFC000  }
0x6b: {  	[tilespmem:s0], [sflag:$0x5] =	stream.linear.gather [hbm4b:s9+s0], $0x1380, $0x38;
	[tilespmem:$0x1E400] =	vst v63  }
0x6c: {  	_ =	swait.ge [sflag:s14], $0x1380  }
0x6d: {  	[sflag:s14] =	ssyncset.done $0x0  }
0x6e: {  	[sflag:s14] =	ssyncadd.s32 $0xFFFFEC80  }
0x6f: {  	[tilespmem:s15], [sflag:$0x5] =	stream.linear.gather [hbm4b:s10+s0], $0x1380, $0x38;
	[tilespmem:$0x1E400] =	vst v63  }
0x70: {  	_ =	swait.ge [sflag:s14], $0x1380  }
0x71: {  	[sflag:s14] =	ssyncset.done $0x0  }
0x72: {  	[sflag:s14] =	ssyncadd.s32 $0xFFFFEC80  }
0x73: {  	[tilespmem:s17], [sflag:$0x1] =	stream.indirect.gather [hbm4b:s4+s16], $0x80, s0, s16, $0xb8;
	[tilespmem:$0x1E400] =	vst v63  }
0x74: {  	_ = 	snop  }
0x75: {  	[tilespmem:s18], [sflag:$0x2] =	stream.indirect.gather [hbm4b:s4+s16], $0x80, s16, s16, $0xb8;
	[tilespmem:$0x1E400] =	vst v63  }
0x76: {  	_ =	swait.ge [sflag:s19], $0x4000  }
0x77: {  	[sflag:s19] =	ssyncset.done $0x0  }
0x78: {  	s0 =	simm.s32 $0x1400;
	[sflag:s19] =	ssyncadd.s32 $0xFFFFC000  }
0x79: {  	[spmem:s2] =	stream.indirect.scatter.add.f32 [tilespmem:s17], [sflag:$0x3], $0x80, s0, s16, $0xb8;
	[tilespmem:$0x1E400] =	vst v63  }
0x7a: {  	_ =	swait.ge [sflag:s20], $0x4000  }
0x7b: {  	[sflag:s20] =	ssyncset.done $0x0  }
0x7c: {  	s0 =	simm.s32 $0x1480;
	[sflag:s20] =	ssyncadd.s32 $0xFFFFC000  }
0x7d: {  	[spmem:s2] =	stream.indirect.scatter.add.f32 [tilespmem:s18], [sflag:$0x4], $0x80, s0, s16, $0xb8;
	[tilespmem:$0x1E400] =	vst v63  }
0x7e: {  	_ =	swait.ge [sflag:s21], $0x4000  }
0x7f: {  	[sflag:s21] =	ssyncset.done $0x0  }
0x80: {  	s0 =	simm.s32 $0x100;
	[sflag:s21] =	ssyncadd.s32 $0xFFFFC000  }
0x81: {  	[tilespmem:s17], [sflag:$0x1] =	stream.indirect.gather [hbm4b:s4+s16], $0x80, s0, s16, $0xb8;
	[tilespmem:$0x1E400] =	vst v63  }
0x82: {  	_ =	swait.ge [sflag:s22], $0x4000  }
0x83: {  	[sflag:s22] =	ssyncset.done $0x0  }
0x84: {  	s30 =	simm.s32 $0x400;
	s31 =	simm.s32 $0x180;
	[sflag:s22] =	ssyncadd.s32 $0xFFFFC000  }
.LBB2_4:
0x85: {  	[tilespmem:s18], [sflag:$0x2] =	stream.indirect.gather [hbm4b:s4+s16], $0x80, s31, s16, $0xb8;
	[tilespmem:$0x1E400] =	vst v63  }
0x86: {  	s0 =	smov.u32 s30  }
0x87: {  	p0 =	sne.s32 s30, $0x4000;
	s30 =	sadd.s32 $0x400, s30;
	_ =	swait.ge [sflag:s19], $0x4000  }
0x88: {  	s0 =	sshra.s32 s0, $0x2;
	[sflag:s19] =	ssyncset.done $0x0  }
0x89: {  	s31 =	sadd.s32 $0x1400, s0;
	[sflag:s19] =	ssyncadd.s32 $0xFFFFC000  }
0x8a: {  	[spmem:s2] =	stream.indirect.scatter.add.f32 [tilespmem:s17], [sflag:$0x3], $0x80, s31, s16, $0xb8;
	[tilespmem:$0x1E400] =	vst v63  }
0x8b: {  	_ =	swait.ge [sflag:s20], $0x4000  }
0x8c: {  	[sflag:s20] =	ssyncset.done $0x0  }
0x8d: {  	s31 =	sadd.s32 $0x1480, s0;
	[sflag:s20] =	ssyncadd.s32 $0xFFFFC000  }
0x8e: {  	[spmem:s2] =	stream.indirect.scatter.add.f32 [tilespmem:s18], [sflag:$0x4], $0x80, s31, s16, $0xb8;
	[tilespmem:$0x1E400] =	vst v63  }
0x8f: {  	_ =	swait.ge [sflag:s21], $0x4000  }
0x90: {  	[sflag:s21] =	ssyncset.done $0x0  }
.Ltmp1:
0x91: {  	s31 =	sadd.s32 $0x100, s0;
	[sflag:s21] =	ssyncadd.s32 $0xFFFFC000;
	(pc) =	sbr.rel @p0 .LBB2_4-.Ltmp1, $4  }
0x92: {  	[tilespmem:s17], [sflag:$0x1] =	stream.indirect.gather [hbm4b:s4+s16], $0x80, s31, s16, $0xb8;
	[tilespmem:$0x1E400] =	vst v63  }
0x93: {  	_ =	swait.ge [sflag:s22], $0x4000  }
0x94: {  	[sflag:s22] =	ssyncset.done $0x0  }
0x95: {  	s31 =	sadd.s32 $0x180, s0;
	[sflag:s22] =	ssyncadd.s32 $0xFFFFC000  }
0x96: {  	[tilespmem:s18], [sflag:$0x2] =	stream.indirect.gather [hbm4b:s4+s16], $0x80, s31, s16, $0xb8;
	[tilespmem:$0x1E400] =	vst v63  }
0x97: {  	_ =	swait.ge [sflag:s19], $0x4000  }
0x98: {  	[sflag:s19] =	ssyncset.done $0x0  }
0x99: {  	s0 =	simm.s32 $0x2500;
	[sflag:s19] =	ssyncadd.s32 $0xFFFFC000  }
0x9a: {  	[spmem:s2] =	stream.indirect.scatter.add.f32 [tilespmem:s17], [sflag:$0x3], $0x80, s0, s16, $0xb8;
	[tilespmem:$0x1E400] =	vst v63  }
0x9b: {  	_ =	swait.ge [sflag:s20], $0x4000  }
0x9c: {  	[sflag:s20] =	ssyncset.done $0x0  }
0x9d: {  	s30 =	simm.s32 $0x2580;
	[sflag:s20] =	ssyncadd.s32 $0xFFFFC000  }
0x9e: {  	[spmem:s2] =	stream.indirect.scatter.add.f32 [tilespmem:s18], [sflag:$0x4], $0x80, s30, s16, $0xb8;
	[tilespmem:$0x1E400] =	vst v63  }
0x9f: {  	_ =	swait.ge [sflag:s21], $0x4000  }
0xa0: {  	[sflag:s21] =	ssyncset.done $0x0  }
0xa1: {  	s31 =	simm.s32 $0x1200;
	[sflag:s21] =	ssyncadd.s32 $0xFFFFC000  }
0xa2: {  	[tilespmem:s17], [sflag:$0x1] =	stream.indirect.gather [hbm4b:s4+s16], $0x80, s31, s16, $0xb8;
	[tilespmem:$0x1E400] =	vst v63  }
0xa3: {  	_ =	swait.ge [sflag:s22], $0x4000  }
0xa4: {  	[sflag:s22] =	ssyncset.done $0x0  }
0xa5: {  	[sflag:s22] =	ssyncadd.s32 $0xFFFFC000  }
0xa6: {  	[tilespmem:s18], [sflag:$0x2] =	stream.indirect.gather [hbm4b:s4+s16], $0x80, s1, s16, $0xb8;
	[tilespmem:$0x1E400] =	vst v63  }
0xa7: {  	_ =	swait.ge [sflag:s19], $0x4000  }
0xa8: {  	[sflag:s19] =	ssyncset.done $0x0  }
0xa9: {  	[sflag:s19] =	ssyncadd.s32 $0xFFFFC000  }
0xaa: {  	[spmem:s2] =	stream.indirect.scatter.add.f32 [tilespmem:s17], [sflag:$0x3], $0x80, s23, s16, $0xb8;
	[tilespmem:$0x1E400] =	vst v63  }
0xab: {  	_ =	swait.ge [sflag:s20], $0x4000  }
0xac: {  	[sflag:s20] =	ssyncset.done $0x0  }
0xad: {  	[sflag:s20] =	ssyncadd.s32 $0xFFFFC000  }
0xae: {  	[spmem:s2] =	stream.indirect.scatter.add.f32 [tilespmem:s18], [sflag:$0x4], $0x80, s24, s16, $0xb8;
	[tilespmem:$0x1E400] =	vst v63  }
0xaf: {  	_ =	swait.ge [sflag:s21], $0x4000  }
0xb0: {  	[sflag:s21] =	ssyncset.done $0x0  }
0xb1: {  	[sflag:s21] =	ssyncadd.s32 $0xFFFFC000  }
0xb2: {  	[tilespmem:s17], [sflag:$0x1] =	stream.indirect.gather [hbm4b:s4+s16], $0x80, s1, s16, $0xb8;
	[tilespmem:$0x1E400] =	vst v63  }
0xb3: {  	_ =	swait.ge [sflag:s22], $0x4000  }
0xb4: {  	[sflag:s22] =	ssyncset.done $0x0  }
0xb5: {  	[sflag:s22] =	ssyncadd.s32 $0xFFFFC000  }
0xb6: {  	[tilespmem:s18], [sflag:$0x2] =	stream.indirect.gather [hbm4b:s4+s16], $0x80, s1, s16, $0xb8;
	[tilespmem:$0x1E400] =	vst v63  }
0xb7: {  	_ =	swait.ge [sflag:s19], $0x4000  }
0xb8: {  	[sflag:s19] =	ssyncset.done $0x0  }
0xb9: {  	[sflag:s19] =	ssyncadd.s32 $0xFFFFC000  }
0xba: {  	_ =	swait.ge [sflag:s20], $0x4000  }
0xbb: {  	[sflag:s20] =	ssyncset.done $0x0  }
0xbc: {  	[sflag:s20] =	ssyncadd.s32 $0xFFFFC000  }
0xbd: {  	[tilespmem:s17], [sflag:$0x1] =	stream.indirect.gather [hbm4b:s4+s16], $0x80, s25, s16, $0xb8;
	[tilespmem:$0x1E400] =	vst v63  }
0xbe: {  	_ =	swait.ge [sflag:s19], $0x4000  }
0xbf: {  	[sflag:s19] =	ssyncset.done $0x0  }
0xc0: {  	[sflag:s19] =	ssyncadd.s32 $0xFFFFC000  }
0xc1: {  	[spmem:s2] =	stream.indirect.scatter.add.f32 [tilespmem:s17], [sflag:$0x5], $0x80, s28, s16, $0xb8;
	[tilespmem:$0x1E400] =	vst v63  }
0xc2: {  	_ =	swait.ge [sflag:s14], $0x4000  }
0xc3: {  	s29 =	sadd.s32 $0x1, s29;
	[sflag:s14] =	ssyncset.done $0x0  }
0xc4: {  	p0 =	sne.s32 s29, s12;
	[sflag:s14] =	ssyncadd.s32 $0xFFFFC000  }
.Ltmp2:
0xc5: {  	[bflag:$0x0] =	sbarrier.arrive $0xFFFF;
	(pc) =	sbr.rel @p0 .LBB2_1-.Ltmp2, $4  }
0xc6: {  	[hbm:s11], [sflag:s6] =	dma.local [spmem:s13], $0x2780  }
0xc7: {  	_ =	swait.ge [sflag:s14], $0x2780  }
0xc8: {  	[sflag:s14] =	ssyncset.done $0x0  }
0xc9: {  	[sflag:s14] =	ssyncadd.s32 $0xFFFFD880  }
0xca: {  	_ =	sfence.sel $0x180000  }
0xcb: {  	[bflag:$0x0] =	sbarrier.arrive $0xFFFF  }
0xcc: {  	_ =	strace $0x90000050  }
0xcd: {  	s0 =	stileid.u32;
	[bflag:$0x2] =	sbarrier.arrive $0xFFFF  }
0xce: {  	p0 =	sne.s32 s0, $0x0;
	s0 =	rddreg [dreg:$0x2]  }
0xcf: {  	s0 =	sadd.s32 @!p0 $0x100000, s0  }
0xd0: {  	[sflag:s0] =	ssyncadd.tile.s32 @!p0 $0x1;
	_ =	shalt  }
.Lfunc_end2:
_tile_overlayer_lowered:
.L_overlay_start_2:
0xd1: {  	(tag) =	ssettag $0x2  }
0xd2: {  	s0 =	rddreg [dreg:$0x0];
	s2 =	stileid.u32  }
0xd3: {  	s1 =	rddreg [dreg:$0x1];
	p0 =	sne.s32 s2, $0x0  }
0xd4: {  	s3 =	rddreg [dreg:$0x2];
	[bflag:$0x3] =	sbarrier.arrive $0xFFFF;
	s2 =	simm.s32 @!p0 $0x1C05  }
0xd5: {  	[timem:s3], [sflag:s2] =	dma.local @!p0 [hbm:s0], s1  }
0xd6: {  	s0 =	simm.s32 @!p0 $0x5  }
0xd7: {  	_ =	swait.ge @!p0 [sflag:s0], s1  }
0xd8: {  	s1 =	ssub.s32 @!p0 $0x0, s1;
	[sflag:s0] =	ssyncset.done @!p0 $0x0  }
0xd9: {  	[sflag:s0] =	ssyncadd.s32 @!p0 s1  }
0xda: {  	[bflag:$0x3] =	sbarrier.arrive $0xFFFF  }
0xdb: {  	_ =	shalt  }

</sc_bundles>
